<compile_context>
chip_gen: v7x
topology: tpu7x:2x2x1
jax: 0.10.2.dev20260603
libtpu: 0.0.44.dev20260713+nightly
codegen_flags: <defaults>
</compile_context>

<pallas_src>
import jax
import jax.numpy as jnp
from jax import lax
from jax.experimental import pallas as pl
from jax.experimental.pallas import tpu as pltpu
from jax.experimental.pallas import tpu_sc as plsc

_B = 16384
_D = 128
_L = 16
_NC = 2
_NS = 16
_NW = _NC * _NS
_BPW = _B // _NW
_CH = 32
_NBUF = 8
_NCHUNK = _BPW // _CH


def _gmf_body(uidx_hbm, iidx_hbm, utab_hbm, itab_hbm, w_hbm, b_hbm, out_hbm,
              uidx_v, iidx_v, u_scr, i_scr, w_v, b_v, t_v, out_v,
              u_sem, i_sem, s_sem):
    wid = lax.axis_index("s") * _NC + lax.axis_index("c")
    base = wid * _BPW

    cp_ui = pltpu.make_async_copy(uidx_hbm.at[pl.ds(base, _BPW)], uidx_v,
                                  s_sem.at[0])
    cp_ii = pltpu.make_async_copy(iidx_hbm.at[pl.ds(base, _BPW)], iidx_v,
                                  s_sem.at[1])
    cp_w = pltpu.make_async_copy(w_hbm, w_v, s_sem.at[2])
    cp_b = pltpu.make_async_copy(b_hbm, b_v, s_sem.at[3])
    cp_ui.start()
    cp_ii.start()
    cp_w.start()
    cp_b.start()
    cp_ui.wait()
    cp_ii.wait()

    def fire(c):
        k = lax.rem(c, _NBUF)
        pltpu.make_async_copy(
            utab_hbm.at[uidx_v.at[pl.ds(c * _CH, _CH)]],
            u_scr.at[k], u_sem.at[k]).start()
        pltpu.make_async_copy(
            itab_hbm.at[iidx_v.at[pl.ds(c * _CH, _CH)]],
            i_scr.at[k], i_sem.at[k]).start()

    def drain(c):
        k = lax.rem(c, _NBUF)
        pltpu.make_async_copy(
            utab_hbm.at[uidx_v.at[pl.ds(c * _CH, _CH)]],
            u_scr.at[k], u_sem.at[k]).wait()
        pltpu.make_async_copy(
            itab_hbm.at[iidx_v.at[pl.ds(c * _CH, _CH)]],
            i_scr.at[k], i_sem.at[k]).wait()

    for p in range(_NBUF - 1):
        fire(p)
    cp_w.wait()
    cp_b.wait()

    lane16 = lax.iota(jnp.int32, _L) * _L
    b_vec = b_v[...]
    w_regs = [w_v[pl.ds(_L * j, _L)] for j in range(_D // _L)]

    def cbody(c, _):
        @pl.when(c + _NBUF - 1 < _NCHUNK)
        def _():
            fire(c + _NBUF - 1)

        drain(c)
        k = lax.rem(c, _NBUF)

        def gbody(g, _):
            for r in range(_L):
                acc = jnp.zeros((_L,), jnp.float32)
                row = g * _L + r
                for j in range(_D // _L):
                    acc = acc + (u_scr[k, row, pl.ds(_L * j, _L)]
                                 * i_scr[k, row, pl.ds(_L * j, _L)]
                                 * w_regs[j])
                t_v[pl.ds(r * _L, _L)] = acc

            parts = [plsc.load_gather(t_v, [lane16 + l]) for l in range(_L)]
            while len(parts) > 1:
                parts = [parts[m] + parts[m + 1]
                         for m in range(0, len(parts) - 1, 2)] + (
                             [parts[-1]] if len(parts) % 2 else [])
            out_v[pl.ds(c * _CH + g * _L, _L)] = parts[0] + b_vec
            return 0

        lax.fori_loop(0, _CH // _L, gbody, 0)
        return 0

    lax.fori_loop(0, _NCHUNK, cbody, 0)
    pltpu.sync_copy(out_v, out_hbm.at[pl.ds(base, _BPW)])


_gmf = pl.kernel(
    _gmf_body,
    out_type=jax.ShapeDtypeStruct((_B,), jnp.float32),
    mesh=plsc.VectorSubcoreMesh(core_axis_name="c", subcore_axis_name="s"),
    compiler_params=pltpu.CompilerParams(needs_layout_passes=False),
    scratch_types=[
        pltpu.VMEM((_BPW,), jnp.int32),
        pltpu.VMEM((_BPW,), jnp.int32),
        pltpu.VMEM((_NBUF, _CH, _D), jnp.float32),
        pltpu.VMEM((_NBUF, _CH, _D), jnp.float32),
        pltpu.VMEM((_D,), jnp.float32),
        pltpu.VMEM((_L,), jnp.float32),
        pltpu.VMEM((_L * _L,), jnp.float32),
        pltpu.VMEM((_BPW,), jnp.float32),
        pltpu.SemaphoreType.DMA((_NBUF,)),
        pltpu.SemaphoreType.DMA((_NBUF,)),
        pltpu.SemaphoreType.DMA((4,)),
    ],
)


def kernel(user_idx, item_idx, user_table, item_table, W, b):
    uidx = user_idx.astype(jnp.int32)
    iidx = item_idx.astype(jnp.int32)
    w_flat = W.astype(jnp.float32).reshape((_D,))
    b_vec = jnp.broadcast_to(b.astype(jnp.float32).reshape(()), (_L,))
    out = _gmf(uidx, iidx, user_table, item_table, w_flat, b_vec)
    return out.reshape(_B, 1)

# --- scband reference (transcript-rebuilt; emitter-appended) ---
"""Pipeline reference for scband-gmfmodel-9028021256220 (READ-ONLY COPY).

The authoritative reference and input builder live on the scoring server;
editing this copy changes nothing except your own understanding.
"""

import jax, jax.numpy as jnp
import numpy as np

N_USER = 1000000
N_ITEM = 1000000
DIM = 128
OUT_DIM = 1
BATCH = 16384

def setup_inputs(seed: int = 0) -> dict:
    key = jax.random.key(seed)
    k1, k2, k3, k4, k5, k6 = jax.random.split(key, 6)
    user_idx = jax.random.randint(k1, (BATCH,), 0, N_USER, dtype=jnp.int64 if jax.config.jax_enable_x64 else jnp.int32)
    item_idx = jax.random.randint(k2, (BATCH,), 0, N_ITEM, dtype=jnp.int64 if jax.config.jax_enable_x64 else jnp.int32)
    user_table = jax.random.normal(k3, (N_USER, DIM), dtype=jnp.float32)
    item_table = jax.random.normal(k4, (N_ITEM, DIM), dtype=jnp.float32)
    W = jax.random.normal(k5, (DIM, OUT_DIM), dtype=jnp.float32) * (1.0 / np.sqrt(DIM))
    b = jax.random.normal(k6, (OUT_DIM,), dtype=jnp.float32) * 0.01
    return {"user_idx": user_idx, "item_idx": item_idx, "user_table": user_table, "item_table": item_table, "W": W, "b": b}

def reference(user_idx, item_idx, user_table, item_table, W, b):
    user_embedding = jnp.take(user_table, user_idx, axis=0)
    item_embedding = jnp.take(item_table, item_idx, axis=0)
    element_product = user_embedding * item_embedding
    x = element_product @ W + b
    return x

if __name__ == "__main__":
    import jax
    _d = setup_inputs()
    print(jax.jit(kernel)(*tuple(_d.values())))

</pallas_src>

<mosaic_0001>
#map = affine_map<(d0, d1) -> (0)>
#map1 = affine_map<(d0, d1) -> (0, 0)>
module attributes {stable_mosaic.version = 14 : i64} {
  func.func @_gmf_body(%arg0: i32, %arg1: i32, %arg2: memref<16384xi32, #tpu.memory_space<hbm>>, %arg3: memref<16384xi32, #tpu.memory_space<hbm>>, %arg4: memref<1000000x128xf32, #tpu.memory_space<hbm>>, %arg5: memref<1000000x128xf32, #tpu.memory_space<hbm>>, %arg6: memref<128xf32, #tpu.memory_space<hbm>>, %arg7: memref<16xf32, #tpu.memory_space<hbm>>, %arg8: memref<16384xf32, #tpu.memory_space<hbm>>, %arg9: memref<512xi32, #tpu.memory_space<vmem>>, %arg10: memref<512xi32, #tpu.memory_space<vmem>>, %arg11: memref<8x32x128xf32, #tpu.memory_space<vmem>>, %arg12: memref<8x32x128xf32, #tpu.memory_space<vmem>>, %arg13: memref<128xf32, #tpu.memory_space<vmem>>, %arg14: memref<16xf32, #tpu.memory_space<vmem>>, %arg15: memref<256xf32, #tpu.memory_space<vmem>>, %arg16: memref<512xf32, #tpu.memory_space<vmem>>, %arg17: memref<8x!tpu.dma_semaphore, #tpu.memory_space<semaphore_mem>>, %arg18: memref<8x!tpu.dma_semaphore, #tpu.memory_space<semaphore_mem>>, %arg19: memref<4x!tpu.dma_semaphore, #tpu.memory_space<semaphore_mem>>) attributes {dimension_semantics = [#tpu.dimension_semantics<core_parallel>, #tpu.dimension_semantics<subcore_parallel>], iteration_bounds = array<i64: 2, 16>, scalar_prefetch = 0 : i64, scratch_operands = 11 : i64, tpu.core_type = #tpu.core_type<sc_vector_subcore>, window_params = [{transform_indices = #map}, {transform_indices = #map}, {transform_indices = #map1}, {transform_indices = #map1}, {transform_indices = #map}, {transform_indices = #map}, {transform_indices = #map}]} {
    %mul3A = arith.constant 2 : i32
    %mul3A_0 = arith.muli %arg1, %mul3A : i32
    %add3A = arith.addi %mul3A_0, %arg0 : i32
    %mul3A_1 = arith.constant 512 : i32
    %mul3A_2 = arith.muli %add3A, %mul3A_1 : i32
    %dma_start3A = arith.constant 0 : i32
    %dma_start3A_3 = tpu.memref_slice %arg2[%mul3A_2] : memref<16384xi32, #tpu.memory_space<hbm>> -> memref<512xi32, #tpu.memory_space<hbm>>
    %dma_start3A_4 = tpu.memref_slice %arg19[%dma_start3A] : memref<4x!tpu.dma_semaphore, #tpu.memory_space<semaphore_mem>> -> memref<1x!tpu.dma_semaphore, #tpu.memory_space<semaphore_mem>>
    %dma_start3A_5 = tpu.memref_squeeze %dma_start3A_4 : memref<1x!tpu.dma_semaphore, #tpu.memory_space<semaphore_mem>> -> memref<!tpu.dma_semaphore, #tpu.memory_space<semaphore_mem>>
    %dma_start3A_6 = tpu.memref_slice %arg2[%mul3A_2] : memref<16384xi32, #tpu.memory_space<hbm>> -> memref<512xi32, #tpu.memory_space<hbm>>
    tpu.enqueue_dma source(%dma_start3A_6 : memref<512xi32, #tpu.memory_space<hbm>>) target(%arg9 : memref<512xi32, #tpu.memory_space<vmem>>) target_semaphore(%dma_start3A_5 : memref<!tpu.dma_semaphore, #tpu.memory_space<semaphore_mem>>)
    %dma_start3A_7 = arith.constant 1 : i32
    %dma_start3A_8 = tpu.memref_slice %arg3[%mul3A_2] : memref<16384xi32, #tpu.memory_space<hbm>> -> memref<512xi32, #tpu.memory_space<hbm>>
    %dma_start3A_9 = tpu.memref_slice %arg19[%dma_start3A_7] : memref<4x!tpu.dma_semaphore, #tpu.memory_space<semaphore_mem>> -> memref<1x!tpu.dma_semaphore, #tpu.memory_space<semaphore_mem>>
    %dma_start3A_10 = tpu.memref_squeeze %dma_start3A_9 : memref<1x!tpu.dma_semaphore, #tpu.memory_space<semaphore_mem>> -> memref<!tpu.dma_semaphore, #tpu.memory_space<semaphore_mem>>
    %dma_start3A_11 = tpu.memref_slice %arg3[%mul3A_2] : memref<16384xi32, #tpu.memory_space<hbm>> -> memref<512xi32, #tpu.memory_space<hbm>>
    tpu.enqueue_dma source(%dma_start3A_11 : memref<512xi32, #tpu.memory_space<hbm>>) target(%arg10 : memref<512xi32, #tpu.memory_space<vmem>>) target_semaphore(%dma_start3A_10 : memref<!tpu.dma_semaphore, #tpu.memory_space<semaphore_mem>>)
    %dma_start3A_12 = arith.constant 2 : i32
    %dma_start3A_13 = tpu.memref_slice %arg19[%dma_start3A_12] : memref<4x!tpu.dma_semaphore, #tpu.memory_space<semaphore_mem>> -> memref<1x!tpu.dma_semaphore, #tpu.memory_space<semaphore_mem>>
    %dma_start3A_14 = tpu.memref_squeeze %dma_start3A_13 : memref<1x!tpu.dma_semaphore, #tpu.memory_space<semaphore_mem>> -> memref<!tpu.dma_semaphore, #tpu.memory_space<semaphore_mem>>
    tpu.enqueue_dma source(%arg6 : memref<128xf32, #tpu.memory_space<hbm>>) target(%arg13 : memref<128xf32, #tpu.memory_space<vmem>>) target_semaphore(%dma_start3A_14 : memref<!tpu.dma_semaphore, #tpu.memory_space<semaphore_mem>>)
    %dma_start3A_15 = arith.constant 3 : i32
    %dma_start3A_16 = tpu.memref_slice %arg19[%dma_start3A_15] : memref<4x!tpu.dma_semaphore, #tpu.memory_space<semaphore_mem>> -> memref<1x!tpu.dma_semaphore, #tpu.memory_space<semaphore_mem>>
    %dma_start3A_17 = tpu.memref_squeeze %dma_start3A_16 : memref<1x!tpu.dma_semaphore, #tpu.memory_space<semaphore_mem>> -> memref<!tpu.dma_semaphore, #tpu.memory_space<semaphore_mem>>
    tpu.enqueue_dma source(%arg7 : memref<16xf32, #tpu.memory_space<hbm>>) target(%arg14 : memref<16xf32, #tpu.memory_space<vmem>>) target_semaphore(%dma_start3A_17 : memref<!tpu.dma_semaphore, #tpu.memory_space<semaphore_mem>>)
    %dma_wait3A = arith.constant 0 : i32
    %dma_wait3A_18 = tpu.memref_slice %arg2[%mul3A_2] : memref<16384xi32, #tpu.memory_space<hbm>> -> memref<512xi32, #tpu.memory_space<hbm>>
    %dma_wait3A_19 = tpu.memref_slice %arg19[%dma_wait3A] : memref<4x!tpu.dma_semaphore, #tpu.memory_space<semaphore_mem>> -> memref<1x!tpu.dma_semaphore, #tpu.memory_space<semaphore_mem>>
    %dma_wait3A_20 = tpu.memref_squeeze %dma_wait3A_19 : memref<1x!tpu.dma_semaphore, #tpu.memory_space<semaphore_mem>> -> memref<!tpu.dma_semaphore, #tpu.memory_space<semaphore_mem>>
    %dma_wait3A_21 = tpu.memref_slice %arg2[%mul3A_2] : memref<16384xi32, #tpu.memory_space<hbm>> -> memref<512xi32, #tpu.memory_space<hbm>>
    tpu.wait_dma2 semaphore(%dma_wait3A_20 : memref<!tpu.dma_semaphore, #tpu.memory_space<semaphore_mem>>) src(%dma_wait3A_21 : memref<512xi32, #tpu.memory_space<hbm>>) dst(%arg9 : memref<512xi32, #tpu.memory_space<vmem>>)
    %dma_wait3A_22 = arith.constant 1 : i32
    %dma_wait3A_23 = tpu.memref_slice %arg3[%mul3A_2] : memref<16384xi32, #tpu.memory_space<hbm>> -> memref<512xi32, #tpu.memory_space<hbm>>
    %dma_wait3A_24 = tpu.memref_slice %arg19[%dma_wait3A_22] : memref<4x!tpu.dma_semaphore, #tpu.memory_space<semaphore_mem>> -> memref<1x!tpu.dma_semaphore, #tpu.memory_space<semaphore_mem>>
    %dma_wait3A_25 = tpu.memref_squeeze %dma_wait3A_24 : memref<1x!tpu.dma_semaphore, #tpu.memory_space<semaphore_mem>> -> memref<!tpu.dma_semaphore, #tpu.memory_space<semaphore_mem>>
    %dma_wait3A_26 = tpu.memref_slice %arg3[%mul3A_2] : memref<16384xi32, #tpu.memory_space<hbm>> -> memref<512xi32, #tpu.memory_space<hbm>>
    tpu.wait_dma2 semaphore(%dma_wait3A_25 : memref<!tpu.dma_semaphore, #tpu.memory_space<semaphore_mem>>) src(%dma_wait3A_26 : memref<512xi32, #tpu.memory_space<hbm>>) dst(%arg10 : memref<512xi32, #tpu.memory_space<vmem>>)
    %rem3A = arith.constant 0 : i32
    %rem3A_27 = arith.constant 8 : i32
    %rem3A_28 = arith.remsi %rem3A, %rem3A_27 : i32
    %dma_start3A_29 = arith.constant 0 : i32
    %dma_start3A_30 = arith.constant 0 : i32
    %dma_start3A_31 = tpu.memref_slice %arg11[%rem3A_28, %dma_start3A_29, %dma_start3A_30] : memref<8x32x128xf32, #tpu.memory_space<vmem>> -> memref<1x32x128xf32, #tpu.memory_space<vmem>>
    %dma_start3A_32 = tpu.memref_squeeze %dma_start3A_31 : memref<1x32x128xf32, #tpu.memory_space<vmem>> -> memref<32x128xf32, #tpu.memory_space<vmem>>
    %dma_start3A_33 = arith.constant 0 : i32
    %dma_start3A_34 = tpu.memref_slice %arg9[%dma_start3A_33] : memref<512xi32, #tpu.memory_space<vmem>> -> memref<32xi32, #tpu.memory_space<vmem>>
    %dma_start3A_35 = arith.constant 0 : i32
    %dma_start3A_36 = arith.constant 0 : i32
    %dma_start3A_37 = tpu.memref_slice %arg4[%dma_start3A_35, %dma_start3A_36] : memref<1000000x128xf32, #tpu.memory_space<hbm>> -> memref<1000000x128xf32, #tpu.memory_space<hbm>>
    %dma_start3A_38 = tpu.memref_slice %arg17[%rem3A_28] : memref<8x!tpu.dma_semaphore, #tpu.memory_space<semaphore_mem>> -> memref<1x!tpu.dma_semaphore, #tpu.memory_space<semaphore_mem>>
    %dma_start3A_39 = tpu.memref_squeeze %dma_start3A_38 : memref<1x!tpu.dma_semaphore, #tpu.memory_space<semaphore_mem>> -> memref<!tpu.dma_semaphore, #tpu.memory_space<semaphore_mem>>
    tpu.enqueue_indirect_dma source(%dma_start3A_37 : memref<1000000x128xf32, #tpu.memory_space<hbm>>) target(%dma_start3A_32 : memref<32x128xf32, #tpu.memory_space<vmem>>) offsets(%dma_start3A_34 : memref<32xi32, #tpu.memory_space<vmem>>) semaphore(%dma_start3A_39 : memref<!tpu.dma_semaphore, #tpu.memory_space<semaphore_mem>>)
    %dma_start3A_40 = arith.constant 0 : i32
    %dma_start3A_41 = arith.constant 0 : i32
    %dma_start3A_42 = tpu.memref_slice %arg12[%rem3A_28, %dma_start3A_40, %dma_start3A_41] : memref<8x32x128xf32, #tpu.memory_space<vmem>> -> memref<1x32x128xf32, #tpu.memory_space<vmem>>
    %dma_start3A_43 = tpu.memref_squeeze %dma_start3A_42 : memref<1x32x128xf32, #tpu.memory_space<vmem>> -> memref<32x128xf32, #tpu.memory_space<vmem>>
    %dma_start3A_44 = arith.constant 0 : i32
    %dma_start3A_45 = tpu.memref_slice %arg10[%dma_start3A_44] : memref<512xi32, #tpu.memory_space<vmem>> -> memref<32xi32, #tpu.memory_space<vmem>>
    %dma_start3A_46 = arith.constant 0 : i32
    %dma_start3A_47 = arith.constant 0 : i32
    %dma_start3A_48 = tpu.memref_slice %arg5[%dma_start3A_46, %dma_start3A_47] : memref<1000000x128xf32, #tpu.memory_space<hbm>> -> memref<1000000x128xf32, #tpu.memory_space<hbm>>
    %dma_start3A_49 = tpu.memref_slice %arg18[%rem3A_28] : memref<8x!tpu.dma_semaphore, #tpu.memory_space<semaphore_mem>> -> memref<1x!tpu.dma_semaphore, #tpu.memory_space<semaphore_mem>>
    %dma_start3A_50 = tpu.memref_squeeze %dma_start3A_49 : memref<1x!tpu.dma_semaphore, #tpu.memory_space<semaphore_mem>> -> memref<!tpu.dma_semaphore, #tpu.memory_space<semaphore_mem>>
    tpu.enqueue_indirect_dma source(%dma_start3A_48 : memref<1000000x128xf32, #tpu.memory_space<hbm>>) target(%dma_start3A_43 : memref<32x128xf32, #tpu.memory_space<vmem>>) offsets(%dma_start3A_45 : memref<32xi32, #tpu.memory_space<vmem>>) semaphore(%dma_start3A_50 : memref<!tpu.dma_semaphore, #tpu.memory_space<semaphore_mem>>)
    %rem3A_51 = arith.constant 1 : i32
    %rem3A_52 = arith.constant 8 : i32
    %rem3A_53 = arith.remsi %rem3A_51, %rem3A_52 : i32
    %dma_start3A_54 = arith.constant 0 : i32
    %dma_start3A_55 = arith.constant 0 : i32
    %dma_start3A_56 = tpu.memref_slice %arg11[%rem3A_53, %dma_start3A_54, %dma_start3A_55] : memref<8x32x128xf32, #tpu.memory_space<vmem>> -> memref<1x32x128xf32, #tpu.memory_space<vmem>>
    %dma_start3A_57 = tpu.memref_squeeze %dma_start3A_56 : memref<1x32x128xf32, #tpu.memory_space<vmem>> -> memref<32x128xf32, #tpu.memory_space<vmem>>
    %dma_start3A_58 = arith.constant 32 : i32
    %dma_start3A_59 = tpu.memref_slice %arg9[%dma_start3A_58] : memref<512xi32, #tpu.memory_space<vmem>> -> memref<32xi32, #tpu.memory_space<vmem>>
    %dma_start3A_60 = arith.constant 0 : i32
    %dma_start3A_61 = arith.constant 0 : i32
    %dma_start3A_62 = tpu.memref_slice %arg4[%dma_start3A_60, %dma_start3A_61] : memref<1000000x128xf32, #tpu.memory_space<hbm>> -> memref<1000000x128xf32, #tpu.memory_space<hbm>>
    %dma_start3A_63 = tpu.memref_slice %arg17[%rem3A_53] : memref<8x!tpu.dma_semaphore, #tpu.memory_space<semaphore_mem>> -> memref<1x!tpu.dma_semaphore, #tpu.memory_space<semaphore_mem>>
    %dma_start3A_64 = tpu.memref_squeeze %dma_start3A_63 : memref<1x!tpu.dma_semaphore, #tpu.memory_space<semaphore_mem>> -> memref<!tpu.dma_semaphore, #tpu.memory_space<semaphore_mem>>
    tpu.enqueue_indirect_dma source(%dma_start3A_62 : memref<1000000x128xf32, #tpu.memory_space<hbm>>) target(%dma_start3A_57 : memref<32x128xf32, #tpu.memory_space<vmem>>) offsets(%dma_start3A_59 : memref<32xi32, #tpu.memory_space<vmem>>) semaphore(%dma_start3A_64 : memref<!tpu.dma_semaphore, #tpu.memory_space<semaphore_mem>>)
    %dma_start3A_65 = arith.constant 0 : i32
    %dma_start3A_66 = arith.constant 0 : i32
    %dma_start3A_67 = tpu.memref_slice %arg12[%rem3A_53, %dma_start3A_65, %dma_start3A_66] : memref<8x32x128xf32, #tpu.memory_space<vmem>> -> memref<1x32x128xf32, #tpu.memory_space<vmem>>
    %dma_start3A_68 = tpu.memref_squeeze %dma_start3A_67 : memref<1x32x128xf32, #tpu.memory_space<vmem>> -> memref<32x128xf32, #tpu.memory_space<vmem>>
    %dma_start3A_69 = arith.constant 32 : i32
    %dma_start3A_70 = tpu.memref_slice %arg10[%dma_start3A_69] : memref<512xi32, #tpu.memory_space<vmem>> -> memref<32xi32, #tpu.memory_space<vmem>>
    %dma_start3A_71 = arith.constant 0 : i32
    %dma_start3A_72 = arith.constant 0 : i32
    %dma_start3A_73 = tpu.memref_slice %arg5[%dma_start3A_71, %dma_start3A_72] : memref<1000000x128xf32, #tpu.memory_space<hbm>> -> memref<1000000x128xf32, #tpu.memory_space<hbm>>
    %dma_start3A_74 = tpu.memref_slice %arg18[%rem3A_53] : memref<8x!tpu.dma_semaphore, #tpu.memory_space<semaphore_mem>> -> memref<1x!tpu.dma_semaphore, #tpu.memory_space<semaphore_mem>>
    %dma_start3A_75 = tpu.memref_squeeze %dma_start3A_74 : memref<1x!tpu.dma_semaphore, #tpu.memory_space<semaphore_mem>> -> memref<!tpu.dma_semaphore, #tpu.memory_space<semaphore_mem>>
    tpu.enqueue_indirect_dma source(%dma_start3A_73 : memref<1000000x128xf32, #tpu.memory_space<hbm>>) target(%dma_start3A_68 : memref<32x128xf32, #tpu.memory_space<vmem>>) offsets(%dma_start3A_70 : memref<32xi32, #tpu.memory_space<vmem>>) semaphore(%dma_start3A_75 : memref<!tpu.dma_semaphore, #tpu.memory_space<semaphore_mem>>)
    %rem3A_76 = arith.constant 2 : i32
    %rem3A_77 = arith.constant 8 : i32
    %rem3A_78 = arith.remsi %rem3A_76, %rem3A_77 : i32
    %dma_start3A_79 = arith.constant 0 : i32
    %dma_start3A_80 = arith.constant 0 : i32
    %dma_start3A_81 = tpu.memref_slice %arg11[%rem3A_78, %dma_start3A_79, %dma_start3A_80] : memref<8x32x128xf32, #tpu.memory_space<vmem>> -> memref<1x32x128xf32, #tpu.memory_space<vmem>>
    %dma_start3A_82 = tpu.memref_squeeze %dma_start3A_81 : memref<1x32x128xf32, #tpu.memory_space<vmem>> -> memref<32x128xf32, #tpu.memory_space<vmem>>
    %dma_start3A_83 = arith.constant 64 : i32
    %dma_start3A_84 = tpu.memref_slice %arg9[%dma_start3A_83] : memref<512xi32, #tpu.memory_space<vmem>> -> memref<32xi32, #tpu.memory_space<vmem>>
    %dma_start3A_85 = arith.constant 0 : i32
    %dma_start3A_86 = arith.constant 0 : i32
    %dma_start3A_87 = tpu.memref_slice %arg4[%dma_start3A_85, %dma_start3A_86] : memref<1000000x128xf32, #tpu.memory_space<hbm>> -> memref<1000000x128xf32, #tpu.memory_space<hbm>>
    %dma_start3A_88 = tpu.memref_slice %arg17[%rem3A_78] : memref<8x!tpu.dma_semaphore, #tpu.memory_space<semaphore_mem>> -> memref<1x!tpu.dma_semaphore, #tpu.memory_space<semaphore_mem>>
    %dma_start3A_89 = tpu.memref_squeeze %dma_start3A_88 : memref<1x!tpu.dma_semaphore, #tpu.memory_space<semaphore_mem>> -> memref<!tpu.dma_semaphore, #tpu.memory_space<semaphore_mem>>
    tpu.enqueue_indirect_dma source(%dma_start3A_87 : memref<1000000x128xf32, #tpu.memory_space<hbm>>) target(%dma_start3A_82 : memref<32x128xf32, #tpu.memory_space<vmem>>) offsets(%dma_start3A_84 : memref<32xi32, #tpu.memory_space<vmem>>) semaphore(%dma_start3A_89 : memref<!tpu.dma_semaphore, #tpu.memory_space<semaphore_mem>>)
    %dma_start3A_90 = arith.constant 0 : i32
    %dma_start3A_91 = arith.constant 0 : i32
    %dma_start3A_92 = tpu.memref_slice %arg12[%rem3A_78, %dma_start3A_90, %dma_start3A_91] : memref<8x32x128xf32, #tpu.memory_space<vmem>> -> memref<1x32x128xf32, #tpu.memory_space<vmem>>
    %dma_start3A_93 = tpu.memref_squeeze %dma_start3A_92 : memref<1x32x128xf32, #tpu.memory_space<vmem>> -> memref<32x128xf32, #tpu.memory_space<vmem>>
    %dma_start3A_94 = arith.constant 64 : i32
    %dma_start3A_95 = tpu.memref_slice %arg10[%dma_start3A_94] : memref<512xi32, #tpu.memory_space<vmem>> -> memref<32xi32, #tpu.memory_space<vmem>>
    %dma_start3A_96 = arith.constant 0 : i32
    %dma_start3A_97 = arith.constant 0 : i32
    %dma_start3A_98 = tpu.memref_slice %arg5[%dma_start3A_96, %dma_start3A_97] : memref<1000000x128xf32, #tpu.memory_space<hbm>> -> memref<1000000x128xf32, #tpu.memory_space<hbm>>
    %dma_start3A_99 = tpu.memref_slice %arg18[%rem3A_78] : memref<8x!tpu.dma_semaphore, #tpu.memory_space<semaphore_mem>> -> memref<1x!tpu.dma_semaphore, #tpu.memory_space<semaphore_mem>>
    %dma_start3A_100 = tpu.memref_squeeze %dma_start3A_99 : memref<1x!tpu.dma_semaphore, #tpu.memory_space<semaphore_mem>> -> memref<!tpu.dma_semaphore, #tpu.memory_space<semaphore_mem>>
    tpu.enqueue_indirect_dma source(%dma_start3A_98 : memref<1000000x128xf32, #tpu.memory_space<hbm>>) target(%dma_start3A_93 : memref<32x128xf32, #tpu.memory_space<vmem>>) offsets(%dma_start3A_95 : memref<32xi32, #tpu.memory_space<vmem>>) semaphore(%dma_start3A_100 : memref<!tpu.dma_semaphore, #tpu.memory_space<semaphore_mem>>)
    %rem3A_101 = arith.constant 3 : i32
    %rem3A_102 = arith.constant 8 : i32
    %rem3A_103 = arith.remsi %rem3A_101, %rem3A_102 : i32
    %dma_start3A_104 = arith.constant 0 : i32
    %dma_start3A_105 = arith.constant 0 : i32
    %dma_start3A_106 = tpu.memref_slice %arg11[%rem3A_103, %dma_start3A_104, %dma_start3A_105] : memref<8x32x128xf32, #tpu.memory_space<vmem>> -> memref<1x32x128xf32, #tpu.memory_space<vmem>>
    %dma_start3A_107 = tpu.memref_squeeze %dma_start3A_106 : memref<1x32x128xf32, #tpu.memory_space<vmem>> -> memref<32x128xf32, #tpu.memory_space<vmem>>
    %dma_start3A_108 = arith.constant 96 : i32
    %dma_start3A_109 = tpu.memref_slice %arg9[%dma_start3A_108] : memref<512xi32, #tpu.memory_space<vmem>> -> memref<32xi32, #tpu.memory_space<vmem>>
    %dma_start3A_110 = arith.constant 0 : i32
    %dma_start3A_111 = arith.constant 0 : i32
    %dma_start3A_112 = tpu.memref_slice %arg4[%dma_start3A_110, %dma_start3A_111] : memref<1000000x128xf32, #tpu.memory_space<hbm>> -> memref<1000000x128xf32, #tpu.memory_space<hbm>>
    %dma_start3A_113 = tpu.memref_slice %arg17[%rem3A_103] : memref<8x!tpu.dma_semaphore, #tpu.memory_space<semaphore_mem>> -> memref<1x!tpu.dma_semaphore, #tpu.memory_space<semaphore_mem>>
    %dma_start3A_114 = tpu.memref_squeeze %dma_start3A_113 : memref<1x!tpu.dma_semaphore, #tpu.memory_space<semaphore_mem>> -> memref<!tpu.dma_semaphore, #tpu.memory_space<semaphore_mem>>
    tpu.enqueue_indirect_dma source(%dma_start3A_112 : memref<1000000x128xf32, #tpu.memory_space<hbm>>) target(%dma_start3A_107 : memref<32x128xf32, #tpu.memory_space<vmem>>) offsets(%dma_start3A_109 : memref<32xi32, #tpu.memory_space<vmem>>) semaphore(%dma_start3A_114 : memref<!tpu.dma_semaphore, #tpu.memory_space<semaphore_mem>>)
    %dma_start3A_115 = arith.constant 0 : i32
    %dma_start3A_116 = arith.constant 0 : i32
    %dma_start3A_117 = tpu.memref_slice %arg12[%rem3A_103, %dma_start3A_115, %dma_start3A_116] : memref<8x32x128xf32, #tpu.memory_space<vmem>> -> memref<1x32x128xf32, #tpu.memory_space<vmem>>
    %dma_start3A_118 = tpu.memref_squeeze %dma_start3A_117 : memref<1x32x128xf32, #tpu.memory_space<vmem>> -> memref<32x128xf32, #tpu.memory_space<vmem>>
    %dma_start3A_119 = arith.constant 96 : i32
    %dma_start3A_120 = tpu.memref_slice %arg10[%dma_start3A_119] : memref<512xi32, #tpu.memory_space<vmem>> -> memref<32xi32, #tpu.memory_space<vmem>>
    %dma_start3A_121 = arith.constant 0 : i32
    %dma_start3A_122 = arith.constant 0 : i32
    %dma_start3A_123 = tpu.memref_slice %arg5[%dma_start3A_121, %dma_start3A_122] : memref<1000000x128xf32, #tpu.memory_space<hbm>> -> memref<1000000x128xf32, #tpu.memory_space<hbm>>
    %dma_start3A_124 = tpu.memref_slice %arg18[%rem3A_103] : memref<8x!tpu.dma_semaphore, #tpu.memory_space<semaphore_mem>> -> memref<1x!tpu.dma_semaphore, #tpu.memory_space<semaphore_mem>>
    %dma_start3A_125 = tpu.memref_squeeze %dma_start3A_124 : memref<1x!tpu.dma_semaphore, #tpu.memory_space<semaphore_mem>> -> memref<!tpu.dma_semaphore, #tpu.memory_space<semaphore_mem>>
    tpu.enqueue_indirect_dma source(%dma_start3A_123 : memref<1000000x128xf32, #tpu.memory_space<hbm>>) target(%dma_start3A_118 : memref<32x128xf32, #tpu.memory_space<vmem>>) offsets(%dma_start3A_120 : memref<32xi32, #tpu.memory_space<vmem>>) semaphore(%dma_start3A_125 : memref<!tpu.dma_semaphore, #tpu.memory_space<semaphore_mem>>)
    %rem3A_126 = arith.constant 4 : i32
    %rem3A_127 = arith.constant 8 : i32
    %rem3A_128 = arith.remsi %rem3A_126, %rem3A_127 : i32
    %dma_start3A_129 = arith.constant 0 : i32
    %dma_start3A_130 = arith.constant 0 : i32
    %dma_start3A_131 = tpu.memref_slice %arg11[%rem3A_128, %dma_start3A_129, %dma_start3A_130] : memref<8x32x128xf32, #tpu.memory_space<vmem>> -> memref<1x32x128xf32, #tpu.memory_space<vmem>>
    %dma_start3A_132 = tpu.memref_squeeze %dma_start3A_131 : memref<1x32x128xf32, #tpu.memory_space<vmem>> -> memref<32x128xf32, #tpu.memory_space<vmem>>
    %dma_start3A_133 = arith.constant 128 : i32
    %dma_start3A_134 = tpu.memref_slice %arg9[%dma_start3A_133] : memref<512xi32, #tpu.memory_space<vmem>> -> memref<32xi32, #tpu.memory_space<vmem>>
    %dma_start3A_135 = arith.constant 0 : i32
    %dma_start3A_136 = arith.constant 0 : i32
    %dma_start3A_137 = tpu.memref_slice %arg4[%dma_start3A_135, %dma_start3A_136] : memref<1000000x128xf32, #tpu.memory_space<hbm>> -> memref<1000000x128xf32, #tpu.memory_space<hbm>>
    %dma_start3A_138 = tpu.memref_slice %arg17[%rem3A_128] : memref<8x!tpu.dma_semaphore, #tpu.memory_space<semaphore_mem>> -> memref<1x!tpu.dma_semaphore, #tpu.memory_space<semaphore_mem>>
    %dma_start3A_139 = tpu.memref_squeeze %dma_start3A_138 : memref<1x!tpu.dma_semaphore, #tpu.memory_space<semaphore_mem>> -> memref<!tpu.dma_semaphore, #tpu.memory_space<semaphore_mem>>
    tpu.enqueue_indirect_dma source(%dma_start3A_137 : memref<1000000x128xf32, #tpu.memory_space<hbm>>) target(%dma_start3A_132 : memref<32x128xf32, #tpu.memory_space<vmem>>) offsets(%dma_start3A_134 : memref<32xi32, #tpu.memory_space<vmem>>) semaphore(%dma_start3A_139 : memref<!tpu.dma_semaphore, #tpu.memory_space<semaphore_mem>>)
    %dma_start3A_140 = arith.constant 0 : i32
    %dma_start3A_141 = arith.constant 0 : i32
    %dma_start3A_142 = tpu.memref_slice %arg12[%rem3A_128, %dma_start3A_140, %dma_start3A_141] : memref<8x32x128xf32, #tpu.memory_space<vmem>> -> memref<1x32x128xf32, #tpu.memory_space<vmem>>
    %dma_start3A_143 = tpu.memref_squeeze %dma_start3A_142 : memref<1x32x128xf32, #tpu.memory_space<vmem>> -> memref<32x128xf32, #tpu.memory_space<vmem>>
    %dma_start3A_144 = arith.constant 128 : i32
    %dma_start3A_145 = tpu.memref_slice %arg10[%dma_start3A_144] : memref<512xi32, #tpu.memory_space<vmem>> -> memref<32xi32, #tpu.memory_space<vmem>>
    %dma_start3A_146 = arith.constant 0 : i32
    %dma_start3A_147 = arith.constant 0 : i32
    %dma_start3A_148 = tpu.memref_slice %arg5[%dma_start3A_146, %dma_start3A_147] : memref<1000000x128xf32, #tpu.memory_space<hbm>> -> memref<1000000x128xf32, #tpu.memory_space<hbm>>
    %dma_start3A_149 = tpu.memref_slice %arg18[%rem3A_128] : memref<8x!tpu.dma_semaphore, #tpu.memory_space<semaphore_mem>> -> memref<1x!tpu.dma_semaphore, #tpu.memory_space<semaphore_mem>>
    %dma_start3A_150 = tpu.memref_squeeze %dma_start3A_149 : memref<1x!tpu.dma_semaphore, #tpu.memory_space<semaphore_mem>> -> memref<!tpu.dma_semaphore, #tpu.memory_space<semaphore_mem>>
    tpu.enqueue_indirect_dma source(%dma_start3A_148 : memref<1000000x128xf32, #tpu.memory_space<hbm>>) target(%dma_start3A_143 : memref<32x128xf32, #tpu.memory_space<vmem>>) offsets(%dma_start3A_145 : memref<32xi32, #tpu.memory_space<vmem>>) semaphore(%dma_start3A_150 : memref<!tpu.dma_semaphore, #tpu.memory_space<semaphore_mem>>)
    %rem3A_151 = arith.constant 5 : i32
    %rem3A_152 = arith.constant 8 : i32
    %rem3A_153 = arith.remsi %rem3A_151, %rem3A_152 : i32
    %dma_start3A_154 = arith.constant 0 : i32
    %dma_start3A_155 = arith.constant 0 : i32
    %dma_start3A_156 = tpu.memref_slice %arg11[%rem3A_153, %dma_start3A_154, %dma_start3A_155] : memref<8x32x128xf32, #tpu.memory_space<vmem>> -> memref<1x32x128xf32, #tpu.memory_space<vmem>>
    %dma_start3A_157 = tpu.memref_squeeze %dma_start3A_156 : memref<1x32x128xf32, #tpu.memory_space<vmem>> -> memref<32x128xf32, #tpu.memory_space<vmem>>
    %dma_start3A_158 = arith.constant 160 : i32
    %dma_start3A_159 = tpu.memref_slice %arg9[%dma_start3A_158] : memref<512xi32, #tpu.memory_space<vmem>> -> memref<32xi32, #tpu.memory_space<vmem>>
    %dma_start3A_160 = arith.constant 0 : i32
    %dma_start3A_161 = arith.constant 0 : i32
    %dma_start3A_162 = tpu.memref_slice %arg4[%dma_start3A_160, %dma_start3A_161] : memref<1000000x128xf32, #tpu.memory_space<hbm>> -> memref<1000000x128xf32, #tpu.memory_space<hbm>>
    %dma_start3A_163 = tpu.memref_slice %arg17[%rem3A_153] : memref<8x!tpu.dma_semaphore, #tpu.memory_space<semaphore_mem>> -> memref<1x!tpu.dma_semaphore, #tpu.memory_space<semaphore_mem>>
    %dma_start3A_164 = tpu.memref_squeeze %dma_start3A_163 : memref<1x!tpu.dma_semaphore, #tpu.memory_space<semaphore_mem>> -> memref<!tpu.dma_semaphore, #tpu.memory_space<semaphore_mem>>
    tpu.enqueue_indirect_dma source(%dma_start3A_162 : memref<1000000x128xf32, #tpu.memory_space<hbm>>) target(%dma_start3A_157 : memref<32x128xf32, #tpu.memory_space<vmem>>) offsets(%dma_start3A_159 : memref<32xi32, #tpu.memory_space<vmem>>) semaphore(%dma_start3A_164 : memref<!tpu.dma_semaphore, #tpu.memory_space<semaphore_mem>>)
    %dma_start3A_165 = arith.constant 0 : i32
    %dma_start3A_166 = arith.constant 0 : i32
    %dma_start3A_167 = tpu.memref_slice %arg12[%rem3A_153, %dma_start3A_165, %dma_start3A_166] : memref<8x32x128xf32, #tpu.memory_space<vmem>> -> memref<1x32x128xf32, #tpu.memory_space<vmem>>
    %dma_start3A_168 = tpu.memref_squeeze %dma_start3A_167 : memref<1x32x128xf32, #tpu.memory_space<vmem>> -> memref<32x128xf32, #tpu.memory_space<vmem>>
    %dma_start3A_169 = arith.constant 160 : i32
    %dma_start3A_170 = tpu.memref_slice %arg10[%dma_start3A_169] : memref<512xi32, #tpu.memory_space<vmem>> -> memref<32xi32, #tpu.memory_space<vmem>>
    %dma_start3A_171 = arith.constant 0 : i32
    %dma_start3A_172 = arith.constant 0 : i32
    %dma_start3A_173 = tpu.memref_slice %arg5[%dma_start3A_171, %dma_start3A_172] : memref<1000000x128xf32, #tpu.memory_space<hbm>> -> memref<1000000x128xf32, #tpu.memory_space<hbm>>
    %dma_start3A_174 = tpu.memref_slice %arg18[%rem3A_153] : memref<8x!tpu.dma_semaphore, #tpu.memory_space<semaphore_mem>> -> memref<1x!tpu.dma_semaphore, #tpu.memory_space<semaphore_mem>>
    %dma_start3A_175 = tpu.memref_squeeze %dma_start3A_174 : memref<1x!tpu.dma_semaphore, #tpu.memory_space<semaphore_mem>> -> memref<!tpu.dma_semaphore, #tpu.memory_space<semaphore_mem>>
    tpu.enqueue_indirect_dma source(%dma_start3A_173 : memref<1000000x128xf32, #tpu.memory_space<hbm>>) target(%dma_start3A_168 : memref<32x128xf32, #tpu.memory_space<vmem>>) offsets(%dma_start3A_170 : memref<32xi32, #tpu.memory_space<vmem>>) semaphore(%dma_start3A_175 : memref<!tpu.dma_semaphore, #tpu.memory_space<semaphore_mem>>)
    %rem3A_176 = arith.constant 6 : i32
    %rem3A_177 = arith.constant 8 : i32
    %rem3A_178 = arith.remsi %rem3A_176, %rem3A_177 : i32
    %dma_start3A_179 = arith.constant 0 : i32
    %dma_start3A_180 = arith.constant 0 : i32
    %dma_start3A_181 = tpu.memref_slice %arg11[%rem3A_178, %dma_start3A_179, %dma_start3A_180] : memref<8x32x128xf32, #tpu.memory_space<vmem>> -> memref<1x32x128xf32, #tpu.memory_space<vmem>>
    %dma_start3A_182 = tpu.memref_squeeze %dma_start3A_181 : memref<1x32x128xf32, #tpu.memory_space<vmem>> -> memref<32x128xf32, #tpu.memory_space<vmem>>
    %dma_start3A_183 = arith.constant 192 : i32
    %dma_start3A_184 = tpu.memref_slice %arg9[%dma_start3A_183] : memref<512xi32, #tpu.memory_space<vmem>> -> memref<32xi32, #tpu.memory_space<vmem>>
    %dma_start3A_185 = arith.constant 0 : i32
    %dma_start3A_186 = arith.constant 0 : i32
    %dma_start3A_187 = tpu.memref_slice %arg4[%dma_start3A_185, %dma_start3A_186] : memref<1000000x128xf32, #tpu.memory_space<hbm>> -> memref<1000000x128xf32, #tpu.memory_space<hbm>>
    %dma_start3A_188 = tpu.memref_slice %arg17[%rem3A_178] : memref<8x!tpu.dma_semaphore, #tpu.memory_space<semaphore_mem>> -> memref<1x!tpu.dma_semaphore, #tpu.memory_space<semaphore_mem>>
    %dma_start3A_189 = tpu.memref_squeeze %dma_start3A_188 : memref<1x!tpu.dma_semaphore, #tpu.memory_space<semaphore_mem>> -> memref<!tpu.dma_semaphore, #tpu.memory_space<semaphore_mem>>
    tpu.enqueue_indirect_dma source(%dma_start3A_187 : memref<1000000x128xf32, #tpu.memory_space<hbm>>) target(%dma_start3A_182 : memref<32x128xf32, #tpu.memory_space<vmem>>) offsets(%dma_start3A_184 : memref<32xi32, #tpu.memory_space<vmem>>) semaphore(%dma_start3A_189 : memref<!tpu.dma_semaphore, #tpu.memory_space<semaphore_mem>>)
    %dma_start3A_190 = arith.constant 0 : i32
    %dma_start3A_191 = arith.constant 0 : i32
    %dma_start3A_192 = tpu.memref_slice %arg12[%rem3A_178, %dma_start3A_190, %dma_start3A_191] : memref<8x32x128xf32, #tpu.memory_space<vmem>> -> memref<1x32x128xf32, #tpu.memory_space<vmem>>
    %dma_start3A_193 = tpu.memref_squeeze %dma_start3A_192 : memref<1x32x128xf32, #tpu.memory_space<vmem>> -> memref<32x128xf32, #tpu.memory_space<vmem>>
    %dma_start3A_194 = arith.constant 192 : i32
    %dma_start3A_195 = tpu.memref_slice %arg10[%dma_start3A_194] : memref<512xi32, #tpu.memory_space<vmem>> -> memref<32xi32, #tpu.memory_space<vmem>>
    %dma_start3A_196 = arith.constant 0 : i32
    %dma_start3A_197 = arith.constant 0 : i32
    %dma_start3A_198 = tpu.memref_slice %arg5[%dma_start3A_196, %dma_start3A_197] : memref<1000000x128xf32, #tpu.memory_space<hbm>> -> memref<1000000x128xf32, #tpu.memory_space<hbm>>
    %dma_start3A_199 = tpu.memref_slice %arg18[%rem3A_178] : memref<8x!tpu.dma_semaphore, #tpu.memory_space<semaphore_mem>> -> memref<1x!tpu.dma_semaphore, #tpu.memory_space<semaphore_mem>>
    %dma_start3A_200 = tpu.memref_squeeze %dma_start3A_199 : memref<1x!tpu.dma_semaphore, #tpu.memory_space<semaphore_mem>> -> memref<!tpu.dma_semaphore, #tpu.memory_space<semaphore_mem>>
    tpu.enqueue_indirect_dma source(%dma_start3A_198 : memref<1000000x128xf32, #tpu.memory_space<hbm>>) target(%dma_start3A_193 : memref<32x128xf32, #tpu.memory_space<vmem>>) offsets(%dma_start3A_195 : memref<32xi32, #tpu.memory_space<vmem>>) semaphore(%dma_start3A_200 : memref<!tpu.dma_semaphore, #tpu.memory_space<semaphore_mem>>)
    %dma_wait3A_201 = arith.constant 2 : i32
    %dma_wait3A_202 = tpu.memref_slice %arg19[%dma_wait3A_201] : memref<4x!tpu.dma_semaphore, #tpu.memory_space<semaphore_mem>> -> memref<1x!tpu.dma_semaphore, #tpu.memory_space<semaphore_mem>>
    %dma_wait3A_203 = tpu.memref_squeeze %dma_wait3A_202 : memref<1x!tpu.dma_semaphore, #tpu.memory_space<semaphore_mem>> -> memref<!tpu.dma_semaphore, #tpu.memory_space<semaphore_mem>>
    tpu.wait_dma2 semaphore(%dma_wait3A_203 : memref<!tpu.dma_semaphore, #tpu.memory_space<semaphore_mem>>) src(%arg6 : memref<128xf32, #tpu.memory_space<hbm>>) dst(%arg13 : memref<128xf32, #tpu.memory_space<vmem>>)
    %dma_wait3A_204 = arith.constant 3 : i32
    %dma_wait3A_205 = tpu.memref_slice %arg19[%dma_wait3A_204] : memref<4x!tpu.dma_semaphore, #tpu.memory_space<semaphore_mem>> -> memref<1x!tpu.dma_semaphore, #tpu.memory_space<semaphore_mem>>
    %dma_wait3A_206 = tpu.memref_squeeze %dma_wait3A_205 : memref<1x!tpu.dma_semaphore, #tpu.memory_space<semaphore_mem>> -> memref<!tpu.dma_semaphore, #tpu.memory_space<semaphore_mem>>
    tpu.wait_dma2 semaphore(%dma_wait3A_206 : memref<!tpu.dma_semaphore, #tpu.memory_space<semaphore_mem>>) src(%arg7 : memref<16xf32, #tpu.memory_space<hbm>>) dst(%arg14 : memref<16xf32, #tpu.memory_space<vmem>>)
    %iota3A = tpu.iota {dimensions = array<i32: 0>} : vector<16xi32>
    %mul3A_207 = arith.constant 16 : i32
    %mul3A_208 = vector.broadcast %mul3A_207 : i32 to vector<16xi32>
    %mul3A_209 = arith.muli %iota3A, %mul3A_208 : vector<16xi32>
    %get3A = arith.constant 0 : index
    %get3A_210 = tpu.vector_load %arg14[%get3A] {strides = array<i32>} : memref<16xf32, #tpu.memory_space<vmem>>, vector<16xf32>,
    %get3A_211 = arith.constant 0 : index
    %get3A_212 = tpu.vector_load %arg13[%get3A_211] {strides = array<i32>} : memref<128xf32, #tpu.memory_space<vmem>>, vector<16xf32>,
    %get3A_213 = arith.constant 16 : index
    %get3A_214 = tpu.vector_load %arg13[%get3A_213] {strides = array<i32>} : memref<128xf32, #tpu.memory_space<vmem>>, vector<16xf32>,
    %get3A_215 = arith.constant 32 : index
    %get3A_216 = tpu.vector_load %arg13[%get3A_215] {strides = array<i32>} : memref<128xf32, #tpu.memory_space<vmem>>, vector<16xf32>,
    %get3A_217 = arith.constant 48 : index
    %get3A_218 = tpu.vector_load %arg13[%get3A_217] {strides = array<i32>} : memref<128xf32, #tpu.memory_space<vmem>>, vector<16xf32>,
    %get3A_219 = arith.constant 64 : index
    %get3A_220 = tpu.vector_load %arg13[%get3A_219] {strides = array<i32>} : memref<128xf32, #tpu.memory_space<vmem>>, vector<16xf32>,
    %get3A_221 = arith.constant 80 : index
    %get3A_222 = tpu.vector_load %arg13[%get3A_221] {strides = array<i32>} : memref<128xf32, #tpu.memory_space<vmem>>, vector<16xf32>,
    %get3A_223 = arith.constant 96 : index
    %get3A_224 = tpu.vector_load %arg13[%get3A_223] {strides = array<i32>} : memref<128xf32, #tpu.memory_space<vmem>>, vector<16xf32>,
    %get3A_225 = arith.constant 112 : index
    %get3A_226 = tpu.vector_load %arg13[%get3A_225] {strides = array<i32>} : memref<128xf32, #tpu.memory_space<vmem>>, vector<16xf32>,
    %scan3A = arith.constant 0 : i32
    %scan3A_227 = arith.constant 0 : i32
    %scan3A_228 = arith.constant 16 : i32
    %scan3A_229 = arith.addi %scan3A_227, %scan3A_228 : i32
    %scan3A_230 = arith.constant 1 : i32
    %scan3A_231 = scf.for %scan3A_233 = %scan3A_227 to %scan3A_229 step %scan3A_230 iter_args(%scan3A_234 = %scan3A) -> (i32)  : i32 {
      %add3A_235 = arith.constant 8 : i32
      %add3A_236 = arith.addi %scan3A_233, %add3A_235 : i32
      %sub3A = arith.constant 1 : i32
      %sub3A_237 = arith.subi %add3A_236, %sub3A : i32
      %lt3A = arith.constant 16 : i32
      %lt3A_238 = arith.cmpi slt, %sub3A_237, %lt3A : i32
      %convert_element_type3A = arith.extui %lt3A_238 : i1 to i32
      %cond3A = arith.constant 0 : i32
      %cond3A_239 = arith.cmpi ne, %convert_element_type3A, %cond3A : i32
      scf.if %cond3A_239 {
        %add3A_276 = arith.constant 8 : i32
        %add3A_277 = arith.addi %scan3A_233, %add3A_276 : i32
        %sub3A_278 = arith.constant 1 : i32
        %sub3A_279 = arith.subi %add3A_277, %sub3A_278 : i32
        %rem3A_280 = arith.constant 8 : i32
        %rem3A_281 = arith.remsi %sub3A_279, %rem3A_280 : i32
        %mul3A_282 = arith.constant 32 : i32
        %mul3A_283 = arith.muli %sub3A_279, %mul3A_282 : i32
        %dma_start3A_284 = arith.constant 0 : i32
        %dma_start3A_285 = arith.constant 0 : i32
        %dma_start3A_286 = tpu.memref_slice %arg11[%rem3A_281, %dma_start3A_284, %dma_start3A_285] : memref<8x32x128xf32, #tpu.memory_space<vmem>> -> memref<1x32x128xf32, #tpu.memory_space<vmem>>
        %dma_start3A_287 = tpu.memref_squeeze %dma_start3A_286 : memref<1x32x128xf32, #tpu.memory_space<vmem>> -> memref<32x128xf32, #tpu.memory_space<vmem>>
        %dma_start3A_288 = tpu.memref_slice %arg9[%mul3A_283] : memref<512xi32, #tpu.memory_space<vmem>> -> memref<32xi32, #tpu.memory_space<vmem>>
        %dma_start3A_289 = arith.constant 0 : i32
        %dma_start3A_290 = arith.constant 0 : i32
        %dma_start3A_291 = tpu.memref_slice %arg4[%dma_start3A_289, %dma_start3A_290] : memref<1000000x128xf32, #tpu.memory_space<hbm>> -> memref<1000000x128xf32, #tpu.memory_space<hbm>>
        %dma_start3A_292 = tpu.memref_slice %arg17[%rem3A_281] : memref<8x!tpu.dma_semaphore, #tpu.memory_space<semaphore_mem>> -> memref<1x!tpu.dma_semaphore, #tpu.memory_space<semaphore_mem>>
        %dma_start3A_293 = tpu.memref_squeeze %dma_start3A_292 : memref<1x!tpu.dma_semaphore, #tpu.memory_space<semaphore_mem>> -> memref<!tpu.dma_semaphore, #tpu.memory_space<semaphore_mem>>
        tpu.enqueue_indirect_dma source(%dma_start3A_291 : memref<1000000x128xf32, #tpu.memory_space<hbm>>) target(%dma_start3A_287 : memref<32x128xf32, #tpu.memory_space<vmem>>) offsets(%dma_start3A_288 : memref<32xi32, #tpu.memory_space<vmem>>) semaphore(%dma_start3A_293 : memref<!tpu.dma_semaphore, #tpu.memory_space<semaphore_mem>>)
        %mul3A_294 = arith.constant 32 : i32
        %mul3A_295 = arith.muli %sub3A_279, %mul3A_294 : i32
        %dma_start3A_296 = arith.constant 0 : i32
        %dma_start3A_297 = arith.constant 0 : i32
        %dma_start3A_298 = tpu.memref_slice %arg12[%rem3A_281, %dma_start3A_296, %dma_start3A_297] : memref<8x32x128xf32, #tpu.memory_space<vmem>> -> memref<1x32x128xf32, #tpu.memory_space<vmem>>
        %dma_start3A_299 = tpu.memref_squeeze %dma_start3A_298 : memref<1x32x128xf32, #tpu.memory_space<vmem>> -> memref<32x128xf32, #tpu.memory_space<vmem>>
        %dma_start3A_300 = tpu.memref_slice %arg10[%mul3A_295] : memref<512xi32, #tpu.memory_space<vmem>> -> memref<32xi32, #tpu.memory_space<vmem>>
        %dma_start3A_301 = arith.constant 0 : i32
        %dma_start3A_302 = arith.constant 0 : i32
        %dma_start3A_303 = tpu.memref_slice %arg5[%dma_start3A_301, %dma_start3A_302] : memref<1000000x128xf32, #tpu.memory_space<hbm>> -> memref<1000000x128xf32, #tpu.memory_space<hbm>>
        %dma_start3A_304 = tpu.memref_slice %arg18[%rem3A_281] : memref<8x!tpu.dma_semaphore, #tpu.memory_space<semaphore_mem>> -> memref<1x!tpu.dma_semaphore, #tpu.memory_space<semaphore_mem>>
        %dma_start3A_305 = tpu.memref_squeeze %dma_start3A_304 : memref<1x!tpu.dma_semaphore, #tpu.memory_space<semaphore_mem>> -> memref<!tpu.dma_semaphore, #tpu.memory_space<semaphore_mem>>
        tpu.enqueue_indirect_dma source(%dma_start3A_303 : memref<1000000x128xf32, #tpu.memory_space<hbm>>) target(%dma_start3A_299 : memref<32x128xf32, #tpu.memory_space<vmem>>) offsets(%dma_start3A_300 : memref<32xi32, #tpu.memory_space<vmem>>) semaphore(%dma_start3A_305 : memref<!tpu.dma_semaphore, #tpu.memory_space<semaphore_mem>>)
      } else {
      }
      %rem3A_240 = arith.constant 8 : i32
      %rem3A_241 = arith.remsi %scan3A_233, %rem3A_240 : i32
      %mul3A_242 = arith.constant 32 : i32
      %mul3A_243 = arith.muli %scan3A_233, %mul3A_242 : i32
      %dma_wait3A_244 = arith.constant 0 : i32
      %dma_wait3A_245 = arith.constant 0 : i32
      %dma_wait3A_246 = tpu.memref_slice %arg11[%rem3A_241, %dma_wait3A_244, %dma_wait3A_245] : memref<8x32x128xf32, #tpu.memory_space<vmem>> -> memref<1x32x128xf32, #tpu.memory_space<vmem>>
      %dma_wait3A_247 = tpu.memref_squeeze %dma_wait3A_246 : memref<1x32x128xf32, #tpu.memory_space<vmem>> -> memref<32x128xf32, #tpu.memory_space<vmem>>
      %dma_wait3A_248 = tpu.memref_slice %arg9[%mul3A_243] : memref<512xi32, #tpu.memory_space<vmem>> -> memref<32xi32, #tpu.memory_space<vmem>>
      %dma_wait3A_249 = arith.constant 0 : i32
      %dma_wait3A_250 = arith.constant 0 : i32
      %dma_wait3A_251 = tpu.memref_slice %arg4[%dma_wait3A_249, %dma_wait3A_250] : memref<1000000x128xf32, #tpu.memory_space<hbm>> -> memref<1000000x128xf32, #tpu.memory_space<hbm>>
      %dma_wait3A_252 = tpu.memref_slice %arg17[%rem3A_241] : memref<8x!tpu.dma_semaphore, #tpu.memory_space<semaphore_mem>> -> memref<1x!tpu.dma_semaphore, #tpu.memory_space<semaphore_mem>>
      %dma_wait3A_253 = tpu.memref_squeeze %dma_wait3A_252 : memref<1x!tpu.dma_semaphore, #tpu.memory_space<semaphore_mem>> -> memref<!tpu.dma_semaphore, #tpu.memory_space<semaphore_mem>>
      tpu.wait_indirect_dma semaphore(%dma_wait3A_253 : memref<!tpu.dma_semaphore, #tpu.memory_space<semaphore_mem>>) src(%dma_wait3A_251 : memref<1000000x128xf32, #tpu.memory_space<hbm>>) dst(%dma_wait3A_247 : memref<32x128xf32, #tpu.memory_space<vmem>>)
      %mul3A_254 = arith.constant 32 : i32
      %mul3A_255 = arith.muli %scan3A_233, %mul3A_254 : i32
      %dma_wait3A_256 = arith.constant 0 : i32
      %dma_wait3A_257 = arith.constant 0 : i32
      %dma_wait3A_258 = tpu.memref_slice %arg12[%rem3A_241, %dma_wait3A_256, %dma_wait3A_257] : memref<8x32x128xf32, #tpu.memory_space<vmem>> -> memref<1x32x128xf32, #tpu.memory_space<vmem>>
      %dma_wait3A_259 = tpu.memref_squeeze %dma_wait3A_258 : memref<1x32x128xf32, #tpu.memory_space<vmem>> -> memref<32x128xf32, #tpu.memory_space<vmem>>
      %dma_wait3A_260 = tpu.memref_slice %arg10[%mul3A_255] : memref<512xi32, #tpu.memory_space<vmem>> -> memref<32xi32, #tpu.memory_space<vmem>>
      %dma_wait3A_261 = arith.constant 0 : i32
      %dma_wait3A_262 = arith.constant 0 : i32
      %dma_wait3A_263 = tpu.memref_slice %arg5[%dma_wait3A_261, %dma_wait3A_262] : memref<1000000x128xf32, #tpu.memory_space<hbm>> -> memref<1000000x128xf32, #tpu.memory_space<hbm>>
      %dma_wait3A_264 = tpu.memref_slice %arg18[%rem3A_241] : memref<8x!tpu.dma_semaphore, #tpu.memory_space<semaphore_mem>> -> memref<1x!tpu.dma_semaphore, #tpu.memory_space<semaphore_mem>>
      %dma_wait3A_265 = tpu.memref_squeeze %dma_wait3A_264 : memref<1x!tpu.dma_semaphore, #tpu.memory_space<semaphore_mem>> -> memref<!tpu.dma_semaphore, #tpu.memory_space<semaphore_mem>>
      tpu.wait_indirect_dma semaphore(%dma_wait3A_265 : memref<!tpu.dma_semaphore, #tpu.memory_space<semaphore_mem>>) src(%dma_wait3A_263 : memref<1000000x128xf32, #tpu.memory_space<hbm>>) dst(%dma_wait3A_259 : memref<32x128xf32, #tpu.memory_space<vmem>>)
      %rem3A_266 = arith.constant 8 : i32
      %rem3A_267 = arith.remsi %scan3A_233, %rem3A_266 : i32
      %scan3A_268 = arith.constant 0 : i32
      %scan3A_269 = arith.constant 0 : i32
      %scan3A_270 = arith.constant 2 : i32
      %scan3A_271 = arith.addi %scan3A_269, %scan3A_270 : i32
      %scan3A_272 = arith.constant 1 : i32
      %scan3A_273 = scf.for %scan3A_276 = %scan3A_269 to %scan3A_271 step %scan3A_272 iter_args(%scan3A_277 = %scan3A_268) -> (i32)  : i32 {
        %broadcast_in_dim3A = arith.constant 0.000000e+00 : f32
        %broadcast_in_dim3A_278 = vector.broadcast %broadcast_in_dim3A : f32 to vector<16xf32>
        %mul3A_279 = arith.constant 16 : i32
        %mul3A_280 = arith.muli %scan3A_276, %mul3A_279 : i32
        %add3A_281 = arith.constant 0 : i32
        %add3A_282 = arith.addi %mul3A_280, %add3A_281 : i32
        %get3A_283 = arith.index_cast %rem3A_267 : i32 to index
        %get3A_284 = arith.index_cast %add3A_282 : i32 to index
        %get3A_285 = arith.constant 0 : index
        %get3A_286 = tpu.vector_load %arg11[%get3A_283, %get3A_284, %get3A_285] {strides = array<i32>} : memref<8x32x128xf32, #tpu.memory_space<vmem>>, vector<16xf32>,
        %get3A_287 = arith.index_cast %rem3A_267 : i32 to index
        %get3A_288 = arith.index_cast %add3A_282 : i32 to index
        %get3A_289 = arith.constant 0 : index
        %get3A_290 = tpu.vector_load %arg12[%get3A_287, %get3A_288, %get3A_289] {strides = array<i32>} : memref<8x32x128xf32, #tpu.memory_space<vmem>>, vector<16xf32>,
        %mul3A_291 = arith.mulf %get3A_286, %get3A_290 : vector<16xf32>
        %mul3A_292 = arith.mulf %mul3A_291, %get3A_212 : vector<16xf32>
        %add3A_293 = arith.addf %broadcast_in_dim3A_278, %mul3A_292 : vector<16xf32>
        %get3A_294 = arith.index_cast %rem3A_267 : i32 to index
        %get3A_295 = arith.index_cast %add3A_282 : i32 to index
        %get3A_296 = arith.constant 16 : index
        %get3A_297 = tpu.vector_load %arg11[%get3A_294, %get3A_295, %get3A_296] {strides = array<i32>} : memref<8x32x128xf32, #tpu.memory_space<vmem>>, vector<16xf32>,
        %get3A_298 = arith.index_cast %rem3A_267 : i32 to index
        %get3A_299 = arith.index_cast %add3A_282 : i32 to index
        %get3A_300 = arith.constant 16 : index
        %get3A_301 = tpu.vector_load %arg12[%get3A_298, %get3A_299, %get3A_300] {strides = array<i32>} : memref<8x32x128xf32, #tpu.memory_space<vmem>>, vector<16xf32>,
        %mul3A_302 = arith.mulf %get3A_297, %get3A_301 : vector<16xf32>
        %mul3A_303 = arith.mulf %mul3A_302, %get3A_214 : vector<16xf32>
        %add3A_304 = arith.addf %add3A_293, %mul3A_303 : vector<16xf32>
        %get3A_305 = arith.index_cast %rem3A_267 : i32 to index
        %get3A_306 = arith.index_cast %add3A_282 : i32 to index
        %get3A_307 = arith.constant 32 : index
        %get3A_308 = tpu.vector_load %arg11[%get3A_305, %get3A_306, %get3A_307] {strides = array<i32>} : memref<8x32x128xf32, #tpu.memory_space<vmem>>, vector<16xf32>,
        %get3A_309 = arith.index_cast %rem3A_267 : i32 to index
        %get3A_310 = arith.index_cast %add3A_282 : i32 to index
        %get3A_311 = arith.constant 32 : index
        %get3A_312 = tpu.vector_load %arg12[%get3A_309, %get3A_310, %get3A_311] {strides = array<i32>} : memref<8x32x128xf32, #tpu.memory_space<vmem>>, vector<16xf32>,
        %mul3A_313 = arith.mulf %get3A_308, %get3A_312 : vector<16xf32>
        %mul3A_314 = arith.mulf %mul3A_313, %get3A_216 : vector<16xf32>
        %add3A_315 = arith.addf %add3A_304, %mul3A_314 : vector<16xf32>
        %get3A_316 = arith.index_cast %rem3A_267 : i32 to index
        %get3A_317 = arith.index_cast %add3A_282 : i32 to index
        %get3A_318 = arith.constant 48 : index
        %get3A_319 = tpu.vector_load %arg11[%get3A_316, %get3A_317, %get3A_318] {strides = array<i32>} : memref<8x32x128xf32, #tpu.memory_space<vmem>>, vector<16xf32>,
        %get3A_320 = arith.index_cast %rem3A_267 : i32 to index
        %get3A_321 = arith.index_cast %add3A_282 : i32 to index
        %get3A_322 = arith.constant 48 : index
        %get3A_323 = tpu.vector_load %arg12[%get3A_320, %get3A_321, %get3A_322] {strides = array<i32>} : memref<8x32x128xf32, #tpu.memory_space<vmem>>, vector<16xf32>,
        %mul3A_324 = arith.mulf %get3A_319, %get3A_323 : vector<16xf32>
        %mul3A_325 = arith.mulf %mul3A_324, %get3A_218 : vector<16xf32>
        %add3A_326 = arith.addf %add3A_315, %mul3A_325 : vector<16xf32>
        %get3A_327 = arith.index_cast %rem3A_267 : i32 to index
        %get3A_328 = arith.index_cast %add3A_282 : i32 to index
        %get3A_329 = arith.constant 64 : index
        %get3A_330 = tpu.vector_load %arg11[%get3A_327, %get3A_328, %get3A_329] {strides = array<i32>} : memref<8x32x128xf32, #tpu.memory_space<vmem>>, vector<16xf32>,
        %get3A_331 = arith.index_cast %rem3A_267 : i32 to index
        %get3A_332 = arith.index_cast %add3A_282 : i32 to index
        %get3A_333 = arith.constant 64 : index
        %get3A_334 = tpu.vector_load %arg12[%get3A_331, %get3A_332, %get3A_333] {strides = array<i32>} : memref<8x32x128xf32, #tpu.memory_space<vmem>>, vector<16xf32>,
        %mul3A_335 = arith.mulf %get3A_330, %get3A_334 : vector<16xf32>
        %mul3A_336 = arith.mulf %mul3A_335, %get3A_220 : vector<16xf32>
        %add3A_337 = arith.addf %add3A_326, %mul3A_336 : vector<16xf32>
        %get3A_338 = arith.index_cast %rem3A_267 : i32 to index
        %get3A_339 = arith.index_cast %add3A_282 : i32 to index
        %get3A_340 = arith.constant 80 : index
        %get3A_341 = tpu.vector_load %arg11[%get3A_338, %get3A_339, %get3A_340] {strides = array<i32>} : memref<8x32x128xf32, #tpu.memory_space<vmem>>, vector<16xf32>,
        %get3A_342 = arith.index_cast %rem3A_267 : i32 to index
        %get3A_343 = arith.index_cast %add3A_282 : i32 to index
        %get3A_344 = arith.constant 80 : index
        %get3A_345 = tpu.vector_load %arg12[%get3A_342, %get3A_343, %get3A_344] {strides = array<i32>} : memref<8x32x128xf32, #tpu.memory_space<vmem>>, vector<16xf32>,
        %mul3A_346 = arith.mulf %get3A_341, %get3A_345 : vector<16xf32>
        %mul3A_347 = arith.mulf %mul3A_346, %get3A_222 : vector<16xf32>
        %add3A_348 = arith.addf %add3A_337, %mul3A_347 : vector<16xf32>
        %get3A_349 = arith.index_cast %rem3A_267 : i32 to index
        %get3A_350 = arith.index_cast %add3A_282 : i32 to index
        %get3A_351 = arith.constant 96 : index
        %get3A_352 = tpu.vector_load %arg11[%get3A_349, %get3A_350, %get3A_351] {strides = array<i32>} : memref<8x32x128xf32, #tpu.memory_space<vmem>>, vector<16xf32>,
        %get3A_353 = arith.index_cast %rem3A_267 : i32 to index
        %get3A_354 = arith.index_cast %add3A_282 : i32 to index
        %get3A_355 = arith.constant 96 : index
        %get3A_356 = tpu.vector_load %arg12[%get3A_353, %get3A_354, %get3A_355] {strides = array<i32>} : memref<8x32x128xf32, #tpu.memory_space<vmem>>, vector<16xf32>,
        %mul3A_357 = arith.mulf %get3A_352, %get3A_356 : vector<16xf32>
        %mul3A_358 = arith.mulf %mul3A_357, %get3A_224 : vector<16xf32>
        %add3A_359 = arith.addf %add3A_348, %mul3A_358 : vector<16xf32>
        %get3A_360 = arith.index_cast %rem3A_267 : i32 to index
        %get3A_361 = arith.index_cast %add3A_282 : i32 to index
        %get3A_362 = arith.constant 112 : index
        %get3A_363 = tpu.vector_load %arg11[%get3A_360, %get3A_361, %get3A_362] {strides = array<i32>} : memref<8x32x128xf32, #tpu.memory_space<vmem>>, vector<16xf32>,
        %get3A_364 = arith.index_cast %rem3A_267 : i32 to index
        %get3A_365 = arith.index_cast %add3A_282 : i32 to index
        %get3A_366 = arith.constant 112 : index
        %get3A_367 = tpu.vector_load %arg12[%get3A_364, %get3A_365, %get3A_366] {strides = array<i32>} : memref<8x32x128xf32, #tpu.memory_space<vmem>>, vector<16xf32>,
        %mul3A_368 = arith.mulf %get3A_363, %get3A_367 : vector<16xf32>
        %mul3A_369 = arith.mulf %mul3A_368, %get3A_226 : vector<16xf32>
        %add3A_370 = arith.addf %add3A_359, %mul3A_369 : vector<16xf32>
        %swap3A = arith.constant 0 : index
        %swap3A_371 = tpu.vector_load %arg15[%swap3A] {strides = array<i32>} : memref<256xf32, #tpu.memory_space<vmem>>, vector<16xf32>,
        tpu.vector_store %arg15[%swap3A], %add3A_370 {strides = array<i32>} : memref<256xf32, #tpu.memory_space<vmem>>, vector<16xf32>,
        %broadcast_in_dim3A_372 = arith.constant 0.000000e+00 : f32
        %broadcast_in_dim3A_373 = vector.broadcast %broadcast_in_dim3A_372 : f32 to vector<16xf32>
        %mul3A_374 = arith.constant 16 : i32
        %mul3A_375 = arith.muli %scan3A_276, %mul3A_374 : i32
        %add3A_376 = arith.constant 1 : i32
        %add3A_377 = arith.addi %mul3A_375, %add3A_376 : i32
        %get3A_378 = arith.index_cast %rem3A_267 : i32 to index
        %get3A_379 = arith.index_cast %add3A_377 : i32 to index
        %get3A_380 = arith.constant 0 : index
        %get3A_381 = tpu.vector_load %arg11[%get3A_378, %get3A_379, %get3A_380] {strides = array<i32>} : memref<8x32x128xf32, #tpu.memory_space<vmem>>, vector<16xf32>,
        %get3A_382 = arith.index_cast %rem3A_267 : i32 to index
        %get3A_383 = arith.index_cast %add3A_377 : i32 to index
        %get3A_384 = arith.constant 0 : index
        %get3A_385 = tpu.vector_load %arg12[%get3A_382, %get3A_383, %get3A_384] {strides = array<i32>} : memref<8x32x128xf32, #tpu.memory_space<vmem>>, vector<16xf32>,
        %mul3A_386 = arith.mulf %get3A_381, %get3A_385 : vector<16xf32>
        %mul3A_387 = arith.mulf %mul3A_386, %get3A_212 : vector<16xf32>
        %add3A_388 = arith.addf %broadcast_in_dim3A_373, %mul3A_387 : vector<16xf32>
        %get3A_389 = arith.index_cast %rem3A_267 : i32 to index
        %get3A_390 = arith.index_cast %add3A_377 : i32 to index
        %get3A_391 = arith.constant 16 : index
        %get3A_392 = tpu.vector_load %arg11[%get3A_389, %get3A_390, %get3A_391] {strides = array<i32>} : memref<8x32x128xf32, #tpu.memory_space<vmem>>, vector<16xf32>,
        %get3A_393 = arith.index_cast %rem3A_267 : i32 to index
        %get3A_394 = arith.index_cast %add3A_377 : i32 to index
        %get3A_395 = arith.constant 16 : index
        %get3A_396 = tpu.vector_load %arg12[%get3A_393, %get3A_394, %get3A_395] {strides = array<i32>} : memref<8x32x128xf32, #tpu.memory_space<vmem>>, vector<16xf32>,
        %mul3A_397 = arith.mulf %get3A_392, %get3A_396 : vector<16xf32>
        %mul3A_398 = arith.mulf %mul3A_397, %get3A_214 : vector<16xf32>
        %add3A_399 = arith.addf %add3A_388, %mul3A_398 : vector<16xf32>
        %get3A_400 = arith.index_cast %rem3A_267 : i32 to index
        %get3A_401 = arith.index_cast %add3A_377 : i32 to index
        %get3A_402 = arith.constant 32 : index
        %get3A_403 = tpu.vector_load %arg11[%get3A_400, %get3A_401, %get3A_402] {strides = array<i32>} : memref<8x32x128xf32, #tpu.memory_space<vmem>>, vector<16xf32>,
        %get3A_404 = arith.index_cast %rem3A_267 : i32 to index
        %get3A_405 = arith.index_cast %add3A_377 : i32 to index
        %get3A_406 = arith.constant 32 : index
        %get3A_407 = tpu.vector_load %arg12[%get3A_404, %get3A_405, %get3A_406] {strides = array<i32>} : memref<8x32x128xf32, #tpu.memory_space<vmem>>, vector<16xf32>,
        %mul3A_408 = arith.mulf %get3A_403, %get3A_407 : vector<16xf32>
        %mul3A_409 = arith.mulf %mul3A_408, %get3A_216 : vector<16xf32>
        %add3A_410 = arith.addf %add3A_399, %mul3A_409 : vector<16xf32>
        %get3A_411 = arith.index_cast %rem3A_267 : i32 to index
        %get3A_412 = arith.index_cast %add3A_377 : i32 to index
        %get3A_413 = arith.constant 48 : index
        %get3A_414 = tpu.vector_load %arg11[%get3A_411, %get3A_412, %get3A_413] {strides = array<i32>} : memref<8x32x128xf32, #tpu.memory_space<vmem>>, vector<16xf32>,
        %get3A_415 = arith.index_cast %rem3A_267 : i32 to index
        %get3A_416 = arith.index_cast %add3A_377 : i32 to index
        %get3A_417 = arith.constant 48 : index
        %get3A_418 = tpu.vector_load %arg12[%get3A_415, %get3A_416, %get3A_417] {strides = array<i32>} : memref<8x32x128xf32, #tpu.memory_space<vmem>>, vector<16xf32>,
        %mul3A_419 = arith.mulf %get3A_414, %get3A_418 : vector<16xf32>
        %mul3A_420 = arith.mulf %mul3A_419, %get3A_218 : vector<16xf32>
        %add3A_421 = arith.addf %add3A_410, %mul3A_420 : vector<16xf32>
        %get3A_422 = arith.index_cast %rem3A_267 : i32 to index
        %get3A_423 = arith.index_cast %add3A_377 : i32 to index
        %get3A_424 = arith.constant 64 : index
        %get3A_425 = tpu.vector_load %arg11[%get3A_422, %get3A_423, %get3A_424] {strides = array<i32>} : memref<8x32x128xf32, #tpu.memory_space<vmem>>, vector<16xf32>,
        %get3A_426 = arith.index_cast %rem3A_267 : i32 to index
        %get3A_427 = arith.index_cast %add3A_377 : i32 to index
        %get3A_428 = arith.constant 64 : index
        %get3A_429 = tpu.vector_load %arg12[%get3A_426, %get3A_427, %get3A_428] {strides = array<i32>} : memref<8x32x128xf32, #tpu.memory_space<vmem>>, vector<16xf32>,
        %mul3A_430 = arith.mulf %get3A_425, %get3A_429 : vector<16xf32>
        %mul3A_431 = arith.mulf %mul3A_430, %get3A_220 : vector<16xf32>
        %add3A_432 = arith.addf %add3A_421, %mul3A_431 : vector<16xf32>
        %get3A_433 = arith.index_cast %rem3A_267 : i32 to index
        %get3A_434 = arith.index_cast %add3A_377 : i32 to index
        %get3A_435 = arith.constant 80 : index
        %get3A_436 = tpu.vector_load %arg11[%get3A_433, %get3A_434, %get3A_435] {strides = array<i32>} : memref<8x32x128xf32, #tpu.memory_space<vmem>>, vector<16xf32>,
        %get3A_437 = arith.index_cast %rem3A_267 : i32 to index
        %get3A_438 = arith.index_cast %add3A_377 : i32 to index
        %get3A_439 = arith.constant 80 : index
        %get3A_440 = tpu.vector_load %arg12[%get3A_437, %get3A_438, %get3A_439] {strides = array<i32>} : memref<8x32x128xf32, #tpu.memory_space<vmem>>, vector<16xf32>,
        %mul3A_441 = arith.mulf %get3A_436, %get3A_440 : vector<16xf32>
        %mul3A_442 = arith.mulf %mul3A_441, %get3A_222 : vector<16xf32>
        %add3A_443 = arith.addf %add3A_432, %mul3A_442 : vector<16xf32>
        %get3A_444 = arith.index_cast %rem3A_267 : i32 to index
        %get3A_445 = arith.index_cast %add3A_377 : i32 to index
        %get3A_446 = arith.constant 96 : index
        %get3A_447 = tpu.vector_load %arg11[%get3A_444, %get3A_445, %get3A_446] {strides = array<i32>} : memref<8x32x128xf32, #tpu.memory_space<vmem>>, vector<16xf32>,
        %get3A_448 = arith.index_cast %rem3A_267 : i32 to index
        %get3A_449 = arith.index_cast %add3A_377 : i32 to index
        %get3A_450 = arith.constant 96 : index
        %get3A_451 = tpu.vector_load %arg12[%get3A_448, %get3A_449, %get3A_450] {strides = array<i32>} : memref<8x32x128xf32, #tpu.memory_space<vmem>>, vector<16xf32>,
        %mul3A_452 = arith.mulf %get3A_447, %get3A_451 : vector<16xf32>
        %mul3A_453 = arith.mulf %mul3A_452, %get3A_224 : vector<16xf32>
        %add3A_454 = arith.addf %add3A_443, %mul3A_453 : vector<16xf32>
        %get3A_455 = arith.index_cast %rem3A_267 : i32 to index
        %get3A_456 = arith.index_cast %add3A_377 : i32 to index
        %get3A_457 = arith.constant 112 : index
        %get3A_458 = tpu.vector_load %arg11[%get3A_455, %get3A_456, %get3A_457] {strides = array<i32>} : memref<8x32x128xf32, #tpu.memory_space<vmem>>, vector<16xf32>,
        %get3A_459 = arith.index_cast %rem3A_267 : i32 to index
        %get3A_460 = arith.index_cast %add3A_377 : i32 to index
        %get3A_461 = arith.constant 112 : index
        %get3A_462 = tpu.vector_load %arg12[%get3A_459, %get3A_460, %get3A_461] {strides = array<i32>} : memref<8x32x128xf32, #tpu.memory_space<vmem>>, vector<16xf32>,
        %mul3A_463 = arith.mulf %get3A_458, %get3A_462 : vector<16xf32>
        %mul3A_464 = arith.mulf %mul3A_463, %get3A_226 : vector<16xf32>
        %add3A_465 = arith.addf %add3A_454, %mul3A_464 : vector<16xf32>
        %swap3A_466 = arith.constant 16 : index
        %swap3A_467 = tpu.vector_load %arg15[%swap3A_466] {strides = array<i32>} : memref<256xf32, #tpu.memory_space<vmem>>, vector<16xf32>,
        tpu.vector_store %arg15[%swap3A_466], %add3A_465 {strides = array<i32>} : memref<256xf32, #tpu.memory_space<vmem>>, vector<16xf32>,
        %broadcast_in_dim3A_468 = arith.constant 0.000000e+00 : f32
        %broadcast_in_dim3A_469 = vector.broadcast %broadcast_in_dim3A_468 : f32 to vector<16xf32>
        %mul3A_470 = arith.constant 16 : i32
        %mul3A_471 = arith.muli %scan3A_276, %mul3A_470 : i32
        %add3A_472 = arith.constant 2 : i32
        %add3A_473 = arith.addi %mul3A_471, %add3A_472 : i32
        %get3A_474 = arith.index_cast %rem3A_267 : i32 to index
        %get3A_475 = arith.index_cast %add3A_473 : i32 to index
        %get3A_476 = arith.constant 0 : index
        %get3A_477 = tpu.vector_load %arg11[%get3A_474, %get3A_475, %get3A_476] {strides = array<i32>} : memref<8x32x128xf32, #tpu.memory_space<vmem>>, vector<16xf32>,
        %get3A_478 = arith.index_cast %rem3A_267 : i32 to index
        %get3A_479 = arith.index_cast %add3A_473 : i32 to index
        %get3A_480 = arith.constant 0 : index
        %get3A_481 = tpu.vector_load %arg12[%get3A_478, %get3A_479, %get3A_480] {strides = array<i32>} : memref<8x32x128xf32, #tpu.memory_space<vmem>>, vector<16xf32>,
        %mul3A_482 = arith.mulf %get3A_477, %get3A_481 : vector<16xf32>
        %mul3A_483 = arith.mulf %mul3A_482, %get3A_212 : vector<16xf32>
        %add3A_484 = arith.addf %broadcast_in_dim3A_469, %mul3A_483 : vector<16xf32>
        %get3A_485 = arith.index_cast %rem3A_267 : i32 to index
        %get3A_486 = arith.index_cast %add3A_473 : i32 to index
        %get3A_487 = arith.constant 16 : index
        %get3A_488 = tpu.vector_load %arg11[%get3A_485, %get3A_486, %get3A_487] {strides = array<i32>} : memref<8x32x128xf32, #tpu.memory_space<vmem>>, vector<16xf32>,
        %get3A_489 = arith.index_cast %rem3A_267 : i32 to index
        %get3A_490 = arith.index_cast %add3A_473 : i32 to index
        %get3A_491 = arith.constant 16 : index
        %get3A_492 = tpu.vector_load %arg12[%get3A_489, %get3A_490, %get3A_491] {strides = array<i32>} : memref<8x32x128xf32, #tpu.memory_space<vmem>>, vector<16xf32>,
        %mul3A_493 = arith.mulf %get3A_488, %get3A_492 : vector<16xf32>
        %mul3A_494 = arith.mulf %mul3A_493, %get3A_214 : vector<16xf32>
        %add3A_495 = arith.addf %add3A_484, %mul3A_494 : vector<16xf32>
        %get3A_496 = arith.index_cast %rem3A_267 : i32 to index
        %get3A_497 = arith.index_cast %add3A_473 : i32 to index
        %get3A_498 = arith.constant 32 : index
        %get3A_499 = tpu.vector_load %arg11[%get3A_496, %get3A_497, %get3A_498] {strides = array<i32>} : memref<8x32x128xf32, #tpu.memory_space<vmem>>, vector<16xf32>,
        %get3A_500 = arith.index_cast %rem3A_267 : i32 to index
        %get3A_501 = arith.index_cast %add3A_473 : i32 to index
        %get3A_502 = arith.constant 32 : index
        %get3A_503 = tpu.vector_load %arg12[%get3A_500, %get3A_501, %get3A_502] {strides = array<i32>} : memref<8x32x128xf32, #tpu.memory_space<vmem>>, vector<16xf32>,
        %mul3A_504 = arith.mulf %get3A_499, %get3A_503 : vector<16xf32>
        %mul3A_505 = arith.mulf %mul3A_504, %get3A_216 : vector<16xf32>
        %add3A_506 = arith.addf %add3A_495, %mul3A_505 : vector<16xf32>
        %get3A_507 = arith.index_cast %rem3A_267 : i32 to index
        %get3A_508 = arith.index_cast %add3A_473 : i32 to index
        %get3A_509 = arith.constant 48 : index
        %get3A_510 = tpu.vector_load %arg11[%get3A_507, %get3A_508, %get3A_509] {strides = array<i32>} : memref<8x32x128xf32, #tpu.memory_space<vmem>>, vector<16xf32>,
        %get3A_511 = arith.index_cast %rem3A_267 : i32 to index
        %get3A_512 = arith.index_cast %add3A_473 : i32 to index
        %get3A_513 = arith.constant 48 : index
        %get3A_514 = tpu.vector_load %arg12[%get3A_511, %get3A_512, %get3A_513] {strides = array<i32>} : memref<8x32x128xf32, #tpu.memory_space<vmem>>, vector<16xf32>,
        %mul3A_515 = arith.mulf %get3A_510, %get3A_514 : vector<16xf32>
        %mul3A_516 = arith.mulf %mul3A_515, %get3A_218 : vector<16xf32>
        %add3A_517 = arith.addf %add3A_506, %mul3A_516 : vector<16xf32>
        %get3A_518 = arith.index_cast %rem3A_267 : i32 to index
        %get3A_519 = arith.index_cast %add3A_473 : i32 to index
        %get3A_520 = arith.constant 64 : index
        %get3A_521 = tpu.vector_load %arg11[%get3A_518, %get3A_519, %get3A_520] {strides = array<i32>} : memref<8x32x128xf32, #tpu.memory_space<vmem>>, vector<16xf32>,
        %get3A_522 = arith.index_cast %rem3A_267 : i32 to index
        %get3A_523 = arith.index_cast %add3A_473 : i32 to index
        %get3A_524 = arith.constant 64 : index
        %get3A_525 = tpu.vector_load %arg12[%get3A_522, %get3A_523, %get3A_524] {strides = array<i32>} : memref<8x32x128xf32, #tpu.memory_space<vmem>>, vector<16xf32>,
        %mul3A_526 = arith.mulf %get3A_521, %get3A_525 : vector<16xf32>
        %mul3A_527 = arith.mulf %mul3A_526, %get3A_220 : vector<16xf32>
        %add3A_528 = arith.addf %add3A_517, %mul3A_527 : vector<16xf32>
        %get3A_529 = arith.index_cast %rem3A_267 : i32 to index
        %get3A_530 = arith.index_cast %add3A_473 : i32 to index
        %get3A_531 = arith.constant 80 : index
        %get3A_532 = tpu.vector_load %arg11[%get3A_529, %get3A_530, %get3A_531] {strides = array<i32>} : memref<8x32x128xf32, #tpu.memory_space<vmem>>, vector<16xf32>,
        %get3A_533 = arith.index_cast %rem3A_267 : i32 to index
        %get3A_534 = arith.index_cast %add3A_473 : i32 to index
        %get3A_535 = arith.constant 80 : index
        %get3A_536 = tpu.vector_load %arg12[%get3A_533, %get3A_534, %get3A_535] {strides = array<i32>} : memref<8x32x128xf32, #tpu.memory_space<vmem>>, vector<16xf32>,
        %mul3A_537 = arith.mulf %get3A_532, %get3A_536 : vector<16xf32>
        %mul3A_538 = arith.mulf %mul3A_537, %get3A_222 : vector<16xf32>
        %add3A_539 = arith.addf %add3A_528, %mul3A_538 : vector<16xf32>
        %get3A_540 = arith.index_cast %rem3A_267 : i32 to index
        %get3A_541 = arith.index_cast %add3A_473 : i32 to index
        %get3A_542 = arith.constant 96 : index
        %get3A_543 = tpu.vector_load %arg11[%get3A_540, %get3A_541, %get3A_542] {strides = array<i32>} : memref<8x32x128xf32, #tpu.memory_space<vmem>>, vector<16xf32>,
        %get3A_544 = arith.index_cast %rem3A_267 : i32 to index
        %get3A_545 = arith.index_cast %add3A_473 : i32 to index
        %get3A_546 = arith.constant 96 : index
        %get3A_547 = tpu.vector_load %arg12[%get3A_544, %get3A_545, %get3A_546] {strides = array<i32>} : memref<8x32x128xf32, #tpu.memory_space<vmem>>, vector<16xf32>,
        %mul3A_548 = arith.mulf %get3A_543, %get3A_547 : vector<16xf32>
        %mul3A_549 = arith.mulf %mul3A_548, %get3A_224 : vector<16xf32>
        %add3A_550 = arith.addf %add3A_539, %mul3A_549 : vector<16xf32>
        %get3A_551 = arith.index_cast %rem3A_267 : i32 to index
        %get3A_552 = arith.index_cast %add3A_473 : i32 to index
        %get3A_553 = arith.constant 112 : index
        %get3A_554 = tpu.vector_load %arg11[%get3A_551, %get3A_552, %get3A_553] {strides = array<i32>} : memref<8x32x128xf32, #tpu.memory_space<vmem>>, vector<16xf32>,
        %get3A_555 = arith.index_cast %rem3A_267 : i32 to index
        %get3A_556 = arith.index_cast %add3A_473 : i32 to index
        %get3A_557 = arith.constant 112 : index
        %get3A_558 = tpu.vector_load %arg12[%get3A_555, %get3A_556, %get3A_557] {strides = array<i32>} : memref<8x32x128xf32, #tpu.memory_space<vmem>>, vector<16xf32>,
        %mul3A_559 = arith.mulf %get3A_554, %get3A_558 : vector<16xf32>
        %mul3A_560 = arith.mulf %mul3A_559, %get3A_226 : vector<16xf32>
        %add3A_561 = arith.addf %add3A_550, %mul3A_560 : vector<16xf32>
        %swap3A_562 = arith.constant 32 : index
        %swap3A_563 = tpu.vector_load %arg15[%swap3A_562] {strides = array<i32>} : memref<256xf32, #tpu.memory_space<vmem>>, vector<16xf32>,
        tpu.vector_store %arg15[%swap3A_562], %add3A_561 {strides = array<i32>} : memref<256xf32, #tpu.memory_space<vmem>>, vector<16xf32>,
        %broadcast_in_dim3A_564 = arith.constant 0.000000e+00 : f32
        %broadcast_in_dim3A_565 = vector.broadcast %broadcast_in_dim3A_564 : f32 to vector<16xf32>
        %mul3A_566 = arith.constant 16 : i32
        %mul3A_567 = arith.muli %scan3A_276, %mul3A_566 : i32
        %add3A_568 = arith.constant 3 : i32
        %add3A_569 = arith.addi %mul3A_567, %add3A_568 : i32
        %get3A_570 = arith.index_cast %rem3A_267 : i32 to index
        %get3A_571 = arith.index_cast %add3A_569 : i32 to index
        %get3A_572 = arith.constant 0 : index
        %get3A_573 = tpu.vector_load %arg11[%get3A_570, %get3A_571, %get3A_572] {strides = array<i32>} : memref<8x32x128xf32, #tpu.memory_space<vmem>>, vector<16xf32>,
        %get3A_574 = arith.index_cast %rem3A_267 : i32 to index
        %get3A_575 = arith.index_cast %add3A_569 : i32 to index
        %get3A_576 = arith.constant 0 : index
        %get3A_577 = tpu.vector_load %arg12[%get3A_574, %get3A_575, %get3A_576] {strides = array<i32>} : memref<8x32x128xf32, #tpu.memory_space<vmem>>, vector<16xf32>,
        %mul3A_578 = arith.mulf %get3A_573, %get3A_577 : vector<16xf32>
        %mul3A_579 = arith.mulf %mul3A_578, %get3A_212 : vector<16xf32>
        %add3A_580 = arith.addf %broadcast_in_dim3A_565, %mul3A_579 : vector<16xf32>
        %get3A_581 = arith.index_cast %rem3A_267 : i32 to index
        %get3A_582 = arith.index_cast %add3A_569 : i32 to index
        %get3A_583 = arith.constant 16 : index
        %get3A_584 = tpu.vector_load %arg11[%get3A_581, %get3A_582, %get3A_583] {strides = array<i32>} : memref<8x32x128xf32, #tpu.memory_space<vmem>>, vector<16xf32>,
        %get3A_585 = arith.index_cast %rem3A_267 : i32 to index
        %get3A_586 = arith.index_cast %add3A_569 : i32 to index
        %get3A_587 = arith.constant 16 : index
        %get3A_588 = tpu.vector_load %arg12[%get3A_585, %get3A_586, %get3A_587] {strides = array<i32>} : memref<8x32x128xf32, #tpu.memory_space<vmem>>, vector<16xf32>,
        %mul3A_589 = arith.mulf %get3A_584, %get3A_588 : vector<16xf32>
        %mul3A_590 = arith.mulf %mul3A_589, %get3A_214 : vector<16xf32>
        %add3A_591 = arith.addf %add3A_580, %mul3A_590 : vector<16xf32>
        %get3A_592 = arith.index_cast %rem3A_267 : i32 to index
        %get3A_593 = arith.index_cast %add3A_569 : i32 to index
        %get3A_594 = arith.constant 32 : index
        %get3A_595 = tpu.vector_load %arg11[%get3A_592, %get3A_593, %get3A_594] {strides = array<i32>} : memref<8x32x128xf32, #tpu.memory_space<vmem>>, vector<16xf32>,
        %get3A_596 = arith.index_cast %rem3A_267 : i32 to index
        %get3A_597 = arith.index_cast %add3A_569 : i32 to index
        %get3A_598 = arith.constant 32 : index
        %get3A_599 = tpu.vector_load %arg12[%get3A_596, %get3A_597, %get3A_598] {strides = array<i32>} : memref<8x32x128xf32, #tpu.memory_space<vmem>>, vector<16xf32>,
        %mul3A_600 = arith.mulf %get3A_595, %get3A_599 : vector<16xf32>
        %mul3A_601 = arith.mulf %mul3A_600, %get3A_216 : vector<16xf32>
        %add3A_602 = arith.addf %add3A_591, %mul3A_601 : vector<16xf32>
        %get3A_603 = arith.index_cast %rem3A_267 : i32 to index
        %get3A_604 = arith.index_cast %add3A_569 : i32 to index
        %get3A_605 = arith.constant 48 : index
        %get3A_606 = tpu.vector_load %arg11[%get3A_603, %get3A_604, %get3A_605] {strides = array<i32>} : memref<8x32x128xf32, #tpu.memory_space<vmem>>, vector<16xf32>,
        %get3A_607 = arith.index_cast %rem3A_267 : i32 to index
        %get3A_608 = arith.index_cast %add3A_569 : i32 to index
        %get3A_609 = arith.constant 48 : index
        %get3A_610 = tpu.vector_load %arg12[%get3A_607, %get3A_608, %get3A_609] {strides = array<i32>} : memref<8x32x128xf32, #tpu.memory_space<vmem>>, vector<16xf32>,
        %mul3A_611 = arith.mulf %get3A_606, %get3A_610 : vector<16xf32>
        %mul3A_612 = arith.mulf %mul3A_611, %get3A_218 : vector<16xf32>
        %add3A_613 = arith.addf %add3A_602, %mul3A_612 : vector<16xf32>
        %get3A_614 = arith.index_cast %rem3A_267 : i32 to index
        %get3A_615 = arith.index_cast %add3A_569 : i32 to index
        %get3A_616 = arith.constant 64 : index
        %get3A_617 = tpu.vector_load %arg11[%get3A_614, %get3A_615, %get3A_616] {strides = array<i32>} : memref<8x32x128xf32, #tpu.memory_space<vmem>>, vector<16xf32>,
        %get3A_618 = arith.index_cast %rem3A_267 : i32 to index
        %get3A_619 = arith.index_cast %add3A_569 : i32 to index
        %get3A_620 = arith.constant 64 : index
        %get3A_621 = tpu.vector_load %arg12[%get3A_618, %get3A_619, %get3A_620] {strides = array<i32>} : memref<8x32x128xf32, #tpu.memory_space<vmem>>, vector<16xf32>,
        %mul3A_622 = arith.mulf %get3A_617, %get3A_621 : vector<16xf32>
        %mul3A_623 = arith.mulf %mul3A_622, %get3A_220 : vector<16xf32>
        %add3A_624 = arith.addf %add3A_613, %mul3A_623 : vector<16xf32>
        %get3A_625 = arith.index_cast %rem3A_267 : i32 to index
        %get3A_626 = arith.index_cast %add3A_569 : i32 to index
        %get3A_627 = arith.constant 80 : index
        %get3A_628 = tpu.vector_load %arg11[%get3A_625, %get3A_626, %get3A_627] {strides = array<i32>} : memref<8x32x128xf32, #tpu.memory_space<vmem>>, vector<16xf32>,
        %get3A_629 = arith.index_cast %rem3A_267 : i32 to index
        %get3A_630 = arith.index_cast %add3A_569 : i32 to index
        %get3A_631 = arith.constant 80 : index
        %get3A_632 = tpu.vector_load %arg12[%get3A_629, %get3A_630, %get3A_631] {strides = array<i32>} : memref<8x32x128xf32, #tpu.memory_space<vmem>>, vector<16xf32>,
        %mul3A_633 = arith.mulf %get3A_628, %get3A_632 : vector<16xf32>
        %mul3A_634 = arith.mulf %mul3A_633, %get3A_222 : vector<16xf32>
        %add3A_635 = arith.addf %add3A_624, %mul3A_634 : vector<16xf32>
        %get3A_636 = arith.index_cast %rem3A_267 : i32 to index
        %get3A_637 = arith.index_cast %add3A_569 : i32 to index
        %get3A_638 = arith.constant 96 : index
        %get3A_639 = tpu.vector_load %arg11[%get3A_636, %get3A_637, %get3A_638] {strides = array<i32>} : memref<8x32x128xf32, #tpu.memory_space<vmem>>, vector<16xf32>,
        %get3A_640 = arith.index_cast %rem3A_267 : i32 to index
        %get3A_641 = arith.index_cast %add3A_569 : i32 to index
        %get3A_642 = arith.constant 96 : index
        %get3A_643 = tpu.vector_load %arg12[%get3A_640, %get3A_641, %get3A_642] {strides = array<i32>} : memref<8x32x128xf32, #tpu.memory_space<vmem>>, vector<16xf32>,
        %mul3A_644 = arith.mulf %get3A_639, %get3A_643 : vector<16xf32>
        %mul3A_645 = arith.mulf %mul3A_644, %get3A_224 : vector<16xf32>
        %add3A_646 = arith.addf %add3A_635, %mul3A_645 : vector<16xf32>
        %get3A_647 = arith.index_cast %rem3A_267 : i32 to index
        %get3A_648 = arith.index_cast %add3A_569 : i32 to index
        %get3A_649 = arith.constant 112 : index
        %get3A_650 = tpu.vector_load %arg11[%get3A_647, %get3A_648, %get3A_649] {strides = array<i32>} : memref<8x32x128xf32, #tpu.memory_space<vmem>>, vector<16xf32>,
        %get3A_651 = arith.index_cast %rem3A_267 : i32 to index
        %get3A_652 = arith.index_cast %add3A_569 : i32 to index
        %get3A_653 = arith.constant 112 : index
        %get3A_654 = tpu.vector_load %arg12[%get3A_651, %get3A_652, %get3A_653] {strides = array<i32>} : memref<8x32x128xf32, #tpu.memory_space<vmem>>, vector<16xf32>,
        %mul3A_655 = arith.mulf %get3A_650, %get3A_654 : vector<16xf32>
        %mul3A_656 = arith.mulf %mul3A_655, %get3A_226 : vector<16xf32>
        %add3A_657 = arith.addf %add3A_646, %mul3A_656 : vector<16xf32>
        %swap3A_658 = arith.constant 48 : index
        %swap3A_659 = tpu.vector_load %arg15[%swap3A_658] {strides = array<i32>} : memref<256xf32, #tpu.memory_space<vmem>>, vector<16xf32>,
        tpu.vector_store %arg15[%swap3A_658], %add3A_657 {strides = array<i32>} : memref<256xf32, #tpu.memory_space<vmem>>, vector<16xf32>,
        %broadcast_in_dim3A_660 = arith.constant 0.000000e+00 : f32
        %broadcast_in_dim3A_661 = vector.broadcast %broadcast_in_dim3A_660 : f32 to vector<16xf32>
        %mul3A_662 = arith.constant 16 : i32
        %mul3A_663 = arith.muli %scan3A_276, %mul3A_662 : i32
        %add3A_664 = arith.constant 4 : i32
        %add3A_665 = arith.addi %mul3A_663, %add3A_664 : i32
        %get3A_666 = arith.index_cast %rem3A_267 : i32 to index
        %get3A_667 = arith.index_cast %add3A_665 : i32 to index
        %get3A_668 = arith.constant 0 : index
        %get3A_669 = tpu.vector_load %arg11[%get3A_666, %get3A_667, %get3A_668] {strides = array<i32>} : memref<8x32x128xf32, #tpu.memory_space<vmem>>, vector<16xf32>,
        %get3A_670 = arith.index_cast %rem3A_267 : i32 to index
        %get3A_671 = arith.index_cast %add3A_665 : i32 to index
        %get3A_672 = arith.constant 0 : index
        %get3A_673 = tpu.vector_load %arg12[%get3A_670, %get3A_671, %get3A_672] {strides = array<i32>} : memref<8x32x128xf32, #tpu.memory_space<vmem>>, vector<16xf32>,
        %mul3A_674 = arith.mulf %get3A_669, %get3A_673 : vector<16xf32>
        %mul3A_675 = arith.mulf %mul3A_674, %get3A_212 : vector<16xf32>
        %add3A_676 = arith.addf %broadcast_in_dim3A_661, %mul3A_675 : vector<16xf32>
        %get3A_677 = arith.index_cast %rem3A_267 : i32 to index
        %get3A_678 = arith.index_cast %add3A_665 : i32 to index
        %get3A_679 = arith.constant 16 : index
        %get3A_680 = tpu.vector_load %arg11[%get3A_677, %get3A_678, %get3A_679] {strides = array<i32>} : memref<8x32x128xf32, #tpu.memory_space<vmem>>, vector<16xf32>,
        %get3A_681 = arith.index_cast %rem3A_267 : i32 to index
        %get3A_682 = arith.index_cast %add3A_665 : i32 to index
        %get3A_683 = arith.constant 16 : index
        %get3A_684 = tpu.vector_load %arg12[%get3A_681, %get3A_682, %get3A_683] {strides = array<i32>} : memref<8x32x128xf32, #tpu.memory_space<vmem>>, vector<16xf32>,
        %mul3A_685 = arith.mulf %get3A_680, %get3A_684 : vector<16xf32>
        %mul3A_686 = arith.mulf %mul3A_685, %get3A_214 : vector<16xf32>
        %add3A_687 = arith.addf %add3A_676, %mul3A_686 : vector<16xf32>
        %get3A_688 = arith.index_cast %rem3A_267 : i32 to index
        %get3A_689 = arith.index_cast %add3A_665 : i32 to index
        %get3A_690 = arith.constant 32 : index
        %get3A_691 = tpu.vector_load %arg11[%get3A_688, %get3A_689, %get3A_690] {strides = array<i32>} : memref<8x32x128xf32, #tpu.memory_space<vmem>>, vector<16xf32>,
        %get3A_692 = arith.index_cast %rem3A_267 : i32 to index
        %get3A_693 = arith.index_cast %add3A_665 : i32 to index
        %get3A_694 = arith.constant 32 : index
        %get3A_695 = tpu.vector_load %arg12[%get3A_692, %get3A_693, %get3A_694] {strides = array<i32>} : memref<8x32x128xf32, #tpu.memory_space<vmem>>, vector<16xf32>,
        %mul3A_696 = arith.mulf %get3A_691, %get3A_695 : vector<16xf32>
        %mul3A_697 = arith.mulf %mul3A_696, %get3A_216 : vector<16xf32>
        %add3A_698 = arith.addf %add3A_687, %mul3A_697 : vector<16xf32>
        %get3A_699 = arith.index_cast %rem3A_267 : i32 to index
        %get3A_700 = arith.index_cast %add3A_665 : i32 to index
        %get3A_701 = arith.constant 48 : index
        %get3A_702 = tpu.vector_load %arg11[%get3A_699, %get3A_700, %get3A_701] {strides = array<i32>} : memref<8x32x128xf32, #tpu.memory_space<vmem>>, vector<16xf32>,
        %get3A_703 = arith.index_cast %rem3A_267 : i32 to index
        %get3A_704 = arith.index_cast %add3A_665 : i32 to index
        %get3A_705 = arith.constant 48 : index
        %get3A_706 = tpu.vector_load %arg12[%get3A_703, %get3A_704, %get3A_705] {strides = array<i32>} : memref<8x32x128xf32, #tpu.memory_space<vmem>>, vector<16xf32>,
        %mul3A_707 = arith.mulf %get3A_702, %get3A_706 : vector<16xf32>
        %mul3A_708 = arith.mulf %mul3A_707, %get3A_218 : vector<16xf32>
        %add3A_709 = arith.addf %add3A_698, %mul3A_708 : vector<16xf32>
        %get3A_710 = arith.index_cast %rem3A_267 : i32 to index
        %get3A_711 = arith.index_cast %add3A_665 : i32 to index
        %get3A_712 = arith.constant 64 : index
        %get3A_713 = tpu.vector_load %arg11[%get3A_710, %get3A_711, %get3A_712] {strides = array<i32>} : memref<8x32x128xf32, #tpu.memory_space<vmem>>, vector<16xf32>,
        %get3A_714 = arith.index_cast %rem3A_267 : i32 to index
        %get3A_715 = arith.index_cast %add3A_665 : i32 to index
        %get3A_716 = arith.constant 64 : index
        %get3A_717 = tpu.vector_load %arg12[%get3A_714, %get3A_715, %get3A_716] {strides = array<i32>} : memref<8x32x128xf32, #tpu.memory_space<vmem>>, vector<16xf32>,
        %mul3A_718 = arith.mulf %get3A_713, %get3A_717 : vector<16xf32>
        %mul3A_719 = arith.mulf %mul3A_718, %get3A_220 : vector<16xf32>
        %add3A_720 = arith.addf %add3A_709, %mul3A_719 : vector<16xf32>
        %get3A_721 = arith.index_cast %rem3A_267 : i32 to index
        %get3A_722 = arith.index_cast %add3A_665 : i32 to index
        %get3A_723 = arith.constant 80 : index
        %get3A_724 = tpu.vector_load %arg11[%get3A_721, %get3A_722, %get3A_723] {strides = array<i32>} : memref<8x32x128xf32, #tpu.memory_space<vmem>>, vector<16xf32>,
        %get3A_725 = arith.index_cast %rem3A_267 : i32 to index
        %get3A_726 = arith.index_cast %add3A_665 : i32 to index
        %get3A_727 = arith.constant 80 : index
        %get3A_728 = tpu.vector_load %arg12[%get3A_725, %get3A_726, %get3A_727] {strides = array<i32>} : memref<8x32x128xf32, #tpu.memory_space<vmem>>, vector<16xf32>,
        %mul3A_729 = arith.mulf %get3A_724, %get3A_728 : vector<16xf32>
        %mul3A_730 = arith.mulf %mul3A_729, %get3A_222 : vector<16xf32>
        %add3A_731 = arith.addf %add3A_720, %mul3A_730 : vector<16xf32>
        %get3A_732 = arith.index_cast %rem3A_267 : i32 to index
        %get3A_733 = arith.index_cast %add3A_665 : i32 to index
        %get3A_734 = arith.constant 96 : index
        %get3A_735 = tpu.vector_load %arg11[%get3A_732, %get3A_733, %get3A_734] {strides = array<i32>} : memref<8x32x128xf32, #tpu.memory_space<vmem>>, vector<16xf32>,
        %get3A_736 = arith.index_cast %rem3A_267 : i32 to index
        %get3A_737 = arith.index_cast %add3A_665 : i32 to index
        %get3A_738 = arith.constant 96 : index
        %get3A_739 = tpu.vector_load %arg12[%get3A_736, %get3A_737, %get3A_738] {strides = array<i32>} : memref<8x32x128xf32, #tpu.memory_space<vmem>>, vector<16xf32>,
        %mul3A_740 = arith.mulf %get3A_735, %get3A_739 : vector<16xf32>
        %mul3A_741 = arith.mulf %mul3A_740, %get3A_224 : vector<16xf32>
        %add3A_742 = arith.addf %add3A_731, %mul3A_741 : vector<16xf32>
        %get3A_743 = arith.index_cast %rem3A_267 : i32 to index
        %get3A_744 = arith.index_cast %add3A_665 : i32 to index
        %get3A_745 = arith.constant 112 : index
        %get3A_746 = tpu.vector_load %arg11[%get3A_743, %get3A_744, %get3A_745] {strides = array<i32>} : memref<8x32x128xf32, #tpu.memory_space<vmem>>, vector<16xf32>,
        %get3A_747 = arith.index_cast %rem3A_267 : i32 to index
        %get3A_748 = arith.index_cast %add3A_665 : i32 to index
        %get3A_749 = arith.constant 112 : index
        %get3A_750 = tpu.vector_load %arg12[%get3A_747, %get3A_748, %get3A_749] {strides = array<i32>} : memref<8x32x128xf32, #tpu.memory_space<vmem>>, vector<16xf32>,
        %mul3A_751 = arith.mulf %get3A_746, %get3A_750 : vector<16xf32>
        %mul3A_752 = arith.mulf %mul3A_751, %get3A_226 : vector<16xf32>
        %add3A_753 = arith.addf %add3A_742, %mul3A_752 : vector<16xf32>
        %swap3A_754 = arith.constant 64 : index
        %swap3A_755 = tpu.vector_load %arg15[%swap3A_754] {strides = array<i32>} : memref<256xf32, #tpu.memory_space<vmem>>, vector<16xf32>,
        tpu.vector_store %arg15[%swap3A_754], %add3A_753 {strides = array<i32>} : memref<256xf32, #tpu.memory_space<vmem>>, vector<16xf32>,
        %broadcast_in_dim3A_756 = arith.constant 0.000000e+00 : f32
        %broadcast_in_dim3A_757 = vector.broadcast %broadcast_in_dim3A_756 : f32 to vector<16xf32>
        %mul3A_758 = arith.constant 16 : i32
        %mul3A_759 = arith.muli %scan3A_276, %mul3A_758 : i32
        %add3A_760 = arith.constant 5 : i32
        %add3A_761 = arith.addi %mul3A_759, %add3A_760 : i32
        %get3A_762 = arith.index_cast %rem3A_267 : i32 to index
        %get3A_763 = arith.index_cast %add3A_761 : i32 to index
        %get3A_764 = arith.constant 0 : index
        %get3A_765 = tpu.vector_load %arg11[%get3A_762, %get3A_763, %get3A_764] {strides = array<i32>} : memref<8x32x128xf32, #tpu.memory_space<vmem>>, vector<16xf32>,
        %get3A_766 = arith.index_cast %rem3A_267 : i32 to index
        %get3A_767 = arith.index_cast %add3A_761 : i32 to index
        %get3A_768 = arith.constant 0 : index
        %get3A_769 = tpu.vector_load %arg12[%get3A_766, %get3A_767, %get3A_768] {strides = array<i32>} : memref<8x32x128xf32, #tpu.memory_space<vmem>>, vector<16xf32>,
        %mul3A_770 = arith.mulf %get3A_765, %get3A_769 : vector<16xf32>
        %mul3A_771 = arith.mulf %mul3A_770, %get3A_212 : vector<16xf32>
        %add3A_772 = arith.addf %broadcast_in_dim3A_757, %mul3A_771 : vector<16xf32>
        %get3A_773 = arith.index_cast %rem3A_267 : i32 to index
        %get3A_774 = arith.index_cast %add3A_761 : i32 to index
        %get3A_775 = arith.constant 16 : index
        %get3A_776 = tpu.vector_load %arg11[%get3A_773, %get3A_774, %get3A_775] {strides = array<i32>} : memref<8x32x128xf32, #tpu.memory_space<vmem>>, vector<16xf32>,
        %get3A_777 = arith.index_cast %rem3A_267 : i32 to index
        %get3A_778 = arith.index_cast %add3A_761 : i32 to index
        %get3A_779 = arith.constant 16 : index
        %get3A_780 = tpu.vector_load %arg12[%get3A_777, %get3A_778, %get3A_779] {strides = array<i32>} : memref<8x32x128xf32, #tpu.memory_space<vmem>>, vector<16xf32>,
        %mul3A_781 = arith.mulf %get3A_776, %get3A_780 : vector<16xf32>
        %mul3A_782 = arith.mulf %mul3A_781, %get3A_214 : vector<16xf32>
        %add3A_783 = arith.addf %add3A_772, %mul3A_782 : vector<16xf32>
        %get3A_784 = arith.index_cast %rem3A_267 : i32 to index
        %get3A_785 = arith.index_cast %add3A_761 : i32 to index
        %get3A_786 = arith.constant 32 : index
        %get3A_787 = tpu.vector_load %arg11[%get3A_784, %get3A_785, %get3A_786] {strides = array<i32>} : memref<8x32x128xf32, #tpu.memory_space<vmem>>, vector<16xf32>,
        %get3A_788 = arith.index_cast %rem3A_267 : i32 to index
        %get3A_789 = arith.index_cast %add3A_761 : i32 to index
        %get3A_790 = arith.constant 32 : index
        %get3A_791 = tpu.vector_load %arg12[%get3A_788, %get3A_789, %get3A_790] {strides = array<i32>} : memref<8x32x128xf32, #tpu.memory_space<vmem>>, vector<16xf32>,
        %mul3A_792 = arith.mulf %get3A_787, %get3A_791 : vector<16xf32>
        %mul3A_793 = arith.mulf %mul3A_792, %get3A_216 : vector<16xf32>
        %add3A_794 = arith.addf %add3A_783, %mul3A_793 : vector<16xf32>
        %get3A_795 = arith.index_cast %rem3A_267 : i32 to index
        %get3A_796 = arith.index_cast %add3A_761 : i32 to index
        %get3A_797 = arith.constant 48 : index
        %get3A_798 = tpu.vector_load %arg11[%get3A_795, %get3A_796, %get3A_797] {strides = array<i32>} : memref<8x32x128xf32, #tpu.memory_space<vmem>>, vector<16xf32>,
        %get3A_799 = arith.index_cast %rem3A_267 : i32 to index
        %get3A_800 = arith.index_cast %add3A_761 : i32 to index
        %get3A_801 = arith.constant 48 : index
        %get3A_802 = tpu.vector_load %arg12[%get3A_799, %get3A_800, %get3A_801] {strides = array<i32>} : memref<8x32x128xf32, #tpu.memory_space<vmem>>, vector<16xf32>,
        %mul3A_803 = arith.mulf %get3A_798, %get3A_802 : vector<16xf32>
        %mul3A_804 = arith.mulf %mul3A_803, %get3A_218 : vector<16xf32>
        %add3A_805 = arith.addf %add3A_794, %mul3A_804 : vector<16xf32>
        %get3A_806 = arith.index_cast %rem3A_267 : i32 to index
        %get3A_807 = arith.index_cast %add3A_761 : i32 to index
        %get3A_808 = arith.constant 64 : index
        %get3A_809 = tpu.vector_load %arg11[%get3A_806, %get3A_807, %get3A_808] {strides = array<i32>} : memref<8x32x128xf32, #tpu.memory_space<vmem>>, vector<16xf32>,
        %get3A_810 = arith.index_cast %rem3A_267 : i32 to index
        %get3A_811 = arith.index_cast %add3A_761 : i32 to index
        %get3A_812 = arith.constant 64 : index
        %get3A_813 = tpu.vector_load %arg12[%get3A_810, %get3A_811, %get3A_812] {strides = array<i32>} : memref<8x32x128xf32, #tpu.memory_space<vmem>>, vector<16xf32>,
        %mul3A_814 = arith.mulf %get3A_809, %get3A_813 : vector<16xf32>
        %mul3A_815 = arith.mulf %mul3A_814, %get3A_220 : vector<16xf32>
        %add3A_816 = arith.addf %add3A_805, %mul3A_815 : vector<16xf32>
        %get3A_817 = arith.index_cast %rem3A_267 : i32 to index
        %get3A_818 = arith.index_cast %add3A_761 : i32 to index
        %get3A_819 = arith.constant 80 : index
        %get3A_820 = tpu.vector_load %arg11[%get3A_817, %get3A_818, %get3A_819] {strides = array<i32>} : memref<8x32x128xf32, #tpu.memory_space<vmem>>, vector<16xf32>,
        %get3A_821 = arith.index_cast %rem3A_267 : i32 to index
        %get3A_822 = arith.index_cast %add3A_761 : i32 to index
        %get3A_823 = arith.constant 80 : index
        %get3A_824 = tpu.vector_load %arg12[%get3A_821, %get3A_822, %get3A_823] {strides = array<i32>} : memref<8x32x128xf32, #tpu.memory_space<vmem>>, vector<16xf32>,
        %mul3A_825 = arith.mulf %get3A_820, %get3A_824 : vector<16xf32>
        %mul3A_826 = arith.mulf %mul3A_825, %get3A_222 : vector<16xf32>
        %add3A_827 = arith.addf %add3A_816, %mul3A_826 : vector<16xf32>
        %get3A_828 = arith.index_cast %rem3A_267 : i32 to index
        %get3A_829 = arith.index_cast %add3A_761 : i32 to index
        %get3A_830 = arith.constant 96 : index
        %get3A_831 = tpu.vector_load %arg11[%get3A_828, %get3A_829, %get3A_830] {strides = array<i32>} : memref<8x32x128xf32, #tpu.memory_space<vmem>>, vector<16xf32>,
        %get3A_832 = arith.index_cast %rem3A_267 : i32 to index
        %get3A_833 = arith.index_cast %add3A_761 : i32 to index
        %get3A_834 = arith.constant 96 : index
        %get3A_835 = tpu.vector_load %arg12[%get3A_832, %get3A_833, %get3A_834] {strides = array<i32>} : memref<8x32x128xf32, #tpu.memory_space<vmem>>, vector<16xf32>,
        %mul3A_836 = arith.mulf %get3A_831, %get3A_835 : vector<16xf32>
        %mul3A_837 = arith.mulf %mul3A_836, %get3A_224 : vector<16xf32>
        %add3A_838 = arith.addf %add3A_827, %mul3A_837 : vector<16xf32>
        %get3A_839 = arith.index_cast %rem3A_267 : i32 to index
        %get3A_840 = arith.index_cast %add3A_761 : i32 to index
        %get3A_841 = arith.constant 112 : index
        %get3A_842 = tpu.vector_load %arg11[%get3A_839, %get3A_840, %get3A_841] {strides = array<i32>} : memref<8x32x128xf32, #tpu.memory_space<vmem>>, vector<16xf32>,
        %get3A_843 = arith.index_cast %rem3A_267 : i32 to index
        %get3A_844 = arith.index_cast %add3A_761 : i32 to index
        %get3A_845 = arith.constant 112 : index
        %get3A_846 = tpu.vector_load %arg12[%get3A_843, %get3A_844, %get3A_845] {strides = array<i32>} : memref<8x32x128xf32, #tpu.memory_space<vmem>>, vector<16xf32>,
        %mul3A_847 = arith.mulf %get3A_842, %get3A_846 : vector<16xf32>
        %mul3A_848 = arith.mulf %mul3A_847, %get3A_226 : vector<16xf32>
        %add3A_849 = arith.addf %add3A_838, %mul3A_848 : vector<16xf32>
        %swap3A_850 = arith.constant 80 : index
        %swap3A_851 = tpu.vector_load %arg15[%swap3A_850] {strides = array<i32>} : memref<256xf32, #tpu.memory_space<vmem>>, vector<16xf32>,
        tpu.vector_store %arg15[%swap3A_850], %add3A_849 {strides = array<i32>} : memref<256xf32, #tpu.memory_space<vmem>>, vector<16xf32>,
        %broadcast_in_dim3A_852 = arith.constant 0.000000e+00 : f32
        %broadcast_in_dim3A_853 = vector.broadcast %broadcast_in_dim3A_852 : f32 to vector<16xf32>
        %mul3A_854 = arith.constant 16 : i32
        %mul3A_855 = arith.muli %scan3A_276, %mul3A_854 : i32
        %add3A_856 = arith.constant 6 : i32
        %add3A_857 = arith.addi %mul3A_855, %add3A_856 : i32
        %get3A_858 = arith.index_cast %rem3A_267 : i32 to index
        %get3A_859 = arith.index_cast %add3A_857 : i32 to index
        %get3A_860 = arith.constant 0 : index
        %get3A_861 = tpu.vector_load %arg11[%get3A_858, %get3A_859, %get3A_860] {strides = array<i32>} : memref<8x32x128xf32, #tpu.memory_space<vmem>>, vector<16xf32>,
        %get3A_862 = arith.index_cast %rem3A_267 : i32 to index
        %get3A_863 = arith.index_cast %add3A_857 : i32 to index
        %get3A_864 = arith.constant 0 : index
        %get3A_865 = tpu.vector_load %arg12[%get3A_862, %get3A_863, %get3A_864] {strides = array<i32>} : memref<8x32x128xf32, #tpu.memory_space<vmem>>, vector<16xf32>,
        %mul3A_866 = arith.mulf %get3A_861, %get3A_865 : vector<16xf32>
        %mul3A_867 = arith.mulf %mul3A_866, %get3A_212 : vector<16xf32>
        %add3A_868 = arith.addf %broadcast_in_dim3A_853, %mul3A_867 : vector<16xf32>
        %get3A_869 = arith.index_cast %rem3A_267 : i32 to index
        %get3A_870 = arith.index_cast %add3A_857 : i32 to index
        %get3A_871 = arith.constant 16 : index
        %get3A_872 = tpu.vector_load %arg11[%get3A_869, %get3A_870, %get3A_871] {strides = array<i32>} : memref<8x32x128xf32, #tpu.memory_space<vmem>>, vector<16xf32>,
        %get3A_873 = arith.index_cast %rem3A_267 : i32 to index
        %get3A_874 = arith.index_cast %add3A_857 : i32 to index
        %get3A_875 = arith.constant 16 : index
        %get3A_876 = tpu.vector_load %arg12[%get3A_873, %get3A_874, %get3A_875] {strides = array<i32>} : memref<8x32x128xf32, #tpu.memory_space<vmem>>, vector<16xf32>,
        %mul3A_877 = arith.mulf %get3A_872, %get3A_876 : vector<16xf32>
        %mul3A_878 = arith.mulf %mul3A_877, %get3A_214 : vector<16xf32>
        %add3A_879 = arith.addf %add3A_868, %mul3A_878 : vector<16xf32>
        %get3A_880 = arith.index_cast %rem3A_267 : i32 to index
        %get3A_881 = arith.index_cast %add3A_857 : i32 to index
        %get3A_882 = arith.constant 32 : index
        %get3A_883 = tpu.vector_load %arg11[%get3A_880, %get3A_881, %get3A_882] {strides = array<i32>} : memref<8x32x128xf32, #tpu.memory_space<vmem>>, vector<16xf32>,
        %get3A_884 = arith.index_cast %rem3A_267 : i32 to index
        %get3A_885 = arith.index_cast %add3A_857 : i32 to index
        %get3A_886 = arith.constant 32 : index
        %get3A_887 = tpu.vector_load %arg12[%get3A_884, %get3A_885, %get3A_886] {strides = array<i32>} : memref<8x32x128xf32, #tpu.memory_space<vmem>>, vector<16xf32>,
        %mul3A_888 = arith.mulf %get3A_883, %get3A_887 : vector<16xf32>
        %mul3A_889 = arith.mulf %mul3A_888, %get3A_216 : vector<16xf32>
        %add3A_890 = arith.addf %add3A_879, %mul3A_889 : vector<16xf32>
        %get3A_891 = arith.index_cast %rem3A_267 : i32 to index
        %get3A_892 = arith.index_cast %add3A_857 : i32 to index
        %get3A_893 = arith.constant 48 : index
        %get3A_894 = tpu.vector_load %arg11[%get3A_891, %get3A_892, %get3A_893] {strides = array<i32>} : memref<8x32x128xf32, #tpu.memory_space<vmem>>, vector<16xf32>,
        %get3A_895 = arith.index_cast %rem3A_267 : i32 to index
        %get3A_896 = arith.index_cast %add3A_857 : i32 to index
        %get3A_897 = arith.constant 48 : index
        %get3A_898 = tpu.vector_load %arg12[%get3A_895, %get3A_896, %get3A_897] {strides = array<i32>} : memref<8x32x128xf32, #tpu.memory_space<vmem>>, vector<16xf32>,
        %mul3A_899 = arith.mulf %get3A_894, %get3A_898 : vector<16xf32>
        %mul3A_900 = arith.mulf %mul3A_899, %get3A_218 : vector<16xf32>
        %add3A_901 = arith.addf %add3A_890, %mul3A_900 : vector<16xf32>
        %get3A_902 = arith.index_cast %rem3A_267 : i32 to index
        %get3A_903 = arith.index_cast %add3A_857 : i32 to index
        %get3A_904 = arith.constant 64 : index
        %get3A_905 = tpu.vector_load %arg11[%get3A_902, %get3A_903, %get3A_904] {strides = array<i32>} : memref<8x32x128xf32, #tpu.memory_space<vmem>>, vector<16xf32>,
        %get3A_906 = arith.index_cast %rem3A_267 : i32 to index
        %get3A_907 = arith.index_cast %add3A_857 : i32 to index
        %get3A_908 = arith.constant 64 : index
        %get3A_909 = tpu.vector_load %arg12[%get3A_906, %get3A_907, %get3A_908] {strides = array<i32>} : memref<8x32x128xf32, #tpu.memory_space<vmem>>, vector<16xf32>,
        %mul3A_910 = arith.mulf %get3A_905, %get3A_909 : vector<16xf32>
        %mul3A_911 = arith.mulf %mul3A_910, %get3A_220 : vector<16xf32>
        %add3A_912 = arith.addf %add3A_901, %mul3A_911 : vector<16xf32>
        %get3A_913 = arith.index_cast %rem3A_267 : i32 to index
        %get3A_914 = arith.index_cast %add3A_857 : i32 to index
        %get3A_915 = arith.constant 80 : index
        %get3A_916 = tpu.vector_load %arg11[%get3A_913, %get3A_914, %get3A_915] {strides = array<i32>} : memref<8x32x128xf32, #tpu.memory_space<vmem>>, vector<16xf32>,
        %get3A_917 = arith.index_cast %rem3A_267 : i32 to index
        %get3A_918 = arith.index_cast %add3A_857 : i32 to index
        %get3A_919 = arith.constant 80 : index
        %get3A_920 = tpu.vector_load %arg12[%get3A_917, %get3A_918, %get3A_919] {strides = array<i32>} : memref<8x32x128xf32, #tpu.memory_space<vmem>>, vector<16xf32>,
        %mul3A_921 = arith.mulf %get3A_916, %get3A_920 : vector<16xf32>
        %mul3A_922 = arith.mulf %mul3A_921, %get3A_222 : vector<16xf32>
        %add3A_923 = arith.addf %add3A_912, %mul3A_922 : vector<16xf32>
        %get3A_924 = arith.index_cast %rem3A_267 : i32 to index
        %get3A_925 = arith.index_cast %add3A_857 : i32 to index
        %get3A_926 = arith.constant 96 : index
        %get3A_927 = tpu.vector_load %arg11[%get3A_924, %get3A_925, %get3A_926] {strides = array<i32>} : memref<8x32x128xf32, #tpu.memory_space<vmem>>, vector<16xf32>,
        %get3A_928 = arith.index_cast %rem3A_267 : i32 to index
        %get3A_929 = arith.index_cast %add3A_857 : i32 to index
        %get3A_930 = arith.constant 96 : index
        %get3A_931 = tpu.vector_load %arg12[%get3A_928, %get3A_929, %get3A_930] {strides = array<i32>} : memref<8x32x128xf32, #tpu.memory_space<vmem>>, vector<16xf32>,
        %mul3A_932 = arith.mulf %get3A_927, %get3A_931 : vector<16xf32>
        %mul3A_933 = arith.mulf %mul3A_932, %get3A_224 : vector<16xf32>
        %add3A_934 = arith.addf %add3A_923, %mul3A_933 : vector<16xf32>
        %get3A_935 = arith.index_cast %rem3A_267 : i32 to index
        %get3A_936 = arith.index_cast %add3A_857 : i32 to index
        %get3A_937 = arith.constant 112 : index
        %get3A_938 = tpu.vector_load %arg11[%get3A_935, %get3A_936, %get3A_937] {strides = array<i32>} : memref<8x32x128xf32, #tpu.memory_space<vmem>>, vector<16xf32>,
        %get3A_939 = arith.index_cast %rem3A_267 : i32 to index
        %get3A_940 = arith.index_cast %add3A_857 : i32 to index
        %get3A_941 = arith.constant 112 : index
        %get3A_942 = tpu.vector_load %arg12[%get3A_939, %get3A_940, %get3A_941] {strides = array<i32>} : memref<8x32x128xf32, #tpu.memory_space<vmem>>, vector<16xf32>,
        %mul3A_943 = arith.mulf %get3A_938, %get3A_942 : vector<16xf32>
        %mul3A_944 = arith.mulf %mul3A_943, %get3A_226 : vector<16xf32>
        %add3A_945 = arith.addf %add3A_934, %mul3A_944 : vector<16xf32>
        %swap3A_946 = arith.constant 96 : index
        %swap3A_947 = tpu.vector_load %arg15[%swap3A_946] {strides = array<i32>} : memref<256xf32, #tpu.memory_space<vmem>>, vector<16xf32>,
        tpu.vector_store %arg15[%swap3A_946], %add3A_945 {strides = array<i32>} : memref<256xf32, #tpu.memory_space<vmem>>, vector<16xf32>,
        %broadcast_in_dim3A_948 = arith.constant 0.000000e+00 : f32
        %broadcast_in_dim3A_949 = vector.broadcast %broadcast_in_dim3A_948 : f32 to vector<16xf32>
        %mul3A_950 = arith.constant 16 : i32
        %mul3A_951 = arith.muli %scan3A_276, %mul3A_950 : i32
        %add3A_952 = arith.constant 7 : i32
        %add3A_953 = arith.addi %mul3A_951, %add3A_952 : i32
        %get3A_954 = arith.index_cast %rem3A_267 : i32 to index
        %get3A_955 = arith.index_cast %add3A_953 : i32 to index
        %get3A_956 = arith.constant 0 : index
        %get3A_957 = tpu.vector_load %arg11[%get3A_954, %get3A_955, %get3A_956] {strides = array<i32>} : memref<8x32x128xf32, #tpu.memory_space<vmem>>, vector<16xf32>,
        %get3A_958 = arith.index_cast %rem3A_267 : i32 to index
        %get3A_959 = arith.index_cast %add3A_953 : i32 to index
        %get3A_960 = arith.constant 0 : index
        %get3A_961 = tpu.vector_load %arg12[%get3A_958, %get3A_959, %get3A_960] {strides = array<i32>} : memref<8x32x128xf32, #tpu.memory_space<vmem>>, vector<16xf32>,
        %mul3A_962 = arith.mulf %get3A_957, %get3A_961 : vector<16xf32>
        %mul3A_963 = arith.mulf %mul3A_962, %get3A_212 : vector<16xf32>
        %add3A_964 = arith.addf %broadcast_in_dim3A_949, %mul3A_963 : vector<16xf32>
        %get3A_965 = arith.index_cast %rem3A_267 : i32 to index
        %get3A_966 = arith.index_cast %add3A_953 : i32 to index
        %get3A_967 = arith.constant 16 : index
        %get3A_968 = tpu.vector_load %arg11[%get3A_965, %get3A_966, %get3A_967] {strides = array<i32>} : memref<8x32x128xf32, #tpu.memory_space<vmem>>, vector<16xf32>,
        %get3A_969 = arith.index_cast %rem3A_267 : i32 to index
        %get3A_970 = arith.index_cast %add3A_953 : i32 to index
        %get3A_971 = arith.constant 16 : index
        %get3A_972 = tpu.vector_load %arg12[%get3A_969, %get3A_970, %get3A_971] {strides = array<i32>} : memref<8x32x128xf32, #tpu.memory_space<vmem>>, vector<16xf32>,
        %mul3A_973 = arith.mulf %get3A_968, %get3A_972 : vector<16xf32>
        %mul3A_974 = arith.mulf %mul3A_973, %get3A_214 : vector<16xf32>
        %add3A_975 = arith.addf %add3A_964, %mul3A_974 : vector<16xf32>
        %get3A_976 = arith.index_cast %rem3A_267 : i32 to index
        %get3A_977 = arith.index_cast %add3A_953 : i32 to index
        %get3A_978 = arith.constant 32 : index
        %get3A_979 = tpu.vector_load %arg11[%get3A_976, %get3A_977, %get3A_978] {strides = array<i32>} : memref<8x32x128xf32, #tpu.memory_space<vmem>>, vector<16xf32>,
        %get3A_980 = arith.index_cast %rem3A_267 : i32 to index
        %get3A_981 = arith.index_cast %add3A_953 : i32 to index
        %get3A_982 = arith.constant 32 : index
        %get3A_983 = tpu.vector_load %arg12[%get3A_980, %get3A_981, %get3A_982] {strides = array<i32>} : memref<8x32x128xf32, #tpu.memory_space<vmem>>, vector<16xf32>,
        %mul3A_984 = arith.mulf %get3A_979, %get3A_983 : vector<16xf32>
        %mul3A_985 = arith.mulf %mul3A_984, %get3A_216 : vector<16xf32>
        %add3A_986 = arith.addf %add3A_975, %mul3A_985 : vector<16xf32>
        %get3A_987 = arith.index_cast %rem3A_267 : i32 to index
        %get3A_988 = arith.index_cast %add3A_953 : i32 to index
        %get3A_989 = arith.constant 48 : index
        %get3A_990 = tpu.vector_load %arg11[%get3A_987, %get3A_988, %get3A_989] {strides = array<i32>} : memref<8x32x128xf32, #tpu.memory_space<vmem>>, vector<16xf32>,
        %get3A_991 = arith.index_cast %rem3A_267 : i32 to index
        %get3A_992 = arith.index_cast %add3A_953 : i32 to index
        %get3A_993 = arith.constant 48 : index
        %get3A_994 = tpu.vector_load %arg12[%get3A_991, %get3A_992, %get3A_993] {strides = array<i32>} : memref<8x32x128xf32, #tpu.memory_space<vmem>>, vector<16xf32>,
        %mul3A_995 = arith.mulf %get3A_990, %get3A_994 : vector<16xf32>
        %mul3A_996 = arith.mulf %mul3A_995, %get3A_218 : vector<16xf32>
        %add3A_997 = arith.addf %add3A_986, %mul3A_996 : vector<16xf32>
        %get3A_998 = arith.index_cast %rem3A_267 : i32 to index
        %get3A_999 = arith.index_cast %add3A_953 : i32 to index
        %get3A_1000 = arith.constant 64 : index
        %get3A_1001 = tpu.vector_load %arg11[%get3A_998, %get3A_999, %get3A_1000] {strides = array<i32>} : memref<8x32x128xf32, #tpu.memory_space<vmem>>, vector<16xf32>,
        %get3A_1002 = arith.index_cast %rem3A_267 : i32 to index
        %get3A_1003 = arith.index_cast %add3A_953 : i32 to index
        %get3A_1004 = arith.constant 64 : index
        %get3A_1005 = tpu.vector_load %arg12[%get3A_1002, %get3A_1003, %get3A_1004] {strides = array<i32>} : memref<8x32x128xf32, #tpu.memory_space<vmem>>, vector<16xf32>,
        %mul3A_1006 = arith.mulf %get3A_1001, %get3A_1005 : vector<16xf32>
        %mul3A_1007 = arith.mulf %mul3A_1006, %get3A_220 : vector<16xf32>
        %add3A_1008 = arith.addf %add3A_997, %mul3A_1007 : vector<16xf32>
        %get3A_1009 = arith.index_cast %rem3A_267 : i32 to index
        %get3A_1010 = arith.index_cast %add3A_953 : i32 to index
        %get3A_1011 = arith.constant 80 : index
        %get3A_1012 = tpu.vector_load %arg11[%get3A_1009, %get3A_1010, %get3A_1011] {strides = array<i32>} : memref<8x32x128xf32, #tpu.memory_space<vmem>>, vector<16xf32>,
        %get3A_1013 = arith.index_cast %rem3A_267 : i32 to index
        %get3A_1014 = arith.index_cast %add3A_953 : i32 to index
        %get3A_1015 = arith.constant 80 : index
        %get3A_1016 = tpu.vector_load %arg12[%get3A_1013, %get3A_1014, %get3A_1015] {strides = array<i32>} : memref<8x32x128xf32, #tpu.memory_space<vmem>>, vector<16xf32>,
        %mul3A_1017 = arith.mulf %get3A_1012, %get3A_1016 : vector<16xf32>
        %mul3A_1018 = arith.mulf %mul3A_1017, %get3A_222 : vector<16xf32>
        %add3A_1019 = arith.addf %add3A_1008, %mul3A_1018 : vector<16xf32>
        %get3A_1020 = arith.index_cast %rem3A_267 : i32 to index
        %get3A_1021 = arith.index_cast %add3A_953 : i32 to index
        %get3A_1022 = arith.constant 96 : index
        %get3A_1023 = tpu.vector_load %arg11[%get3A_1020, %get3A_1021, %get3A_1022] {strides = array<i32>} : memref<8x32x128xf32, #tpu.memory_space<vmem>>, vector<16xf32>,
        %get3A_1024 = arith.index_cast %rem3A_267 : i32 to index
        %get3A_1025 = arith.index_cast %add3A_953 : i32 to index
        %get3A_1026 = arith.constant 96 : index
        %get3A_1027 = tpu.vector_load %arg12[%get3A_1024, %get3A_1025, %get3A_1026] {strides = array<i32>} : memref<8x32x128xf32, #tpu.memory_space<vmem>>, vector<16xf32>,
        %mul3A_1028 = arith.mulf %get3A_1023, %get3A_1027 : vector<16xf32>
        %mul3A_1029 = arith.mulf %mul3A_1028, %get3A_224 : vector<16xf32>
        %add3A_1030 = arith.addf %add3A_1019, %mul3A_1029 : vector<16xf32>
        %get3A_1031 = arith.index_cast %rem3A_267 : i32 to index
        %get3A_1032 = arith.index_cast %add3A_953 : i32 to index
        %get3A_1033 = arith.constant 112 : index
        %get3A_1034 = tpu.vector_load %arg11[%get3A_1031, %get3A_1032, %get3A_1033] {strides = array<i32>} : memref<8x32x128xf32, #tpu.memory_space<vmem>>, vector<16xf32>,
        %get3A_1035 = arith.index_cast %rem3A_267 : i32 to index
        %get3A_1036 = arith.index_cast %add3A_953 : i32 to index
        %get3A_1037 = arith.constant 112 : index
        %get3A_1038 = tpu.vector_load %arg12[%get3A_1035, %get3A_1036, %get3A_1037] {strides = array<i32>} : memref<8x32x128xf32, #tpu.memory_space<vmem>>, vector<16xf32>,
        %mul3A_1039 = arith.mulf %get3A_1034, %get3A_1038 : vector<16xf32>
        %mul3A_1040 = arith.mulf %mul3A_1039, %get3A_226 : vector<16xf32>
        %add3A_1041 = arith.addf %add3A_1030, %mul3A_1040 : vector<16xf32>
        %swap3A_1042 = arith.constant 112 : index
        %swap3A_1043 = tpu.vector_load %arg15[%swap3A_1042] {strides = array<i32>} : memref<256xf32, #tpu.memory_space<vmem>>, vector<16xf32>,
        tpu.vector_store %arg15[%swap3A_1042], %add3A_1041 {strides = array<i32>} : memref<256xf32, #tpu.memory_space<vmem>>, vector<16xf32>,
        %broadcast_in_dim3A_1044 = arith.constant 0.000000e+00 : f32
        %broadcast_in_dim3A_1045 = vector.broadcast %broadcast_in_dim3A_1044 : f32 to vector<16xf32>
        %mul3A_1046 = arith.constant 16 : i32
        %mul3A_1047 = arith.muli %scan3A_276, %mul3A_1046 : i32
        %add3A_1048 = arith.constant 8 : i32
        %add3A_1049 = arith.addi %mul3A_1047, %add3A_1048 : i32
        %get3A_1050 = arith.index_cast %rem3A_267 : i32 to index
        %get3A_1051 = arith.index_cast %add3A_1049 : i32 to index
        %get3A_1052 = arith.constant 0 : index
        %get3A_1053 = tpu.vector_load %arg11[%get3A_1050, %get3A_1051, %get3A_1052] {strides = array<i32>} : memref<8x32x128xf32, #tpu.memory_space<vmem>>, vector<16xf32>,
        %get3A_1054 = arith.index_cast %rem3A_267 : i32 to index
        %get3A_1055 = arith.index_cast %add3A_1049 : i32 to index
        %get3A_1056 = arith.constant 0 : index
        %get3A_1057 = tpu.vector_load %arg12[%get3A_1054, %get3A_1055, %get3A_1056] {strides = array<i32>} : memref<8x32x128xf32, #tpu.memory_space<vmem>>, vector<16xf32>,
        %mul3A_1058 = arith.mulf %get3A_1053, %get3A_1057 : vector<16xf32>
        %mul3A_1059 = arith.mulf %mul3A_1058, %get3A_212 : vector<16xf32>
        %add3A_1060 = arith.addf %broadcast_in_dim3A_1045, %mul3A_1059 : vector<16xf32>
        %get3A_1061 = arith.index_cast %rem3A_267 : i32 to index
        %get3A_1062 = arith.index_cast %add3A_1049 : i32 to index
        %get3A_1063 = arith.constant 16 : index
        %get3A_1064 = tpu.vector_load %arg11[%get3A_1061, %get3A_1062, %get3A_1063] {strides = array<i32>} : memref<8x32x128xf32, #tpu.memory_space<vmem>>, vector<16xf32>,
        %get3A_1065 = arith.index_cast %rem3A_267 : i32 to index
        %get3A_1066 = arith.index_cast %add3A_1049 : i32 to index
        %get3A_1067 = arith.constant 16 : index
        %get3A_1068 = tpu.vector_load %arg12[%get3A_1065, %get3A_1066, %get3A_1067] {strides = array<i32>} : memref<8x32x128xf32, #tpu.memory_space<vmem>>, vector<16xf32>,
        %mul3A_1069 = arith.mulf %get3A_1064, %get3A_1068 : vector<16xf32>
        %mul3A_1070 = arith.mulf %mul3A_1069, %get3A_214 : vector<16xf32>
        %add3A_1071 = arith.addf %add3A_1060, %mul3A_1070 : vector<16xf32>
        %get3A_1072 = arith.index_cast %rem3A_267 : i32 to index
        %get3A_1073 = arith.index_cast %add3A_1049 : i32 to index
        %get3A_1074 = arith.constant 32 : index
        %get3A_1075 = tpu.vector_load %arg11[%get3A_1072, %get3A_1073, %get3A_1074] {strides = array<i32>} : memref<8x32x128xf32, #tpu.memory_space<vmem>>, vector<16xf32>,
        %get3A_1076 = arith.index_cast %rem3A_267 : i32 to index
        %get3A_1077 = arith.index_cast %add3A_1049 : i32 to index
        %get3A_1078 = arith.constant 32 : index
        %get3A_1079 = tpu.vector_load %arg12[%get3A_1076, %get3A_1077, %get3A_1078] {strides = array<i32>} : memref<8x32x128xf32, #tpu.memory_space<vmem>>, vector<16xf32>,
        %mul3A_1080 = arith.mulf %get3A_1075, %get3A_1079 : vector<16xf32>
        %mul3A_1081 = arith.mulf %mul3A_1080, %get3A_216 : vector<16xf32>
        %add3A_1082 = arith.addf %add3A_1071, %mul3A_1081 : vector<16xf32>
        %get3A_1083 = arith.index_cast %rem3A_267 : i32 to index
        %get3A_1084 = arith.index_cast %add3A_1049 : i32 to index
        %get3A_1085 = arith.constant 48 : index
        %get3A_1086 = tpu.vector_load %arg11[%get3A_1083, %get3A_1084, %get3A_1085] {strides = array<i32>} : memref<8x32x128xf32, #tpu.memory_space<vmem>>, vector<16xf32>,
        %get3A_1087 = arith.index_cast %rem3A_267 : i32 to index
        %get3A_1088 = arith.index_cast %add3A_1049 : i32 to index
        %get3A_1089 = arith.constant 48 : index
        %get3A_1090 = tpu.vector_load %arg12[%get3A_1087, %get3A_1088, %get3A_1089] {strides = array<i32>} : memref<8x32x128xf32, #tpu.memory_space<vmem>>, vector<16xf32>,
        %mul3A_1091 = arith.mulf %get3A_1086, %get3A_1090 : vector<16xf32>
        %mul3A_1092 = arith.mulf %mul3A_1091, %get3A_218 : vector<16xf32>
        %add3A_1093 = arith.addf %add3A_1082, %mul3A_1092 : vector<16xf32>
        %get3A_1094 = arith.index_cast %rem3A_267 : i32 to index
        %get3A_1095 = arith.index_cast %add3A_1049 : i32 to index
        %get3A_1096 = arith.constant 64 : index
        %get3A_1097 = tpu.vector_load %arg11[%get3A_1094, %get3A_1095, %get3A_1096] {strides = array<i32>} : memref<8x32x128xf32, #tpu.memory_space<vmem>>, vector<16xf32>,
        %get3A_1098 = arith.index_cast %rem3A_267 : i32 to index
        %get3A_1099 = arith.index_cast %add3A_1049 : i32 to index
        %get3A_1100 = arith.constant 64 : index
        %get3A_1101 = tpu.vector_load %arg12[%get3A_1098, %get3A_1099, %get3A_1100] {strides = array<i32>} : memref<8x32x128xf32, #tpu.memory_space<vmem>>, vector<16xf32>,
        %mul3A_1102 = arith.mulf %get3A_1097, %get3A_1101 : vector<16xf32>
        %mul3A_1103 = arith.mulf %mul3A_1102, %get3A_220 : vector<16xf32>
        %add3A_1104 = arith.addf %add3A_1093, %mul3A_1103 : vector<16xf32>
        %get3A_1105 = arith.index_cast %rem3A_267 : i32 to index
        %get3A_1106 = arith.index_cast %add3A_1049 : i32 to index
        %get3A_1107 = arith.constant 80 : index
        %get3A_1108 = tpu.vector_load %arg11[%get3A_1105, %get3A_1106, %get3A_1107] {strides = array<i32>} : memref<8x32x128xf32, #tpu.memory_space<vmem>>, vector<16xf32>,
        %get3A_1109 = arith.index_cast %rem3A_267 : i32 to index
        %get3A_1110 = arith.index_cast %add3A_1049 : i32 to index
        %get3A_1111 = arith.constant 80 : index
        %get3A_1112 = tpu.vector_load %arg12[%get3A_1109, %get3A_1110, %get3A_1111] {strides = array<i32>} : memref<8x32x128xf32, #tpu.memory_space<vmem>>, vector<16xf32>,
        %mul3A_1113 = arith.mulf %get3A_1108, %get3A_1112 : vector<16xf32>
        %mul3A_1114 = arith.mulf %mul3A_1113, %get3A_222 : vector<16xf32>
        %add3A_1115 = arith.addf %add3A_1104, %mul3A_1114 : vector<16xf32>
        %get3A_1116 = arith.index_cast %rem3A_267 : i32 to index
        %get3A_1117 = arith.index_cast %add3A_1049 : i32 to index
        %get3A_1118 = arith.constant 96 : index
        %get3A_1119 = tpu.vector_load %arg11[%get3A_1116, %get3A_1117, %get3A_1118] {strides = array<i32>} : memref<8x32x128xf32, #tpu.memory_space<vmem>>, vector<16xf32>,
        %get3A_1120 = arith.index_cast %rem3A_267 : i32 to index
        %get3A_1121 = arith.index_cast %add3A_1049 : i32 to index
        %get3A_1122 = arith.constant 96 : index
        %get3A_1123 = tpu.vector_load %arg12[%get3A_1120, %get3A_1121, %get3A_1122] {strides = array<i32>} : memref<8x32x128xf32, #tpu.memory_space<vmem>>, vector<16xf32>,
        %mul3A_1124 = arith.mulf %get3A_1119, %get3A_1123 : vector<16xf32>
        %mul3A_1125 = arith.mulf %mul3A_1124, %get3A_224 : vector<16xf32>
        %add3A_1126 = arith.addf %add3A_1115, %mul3A_1125 : vector<16xf32>
        %get3A_1127 = arith.index_cast %rem3A_267 : i32 to index
        %get3A_1128 = arith.index_cast %add3A_1049 : i32 to index
        %get3A_1129 = arith.constant 112 : index
        %get3A_1130 = tpu.vector_load %arg11[%get3A_1127, %get3A_1128, %get3A_1129] {strides = array<i32>} : memref<8x32x128xf32, #tpu.memory_space<vmem>>, vector<16xf32>,
        %get3A_1131 = arith.index_cast %rem3A_267 : i32 to index
        %get3A_1132 = arith.index_cast %add3A_1049 : i32 to index
        %get3A_1133 = arith.constant 112 : index
        %get3A_1134 = tpu.vector_load %arg12[%get3A_1131, %get3A_1132, %get3A_1133] {strides = array<i32>} : memref<8x32x128xf32, #tpu.memory_space<vmem>>, vector<16xf32>,
        %mul3A_1135 = arith.mulf %get3A_1130, %get3A_1134 : vector<16xf32>
        %mul3A_1136 = arith.mulf %mul3A_1135, %get3A_226 : vector<16xf32>
        %add3A_1137 = arith.addf %add3A_1126, %mul3A_1136 : vector<16xf32>
        %swap3A_1138 = arith.constant 128 : index
        %swap3A_1139 = tpu.vector_load %arg15[%swap3A_1138] {strides = array<i32>} : memref<256xf32, #tpu.memory_space<vmem>>, vector<16xf32>,
        tpu.vector_store %arg15[%swap3A_1138], %add3A_1137 {strides = array<i32>} : memref<256xf32, #tpu.memory_space<vmem>>, vector<16xf32>,
        %broadcast_in_dim3A_1140 = arith.constant 0.000000e+00 : f32
        %broadcast_in_dim3A_1141 = vector.broadcast %broadcast_in_dim3A_1140 : f32 to vector<16xf32>
        %mul3A_1142 = arith.constant 16 : i32
        %mul3A_1143 = arith.muli %scan3A_276, %mul3A_1142 : i32
        %add3A_1144 = arith.constant 9 : i32
        %add3A_1145 = arith.addi %mul3A_1143, %add3A_1144 : i32
        %get3A_1146 = arith.index_cast %rem3A_267 : i32 to index
        %get3A_1147 = arith.index_cast %add3A_1145 : i32 to index
        %get3A_1148 = arith.constant 0 : index
        %get3A_1149 = tpu.vector_load %arg11[%get3A_1146, %get3A_1147, %get3A_1148] {strides = array<i32>} : memref<8x32x128xf32, #tpu.memory_space<vmem>>, vector<16xf32>,
        %get3A_1150 = arith.index_cast %rem3A_267 : i32 to index
        %get3A_1151 = arith.index_cast %add3A_1145 : i32 to index
        %get3A_1152 = arith.constant 0 : index
        %get3A_1153 = tpu.vector_load %arg12[%get3A_1150, %get3A_1151, %get3A_1152] {strides = array<i32>} : memref<8x32x128xf32, #tpu.memory_space<vmem>>, vector<16xf32>,
        %mul3A_1154 = arith.mulf %get3A_1149, %get3A_1153 : vector<16xf32>
        %mul3A_1155 = arith.mulf %mul3A_1154, %get3A_212 : vector<16xf32>
        %add3A_1156 = arith.addf %broadcast_in_dim3A_1141, %mul3A_1155 : vector<16xf32>
        %get3A_1157 = arith.index_cast %rem3A_267 : i32 to index
        %get3A_1158 = arith.index_cast %add3A_1145 : i32 to index
        %get3A_1159 = arith.constant 16 : index
        %get3A_1160 = tpu.vector_load %arg11[%get3A_1157, %get3A_1158, %get3A_1159] {strides = array<i32>} : memref<8x32x128xf32, #tpu.memory_space<vmem>>, vector<16xf32>,
        %get3A_1161 = arith.index_cast %rem3A_267 : i32 to index
        %get3A_1162 = arith.index_cast %add3A_1145 : i32 to index
        %get3A_1163 = arith.constant 16 : index
        %get3A_1164 = tpu.vector_load %arg12[%get3A_1161, %get3A_1162, %get3A_1163] {strides = array<i32>} : memref<8x32x128xf32, #tpu.memory_space<vmem>>, vector<16xf32>,
        %mul3A_1165 = arith.mulf %get3A_1160, %get3A_1164 : vector<16xf32>
        %mul3A_1166 = arith.mulf %mul3A_1165, %get3A_214 : vector<16xf32>
        %add3A_1167 = arith.addf %add3A_1156, %mul3A_1166 : vector<16xf32>
        %get3A_1168 = arith.index_cast %rem3A_267 : i32 to index
        %get3A_1169 = arith.index_cast %add3A_1145 : i32 to index
        %get3A_1170 = arith.constant 32 : index
        %get3A_1171 = tpu.vector_load %arg11[%get3A_1168, %get3A_1169, %get3A_1170] {strides = array<i32>} : memref<8x32x128xf32, #tpu.memory_space<vmem>>, vector<16xf32>,
        %get3A_1172 = arith.index_cast %rem3A_267 : i32 to index
        %get3A_1173 = arith.index_cast %add3A_1145 : i32 to index
        %get3A_1174 = arith.constant 32 : index
        %get3A_1175 = tpu.vector_load %arg12[%get3A_1172, %get3A_1173, %get3A_1174] {strides = array<i32>} : memref<8x32x128xf32, #tpu.memory_space<vmem>>, vector<16xf32>,
        %mul3A_1176 = arith.mulf %get3A_1171, %get3A_1175 : vector<16xf32>
        %mul3A_1177 = arith.mulf %mul3A_1176, %get3A_216 : vector<16xf32>
        %add3A_1178 = arith.addf %add3A_1167, %mul3A_1177 : vector<16xf32>
        %get3A_1179 = arith.index_cast %rem3A_267 : i32 to index
        %get3A_1180 = arith.index_cast %add3A_1145 : i32 to index
        %get3A_1181 = arith.constant 48 : index
        %get3A_1182 = tpu.vector_load %arg11[%get3A_1179, %get3A_1180, %get3A_1181] {strides = array<i32>} : memref<8x32x128xf32, #tpu.memory_space<vmem>>, vector<16xf32>,
        %get3A_1183 = arith.index_cast %rem3A_267 : i32 to index
        %get3A_1184 = arith.index_cast %add3A_1145 : i32 to index
        %get3A_1185 = arith.constant 48 : index
        %get3A_1186 = tpu.vector_load %arg12[%get3A_1183, %get3A_1184, %get3A_1185] {strides = array<i32>} : memref<8x32x128xf32, #tpu.memory_space<vmem>>, vector<16xf32>,
        %mul3A_1187 = arith.mulf %get3A_1182, %get3A_1186 : vector<16xf32>
        %mul3A_1188 = arith.mulf %mul3A_1187, %get3A_218 : vector<16xf32>
        %add3A_1189 = arith.addf %add3A_1178, %mul3A_1188 : vector<16xf32>
        %get3A_1190 = arith.index_cast %rem3A_267 : i32 to index
        %get3A_1191 = arith.index_cast %add3A_1145 : i32 to index
        %get3A_1192 = arith.constant 64 : index
        %get3A_1193 = tpu.vector_load %arg11[%get3A_1190, %get3A_1191, %get3A_1192] {strides = array<i32>} : memref<8x32x128xf32, #tpu.memory_space<vmem>>, vector<16xf32>,
        %get3A_1194 = arith.index_cast %rem3A_267 : i32 to index
        %get3A_1195 = arith.index_cast %add3A_1145 : i32 to index
        %get3A_1196 = arith.constant 64 : index
        %get3A_1197 = tpu.vector_load %arg12[%get3A_1194, %get3A_1195, %get3A_1196] {strides = array<i32>} : memref<8x32x128xf32, #tpu.memory_space<vmem>>, vector<16xf32>,
        %mul3A_1198 = arith.mulf %get3A_1193, %get3A_1197 : vector<16xf32>
        %mul3A_1199 = arith.mulf %mul3A_1198, %get3A_220 : vector<16xf32>
        %add3A_1200 = arith.addf %add3A_1189, %mul3A_1199 : vector<16xf32>
        %get3A_1201 = arith.index_cast %rem3A_267 : i32 to index
        %get3A_1202 = arith.index_cast %add3A_1145 : i32 to index
        %get3A_1203 = arith.constant 80 : index
        %get3A_1204 = tpu.vector_load %arg11[%get3A_1201, %get3A_1202, %get3A_1203] {strides = array<i32>} : memref<8x32x128xf32, #tpu.memory_space<vmem>>, vector<16xf32>,
        %get3A_1205 = arith.index_cast %rem3A_267 : i32 to index
        %get3A_1206 = arith.index_cast %add3A_1145 : i32 to index
        %get3A_1207 = arith.constant 80 : index
        %get3A_1208 = tpu.vector_load %arg12[%get3A_1205, %get3A_1206, %get3A_1207] {strides = array<i32>} : memref<8x32x128xf32, #tpu.memory_space<vmem>>, vector<16xf32>,
        %mul3A_1209 = arith.mulf %get3A_1204, %get3A_1208 : vector<16xf32>
        %mul3A_1210 = arith.mulf %mul3A_1209, %get3A_222 : vector<16xf32>
        %add3A_1211 = arith.addf %add3A_1200, %mul3A_1210 : vector<16xf32>
        %get3A_1212 = arith.index_cast %rem3A_267 : i32 to index
        %get3A_1213 = arith.index_cast %add3A_1145 : i32 to index
        %get3A_1214 = arith.constant 96 : index
        %get3A_1215 = tpu.vector_load %arg11[%get3A_1212, %get3A_1213, %get3A_1214] {strides = array<i32>} : memref<8x32x128xf32, #tpu.memory_space<vmem>>, vector<16xf32>,
        %get3A_1216 = arith.index_cast %rem3A_267 : i32 to index
        %get3A_1217 = arith.index_cast %add3A_1145 : i32 to index
        %get3A_1218 = arith.constant 96 : index
        %get3A_1219 = tpu.vector_load %arg12[%get3A_1216, %get3A_1217, %get3A_1218] {strides = array<i32>} : memref<8x32x128xf32, #tpu.memory_space<vmem>>, vector<16xf32>,
        %mul3A_1220 = arith.mulf %get3A_1215, %get3A_1219 : vector<16xf32>
        %mul3A_1221 = arith.mulf %mul3A_1220, %get3A_224 : vector<16xf32>
        %add3A_1222 = arith.addf %add3A_1211, %mul3A_1221 : vector<16xf32>
        %get3A_1223 = arith.index_cast %rem3A_267 : i32 to index
        %get3A_1224 = arith.index_cast %add3A_1145 : i32 to index
        %get3A_1225 = arith.constant 112 : index
        %get3A_1226 = tpu.vector_load %arg11[%get3A_1223, %get3A_1224, %get3A_1225] {strides = array<i32>} : memref<8x32x128xf32, #tpu.memory_space<vmem>>, vector<16xf32>,
        %get3A_1227 = arith.index_cast %rem3A_267 : i32 to index
        %get3A_1228 = arith.index_cast %add3A_1145 : i32 to index
        %get3A_1229 = arith.constant 112 : index
        %get3A_1230 = tpu.vector_load %arg12[%get3A_1227, %get3A_1228, %get3A_1229] {strides = array<i32>} : memref<8x32x128xf32, #tpu.memory_space<vmem>>, vector<16xf32>,
        %mul3A_1231 = arith.mulf %get3A_1226, %get3A_1230 : vector<16xf32>
        %mul3A_1232 = arith.mulf %mul3A_1231, %get3A_226 : vector<16xf32>
        %add3A_1233 = arith.addf %add3A_1222, %mul3A_1232 : vector<16xf32>
        %swap3A_1234 = arith.constant 144 : index
        %swap3A_1235 = tpu.vector_load %arg15[%swap3A_1234] {strides = array<i32>} : memref<256xf32, #tpu.memory_space<vmem>>, vector<16xf32>,
        tpu.vector_store %arg15[%swap3A_1234], %add3A_1233 {strides = array<i32>} : memref<256xf32, #tpu.memory_space<vmem>>, vector<16xf32>,
        %broadcast_in_dim3A_1236 = arith.constant 0.000000e+00 : f32
        %broadcast_in_dim3A_1237 = vector.broadcast %broadcast_in_dim3A_1236 : f32 to vector<16xf32>
        %mul3A_1238 = arith.constant 16 : i32
        %mul3A_1239 = arith.muli %scan3A_276, %mul3A_1238 : i32
        %add3A_1240 = arith.constant 10 : i32
        %add3A_1241 = arith.addi %mul3A_1239, %add3A_1240 : i32
        %get3A_1242 = arith.index_cast %rem3A_267 : i32 to index
        %get3A_1243 = arith.index_cast %add3A_1241 : i32 to index
        %get3A_1244 = arith.constant 0 : index
        %get3A_1245 = tpu.vector_load %arg11[%get3A_1242, %get3A_1243, %get3A_1244] {strides = array<i32>} : memref<8x32x128xf32, #tpu.memory_space<vmem>>, vector<16xf32>,
        %get3A_1246 = arith.index_cast %rem3A_267 : i32 to index
        %get3A_1247 = arith.index_cast %add3A_1241 : i32 to index
        %get3A_1248 = arith.constant 0 : index
        %get3A_1249 = tpu.vector_load %arg12[%get3A_1246, %get3A_1247, %get3A_1248] {strides = array<i32>} : memref<8x32x128xf32, #tpu.memory_space<vmem>>, vector<16xf32>,
        %mul3A_1250 = arith.mulf %get3A_1245, %get3A_1249 : vector<16xf32>
        %mul3A_1251 = arith.mulf %mul3A_1250, %get3A_212 : vector<16xf32>
        %add3A_1252 = arith.addf %broadcast_in_dim3A_1237, %mul3A_1251 : vector<16xf32>
        %get3A_1253 = arith.index_cast %rem3A_267 : i32 to index
        %get3A_1254 = arith.index_cast %add3A_1241 : i32 to index
        %get3A_1255 = arith.constant 16 : index
        %get3A_1256 = tpu.vector_load %arg11[%get3A_1253, %get3A_1254, %get3A_1255] {strides = array<i32>} : memref<8x32x128xf32, #tpu.memory_space<vmem>>, vector<16xf32>,
        %get3A_1257 = arith.index_cast %rem3A_267 : i32 to index
        %get3A_1258 = arith.index_cast %add3A_1241 : i32 to index
        %get3A_1259 = arith.constant 16 : index
        %get3A_1260 = tpu.vector_load %arg12[%get3A_1257, %get3A_1258, %get3A_1259] {strides = array<i32>} : memref<8x32x128xf32, #tpu.memory_space<vmem>>, vector<16xf32>,
        %mul3A_1261 = arith.mulf %get3A_1256, %get3A_1260 : vector<16xf32>
        %mul3A_1262 = arith.mulf %mul3A_1261, %get3A_214 : vector<16xf32>
        %add3A_1263 = arith.addf %add3A_1252, %mul3A_1262 : vector<16xf32>
        %get3A_1264 = arith.index_cast %rem3A_267 : i32 to index
        %get3A_1265 = arith.index_cast %add3A_1241 : i32 to index
        %get3A_1266 = arith.constant 32 : index
        %get3A_1267 = tpu.vector_load %arg11[%get3A_1264, %get3A_1265, %get3A_1266] {strides = array<i32>} : memref<8x32x128xf32, #tpu.memory_space<vmem>>, vector<16xf32>,
        %get3A_1268 = arith.index_cast %rem3A_267 : i32 to index
        %get3A_1269 = arith.index_cast %add3A_1241 : i32 to index
        %get3A_1270 = arith.constant 32 : index
        %get3A_1271 = tpu.vector_load %arg12[%get3A_1268, %get3A_1269, %get3A_1270] {strides = array<i32>} : memref<8x32x128xf32, #tpu.memory_space<vmem>>, vector<16xf32>,
        %mul3A_1272 = arith.mulf %get3A_1267, %get3A_1271 : vector<16xf32>
        %mul3A_1273 = arith.mulf %mul3A_1272, %get3A_216 : vector<16xf32>
        %add3A_1274 = arith.addf %add3A_1263, %mul3A_1273 : vector<16xf32>
        %get3A_1275 = arith.index_cast %rem3A_267 : i32 to index
        %get3A_1276 = arith.index_cast %add3A_1241 : i32 to index
        %get3A_1277 = arith.constant 48 : index
        %get3A_1278 = tpu.vector_load %arg11[%get3A_1275, %get3A_1276, %get3A_1277] {strides = array<i32>} : memref<8x32x128xf32, #tpu.memory_space<vmem>>, vector<16xf32>,
        %get3A_1279 = arith.index_cast %rem3A_267 : i32 to index
        %get3A_1280 = arith.index_cast %add3A_1241 : i32 to index
        %get3A_1281 = arith.constant 48 : index
        %get3A_1282 = tpu.vector_load %arg12[%get3A_1279, %get3A_1280, %get3A_1281] {strides = array<i32>} : memref<8x32x128xf32, #tpu.memory_space<vmem>>, vector<16xf32>,
        %mul3A_1283 = arith.mulf %get3A_1278, %get3A_1282 : vector<16xf32>
        %mul3A_1284 = arith.mulf %mul3A_1283, %get3A_218 : vector<16xf32>
        %add3A_1285 = arith.addf %add3A_1274, %mul3A_1284 : vector<16xf32>
        %get3A_1286 = arith.index_cast %rem3A_267 : i32 to index
        %get3A_1287 = arith.index_cast %add3A_1241 : i32 to index
        %get3A_1288 = arith.constant 64 : index
        %get3A_1289 = tpu.vector_load %arg11[%get3A_1286, %get3A_1287, %get3A_1288] {strides = array<i32>} : memref<8x32x128xf32, #tpu.memory_space<vmem>>, vector<16xf32>,
        %get3A_1290 = arith.index_cast %rem3A_267 : i32 to index
        %get3A_1291 = arith.index_cast %add3A_1241 : i32 to index
        %get3A_1292 = arith.constant 64 : index
        %get3A_1293 = tpu.vector_load %arg12[%get3A_1290, %get3A_1291, %get3A_1292] {strides = array<i32>} : memref<8x32x128xf32, #tpu.memory_space<vmem>>, vector<16xf32>,
        %mul3A_1294 = arith.mulf %get3A_1289, %get3A_1293 : vector<16xf32>
        %mul3A_1295 = arith.mulf %mul3A_1294, %get3A_220 : vector<16xf32>
        %add3A_1296 = arith.addf %add3A_1285, %mul3A_1295 : vector<16xf32>
        %get3A_1297 = arith.index_cast %rem3A_267 : i32 to index
        %get3A_1298 = arith.index_cast %add3A_1241 : i32 to index
        %get3A_1299 = arith.constant 80 : index
        %get3A_1300 = tpu.vector_load %arg11[%get3A_1297, %get3A_1298, %get3A_1299] {strides = array<i32>} : memref<8x32x128xf32, #tpu.memory_space<vmem>>, vector<16xf32>,
        %get3A_1301 = arith.index_cast %rem3A_267 : i32 to index
        %get3A_1302 = arith.index_cast %add3A_1241 : i32 to index
        %get3A_1303 = arith.constant 80 : index
        %get3A_1304 = tpu.vector_load %arg12[%get3A_1301, %get3A_1302, %get3A_1303] {strides = array<i32>} : memref<8x32x128xf32, #tpu.memory_space<vmem>>, vector<16xf32>,
        %mul3A_1305 = arith.mulf %get3A_1300, %get3A_1304 : vector<16xf32>
        %mul3A_1306 = arith.mulf %mul3A_1305, %get3A_222 : vector<16xf32>
        %add3A_1307 = arith.addf %add3A_1296, %mul3A_1306 : vector<16xf32>
        %get3A_1308 = arith.index_cast %rem3A_267 : i32 to index
        %get3A_1309 = arith.index_cast %add3A_1241 : i32 to index
        %get3A_1310 = arith.constant 96 : index
        %get3A_1311 = tpu.vector_load %arg11[%get3A_1308, %get3A_1309, %get3A_1310] {strides = array<i32>} : memref<8x32x128xf32, #tpu.memory_space<vmem>>, vector<16xf32>,
        %get3A_1312 = arith.index_cast %rem3A_267 : i32 to index
        %get3A_1313 = arith.index_cast %add3A_1241 : i32 to index
        %get3A_1314 = arith.constant 96 : index
        %get3A_1315 = tpu.vector_load %arg12[%get3A_1312, %get3A_1313, %get3A_1314] {strides = array<i32>} : memref<8x32x128xf32, #tpu.memory_space<vmem>>, vector<16xf32>,
        %mul3A_1316 = arith.mulf %get3A_1311, %get3A_1315 : vector<16xf32>
        %mul3A_1317 = arith.mulf %mul3A_1316, %get3A_224 : vector<16xf32>
        %add3A_1318 = arith.addf %add3A_1307, %mul3A_1317 : vector<16xf32>
        %get3A_1319 = arith.index_cast %rem3A_267 : i32 to index
        %get3A_1320 = arith.index_cast %add3A_1241 : i32 to index
        %get3A_1321 = arith.constant 112 : index
        %get3A_1322 = tpu.vector_load %arg11[%get3A_1319, %get3A_1320, %get3A_1321] {strides = array<i32>} : memref<8x32x128xf32, #tpu.memory_space<vmem>>, vector<16xf32>,
        %get3A_1323 = arith.index_cast %rem3A_267 : i32 to index
        %get3A_1324 = arith.index_cast %add3A_1241 : i32 to index
        %get3A_1325 = arith.constant 112 : index
        %get3A_1326 = tpu.vector_load %arg12[%get3A_1323, %get3A_1324, %get3A_1325] {strides = array<i32>} : memref<8x32x128xf32, #tpu.memory_space<vmem>>, vector<16xf32>,
        %mul3A_1327 = arith.mulf %get3A_1322, %get3A_1326 : vector<16xf32>
        %mul3A_1328 = arith.mulf %mul3A_1327, %get3A_226 : vector<16xf32>
        %add3A_1329 = arith.addf %add3A_1318, %mul3A_1328 : vector<16xf32>
        %swap3A_1330 = arith.constant 160 : index
        %swap3A_1331 = tpu.vector_load %arg15[%swap3A_1330] {strides = array<i32>} : memref<256xf32, #tpu.memory_space<vmem>>, vector<16xf32>,
        tpu.vector_store %arg15[%swap3A_1330], %add3A_1329 {strides = array<i32>} : memref<256xf32, #tpu.memory_space<vmem>>, vector<16xf32>,
        %broadcast_in_dim3A_1332 = arith.constant 0.000000e+00 : f32
        %broadcast_in_dim3A_1333 = vector.broadcast %broadcast_in_dim3A_1332 : f32 to vector<16xf32>
        %mul3A_1334 = arith.constant 16 : i32
        %mul3A_1335 = arith.muli %scan3A_276, %mul3A_1334 : i32
        %add3A_1336 = arith.constant 11 : i32
        %add3A_1337 = arith.addi %mul3A_1335, %add3A_1336 : i32
        %get3A_1338 = arith.index_cast %rem3A_267 : i32 to index
        %get3A_1339 = arith.index_cast %add3A_1337 : i32 to index
        %get3A_1340 = arith.constant 0 : index
        %get3A_1341 = tpu.vector_load %arg11[%get3A_1338, %get3A_1339, %get3A_1340] {strides = array<i32>} : memref<8x32x128xf32, #tpu.memory_space<vmem>>, vector<16xf32>,
        %get3A_1342 = arith.index_cast %rem3A_267 : i32 to index
        %get3A_1343 = arith.index_cast %add3A_1337 : i32 to index
        %get3A_1344 = arith.constant 0 : index
        %get3A_1345 = tpu.vector_load %arg12[%get3A_1342, %get3A_1343, %get3A_1344] {strides = array<i32>} : memref<8x32x128xf32, #tpu.memory_space<vmem>>, vector<16xf32>,
        %mul3A_1346 = arith.mulf %get3A_1341, %get3A_1345 : vector<16xf32>
        %mul3A_1347 = arith.mulf %mul3A_1346, %get3A_212 : vector<16xf32>
        %add3A_1348 = arith.addf %broadcast_in_dim3A_1333, %mul3A_1347 : vector<16xf32>
        %get3A_1349 = arith.index_cast %rem3A_267 : i32 to index
        %get3A_1350 = arith.index_cast %add3A_1337 : i32 to index
        %get3A_1351 = arith.constant 16 : index
        %get3A_1352 = tpu.vector_load %arg11[%get3A_1349, %get3A_1350, %get3A_1351] {strides = array<i32>} : memref<8x32x128xf32, #tpu.memory_space<vmem>>, vector<16xf32>,
        %get3A_1353 = arith.index_cast %rem3A_267 : i32 to index
        %get3A_1354 = arith.index_cast %add3A_1337 : i32 to index
        %get3A_1355 = arith.constant 16 : index
        %get3A_1356 = tpu.vector_load %arg12[%get3A_1353, %get3A_1354, %get3A_1355] {strides = array<i32>} : memref<8x32x128xf32, #tpu.memory_space<vmem>>, vector<16xf32>,
        %mul3A_1357 = arith.mulf %get3A_1352, %get3A_1356 : vector<16xf32>
        %mul3A_1358 = arith.mulf %mul3A_1357, %get3A_214 : vector<16xf32>
        %add3A_1359 = arith.addf %add3A_1348, %mul3A_1358 : vector<16xf32>
        %get3A_1360 = arith.index_cast %rem3A_267 : i32 to index
        %get3A_1361 = arith.index_cast %add3A_1337 : i32 to index
        %get3A_1362 = arith.constant 32 : index
        %get3A_1363 = tpu.vector_load %arg11[%get3A_1360, %get3A_1361, %get3A_1362] {strides = array<i32>} : memref<8x32x128xf32, #tpu.memory_space<vmem>>, vector<16xf32>,
        %get3A_1364 = arith.index_cast %rem3A_267 : i32 to index
        %get3A_1365 = arith.index_cast %add3A_1337 : i32 to index
        %get3A_1366 = arith.constant 32 : index
        %get3A_1367 = tpu.vector_load %arg12[%get3A_1364, %get3A_1365, %get3A_1366] {strides = array<i32>} : memref<8x32x128xf32, #tpu.memory_space<vmem>>, vector<16xf32>,
        %mul3A_1368 = arith.mulf %get3A_1363, %get3A_1367 : vector<16xf32>
        %mul3A_1369 = arith.mulf %mul3A_1368, %get3A_216 : vector<16xf32>
        %add3A_1370 = arith.addf %add3A_1359, %mul3A_1369 : vector<16xf32>
        %get3A_1371 = arith.index_cast %rem3A_267 : i32 to index
        %get3A_1372 = arith.index_cast %add3A_1337 : i32 to index
        %get3A_1373 = arith.constant 48 : index
        %get3A_1374 = tpu.vector_load %arg11[%get3A_1371, %get3A_1372, %get3A_1373] {strides = array<i32>} : memref<8x32x128xf32, #tpu.memory_space<vmem>>, vector<16xf32>,
        %get3A_1375 = arith.index_cast %rem3A_267 : i32 to index
        %get3A_1376 = arith.index_cast %add3A_1337 : i32 to index
        %get3A_1377 = arith.constant 48 : index
        %get3A_1378 = tpu.vector_load %arg12[%get3A_1375, %get3A_1376, %get3A_1377] {strides = array<i32>} : memref<8x32x128xf32, #tpu.memory_space<vmem>>, vector<16xf32>,
        %mul3A_1379 = arith.mulf %get3A_1374, %get3A_1378 : vector<16xf32>
        %mul3A_1380 = arith.mulf %mul3A_1379, %get3A_218 : vector<16xf32>
        %add3A_1381 = arith.addf %add3A_1370, %mul3A_1380 : vector<16xf32>
        %get3A_1382 = arith.index_cast %rem3A_267 : i32 to index
        %get3A_1383 = arith.index_cast %add3A_1337 : i32 to index
        %get3A_1384 = arith.constant 64 : index
        %get3A_1385 = tpu.vector_load %arg11[%get3A_1382, %get3A_1383, %get3A_1384] {strides = array<i32>} : memref<8x32x128xf32, #tpu.memory_space<vmem>>, vector<16xf32>,
        %get3A_1386 = arith.index_cast %rem3A_267 : i32 to index
        %get3A_1387 = arith.index_cast %add3A_1337 : i32 to index
        %get3A_1388 = arith.constant 64 : index
        %get3A_1389 = tpu.vector_load %arg12[%get3A_1386, %get3A_1387, %get3A_1388] {strides = array<i32>} : memref<8x32x128xf32, #tpu.memory_space<vmem>>, vector<16xf32>,
        %mul3A_1390 = arith.mulf %get3A_1385, %get3A_1389 : vector<16xf32>
        %mul3A_1391 = arith.mulf %mul3A_1390, %get3A_220 : vector<16xf32>
        %add3A_1392 = arith.addf %add3A_1381, %mul3A_1391 : vector<16xf32>
        %get3A_1393 = arith.index_cast %rem3A_267 : i32 to index
        %get3A_1394 = arith.index_cast %add3A_1337 : i32 to index
        %get3A_1395 = arith.constant 80 : index
        %get3A_1396 = tpu.vector_load %arg11[%get3A_1393, %get3A_1394, %get3A_1395] {strides = array<i32>} : memref<8x32x128xf32, #tpu.memory_space<vmem>>, vector<16xf32>,
        %get3A_1397 = arith.index_cast %rem3A_267 : i32 to index
        %get3A_1398 = arith.index_cast %add3A_1337 : i32 to index
        %get3A_1399 = arith.constant 80 : index
        %get3A_1400 = tpu.vector_load %arg12[%get3A_1397, %get3A_1398, %get3A_1399] {strides = array<i32>} : memref<8x32x128xf32, #tpu.memory_space<vmem>>, vector<16xf32>,
        %mul3A_1401 = arith.mulf %get3A_1396, %get3A_1400 : vector<16xf32>
        %mul3A_1402 = arith.mulf %mul3A_1401, %get3A_222 : vector<16xf32>
        %add3A_1403 = arith.addf %add3A_1392, %mul3A_1402 : vector<16xf32>
        %get3A_1404 = arith.index_cast %rem3A_267 : i32 to index
        %get3A_1405 = arith.index_cast %add3A_1337 : i32 to index
        %get3A_1406 = arith.constant 96 : index
        %get3A_1407 = tpu.vector_load %arg11[%get3A_1404, %get3A_1405, %get3A_1406] {strides = array<i32>} : memref<8x32x128xf32, #tpu.memory_space<vmem>>, vector<16xf32>,
        %get3A_1408 = arith.index_cast %rem3A_267 : i32 to index
        %get3A_1409 = arith.index_cast %add3A_1337 : i32 to index
        %get3A_1410 = arith.constant 96 : index
        %get3A_1411 = tpu.vector_load %arg12[%get3A_1408, %get3A_1409, %get3A_1410] {strides = array<i32>} : memref<8x32x128xf32, #tpu.memory_space<vmem>>, vector<16xf32>,
        %mul3A_1412 = arith.mulf %get3A_1407, %get3A_1411 : vector<16xf32>
        %mul3A_1413 = arith.mulf %mul3A_1412, %get3A_224 : vector<16xf32>
        %add3A_1414 = arith.addf %add3A_1403, %mul3A_1413 : vector<16xf32>
        %get3A_1415 = arith.index_cast %rem3A_267 : i32 to index
        %get3A_1416 = arith.index_cast %add3A_1337 : i32 to index
        %get3A_1417 = arith.constant 112 : index
        %get3A_1418 = tpu.vector_load %arg11[%get3A_1415, %get3A_1416, %get3A_1417] {strides = array<i32>} : memref<8x32x128xf32, #tpu.memory_space<vmem>>, vector<16xf32>,
        %get3A_1419 = arith.index_cast %rem3A_267 : i32 to index
        %get3A_1420 = arith.index_cast %add3A_1337 : i32 to index
        %get3A_1421 = arith.constant 112 : index
        %get3A_1422 = tpu.vector_load %arg12[%get3A_1419, %get3A_1420, %get3A_1421] {strides = array<i32>} : memref<8x32x128xf32, #tpu.memory_space<vmem>>, vector<16xf32>,
        %mul3A_1423 = arith.mulf %get3A_1418, %get3A_1422 : vector<16xf32>
        %mul3A_1424 = arith.mulf %mul3A_1423, %get3A_226 : vector<16xf32>
        %add3A_1425 = arith.addf %add3A_1414, %mul3A_1424 : vector<16xf32>
        %swap3A_1426 = arith.constant 176 : index
        %swap3A_1427 = tpu.vector_load %arg15[%swap3A_1426] {strides = array<i32>} : memref<256xf32, #tpu.memory_space<vmem>>, vector<16xf32>,
        tpu.vector_store %arg15[%swap3A_1426], %add3A_1425 {strides = array<i32>} : memref<256xf32, #tpu.memory_space<vmem>>, vector<16xf32>,
        %broadcast_in_dim3A_1428 = arith.constant 0.000000e+00 : f32
        %broadcast_in_dim3A_1429 = vector.broadcast %broadcast_in_dim3A_1428 : f32 to vector<16xf32>
        %mul3A_1430 = arith.constant 16 : i32
        %mul3A_1431 = arith.muli %scan3A_276, %mul3A_1430 : i32
        %add3A_1432 = arith.constant 12 : i32
        %add3A_1433 = arith.addi %mul3A_1431, %add3A_1432 : i32
        %get3A_1434 = arith.index_cast %rem3A_267 : i32 to index
        %get3A_1435 = arith.index_cast %add3A_1433 : i32 to index
        %get3A_1436 = arith.constant 0 : index
        %get3A_1437 = tpu.vector_load %arg11[%get3A_1434, %get3A_1435, %get3A_1436] {strides = array<i32>} : memref<8x32x128xf32, #tpu.memory_space<vmem>>, vector<16xf32>,
        %get3A_1438 = arith.index_cast %rem3A_267 : i32 to index
        %get3A_1439 = arith.index_cast %add3A_1433 : i32 to index
        %get3A_1440 = arith.constant 0 : index
        %get3A_1441 = tpu.vector_load %arg12[%get3A_1438, %get3A_1439, %get3A_1440] {strides = array<i32>} : memref<8x32x128xf32, #tpu.memory_space<vmem>>, vector<16xf32>,
        %mul3A_1442 = arith.mulf %get3A_1437, %get3A_1441 : vector<16xf32>
        %mul3A_1443 = arith.mulf %mul3A_1442, %get3A_212 : vector<16xf32>
        %add3A_1444 = arith.addf %broadcast_in_dim3A_1429, %mul3A_1443 : vector<16xf32>
        %get3A_1445 = arith.index_cast %rem3A_267 : i32 to index
        %get3A_1446 = arith.index_cast %add3A_1433 : i32 to index
        %get3A_1447 = arith.constant 16 : index
        %get3A_1448 = tpu.vector_load %arg11[%get3A_1445, %get3A_1446, %get3A_1447] {strides = array<i32>} : memref<8x32x128xf32, #tpu.memory_space<vmem>>, vector<16xf32>,
        %get3A_1449 = arith.index_cast %rem3A_267 : i32 to index
        %get3A_1450 = arith.index_cast %add3A_1433 : i32 to index
        %get3A_1451 = arith.constant 16 : index
        %get3A_1452 = tpu.vector_load %arg12[%get3A_1449, %get3A_1450, %get3A_1451] {strides = array<i32>} : memref<8x32x128xf32, #tpu.memory_space<vmem>>, vector<16xf32>,
        %mul3A_1453 = arith.mulf %get3A_1448, %get3A_1452 : vector<16xf32>
        %mul3A_1454 = arith.mulf %mul3A_1453, %get3A_214 : vector<16xf32>
        %add3A_1455 = arith.addf %add3A_1444, %mul3A_1454 : vector<16xf32>
        %get3A_1456 = arith.index_cast %rem3A_267 : i32 to index
        %get3A_1457 = arith.index_cast %add3A_1433 : i32 to index
        %get3A_1458 = arith.constant 32 : index
        %get3A_1459 = tpu.vector_load %arg11[%get3A_1456, %get3A_1457, %get3A_1458] {strides = array<i32>} : memref<8x32x128xf32, #tpu.memory_space<vmem>>, vector<16xf32>,
        %get3A_1460 = arith.index_cast %rem3A_267 : i32 to index
        %get3A_1461 = arith.index_cast %add3A_1433 : i32 to index
        %get3A_1462 = arith.constant 32 : index
        %get3A_1463 = tpu.vector_load %arg12[%get3A_1460, %get3A_1461, %get3A_1462] {strides = array<i32>} : memref<8x32x128xf32, #tpu.memory_space<vmem>>, vector<16xf32>,
        %mul3A_1464 = arith.mulf %get3A_1459, %get3A_1463 : vector<16xf32>
        %mul3A_1465 = arith.mulf %mul3A_1464, %get3A_216 : vector<16xf32>
        %add3A_1466 = arith.addf %add3A_1455, %mul3A_1465 : vector<16xf32>
        %get3A_1467 = arith.index_cast %rem3A_267 : i32 to index
        %get3A_1468 = arith.index_cast %add3A_1433 : i32 to index
        %get3A_1469 = arith.constant 48 : index
        %get3A_1470 = tpu.vector_load %arg11[%get3A_1467, %get3A_1468, %get3A_1469] {strides = array<i32>} : memref<8x32x128xf32, #tpu.memory_space<vmem>>, vector<16xf32>,
        %get3A_1471 = arith.index_cast %rem3A_267 : i32 to index
        %get3A_1472 = arith.index_cast %add3A_1433 : i32 to index
        %get3A_1473 = arith.constant 48 : index
        %get3A_1474 = tpu.vector_load %arg12[%get3A_1471, %get3A_1472, %get3A_1473] {strides = array<i32>} : memref<8x32x128xf32, #tpu.memory_space<vmem>>, vector<16xf32>,
        %mul3A_1475 = arith.mulf %get3A_1470, %get3A_1474 : vector<16xf32>
        %mul3A_1476 = arith.mulf %mul3A_1475, %get3A_218 : vector<16xf32>
        %add3A_1477 = arith.addf %add3A_1466, %mul3A_1476 : vector<16xf32>
        %get3A_1478 = arith.index_cast %rem3A_267 : i32 to index
        %get3A_1479 = arith.index_cast %add3A_1433 : i32 to index
        %get3A_1480 = arith.constant 64 : index
        %get3A_1481 = tpu.vector_load %arg11[%get3A_1478, %get3A_1479, %get3A_1480] {strides = array<i32>} : memref<8x32x128xf32, #tpu.memory_space<vmem>>, vector<16xf32>,
        %get3A_1482 = arith.index_cast %rem3A_267 : i32 to index
        %get3A_1483 = arith.index_cast %add3A_1433 : i32 to index
        %get3A_1484 = arith.constant 64 : index
        %get3A_1485 = tpu.vector_load %arg12[%get3A_1482, %get3A_1483, %get3A_1484] {strides = array<i32>} : memref<8x32x128xf32, #tpu.memory_space<vmem>>, vector<16xf32>,
        %mul3A_1486 = arith.mulf %get3A_1481, %get3A_1485 : vector<16xf32>
        %mul3A_1487 = arith.mulf %mul3A_1486, %get3A_220 : vector<16xf32>
        %add3A_1488 = arith.addf %add3A_1477, %mul3A_1487 : vector<16xf32>
        %get3A_1489 = arith.index_cast %rem3A_267 : i32 to index
        %get3A_1490 = arith.index_cast %add3A_1433 : i32 to index
        %get3A_1491 = arith.constant 80 : index
        %get3A_1492 = tpu.vector_load %arg11[%get3A_1489, %get3A_1490, %get3A_1491] {strides = array<i32>} : memref<8x32x128xf32, #tpu.memory_space<vmem>>, vector<16xf32>,
        %get3A_1493 = arith.index_cast %rem3A_267 : i32 to index
        %get3A_1494 = arith.index_cast %add3A_1433 : i32 to index
        %get3A_1495 = arith.constant 80 : index
        %get3A_1496 = tpu.vector_load %arg12[%get3A_1493, %get3A_1494, %get3A_1495] {strides = array<i32>} : memref<8x32x128xf32, #tpu.memory_space<vmem>>, vector<16xf32>,
        %mul3A_1497 = arith.mulf %get3A_1492, %get3A_1496 : vector<16xf32>
        %mul3A_1498 = arith.mulf %mul3A_1497, %get3A_222 : vector<16xf32>
        %add3A_1499 = arith.addf %add3A_1488, %mul3A_1498 : vector<16xf32>
        %get3A_1500 = arith.index_cast %rem3A_267 : i32 to index
        %get3A_1501 = arith.index_cast %add3A_1433 : i32 to index
        %get3A_1502 = arith.constant 96 : index
        %get3A_1503 = tpu.vector_load %arg11[%get3A_1500, %get3A_1501, %get3A_1502] {strides = array<i32>} : memref<8x32x128xf32, #tpu.memory_space<vmem>>, vector<16xf32>,
        %get3A_1504 = arith.index_cast %rem3A_267 : i32 to index
        %get3A_1505 = arith.index_cast %add3A_1433 : i32 to index
        %get3A_1506 = arith.constant 96 : index
        %get3A_1507 = tpu.vector_load %arg12[%get3A_1504, %get3A_1505, %get3A_1506] {strides = array<i32>} : memref<8x32x128xf32, #tpu.memory_space<vmem>>, vector<16xf32>,
        %mul3A_1508 = arith.mulf %get3A_1503, %get3A_1507 : vector<16xf32>
        %mul3A_1509 = arith.mulf %mul3A_1508, %get3A_224 : vector<16xf32>
        %add3A_1510 = arith.addf %add3A_1499, %mul3A_1509 : vector<16xf32>
        %get3A_1511 = arith.index_cast %rem3A_267 : i32 to index
        %get3A_1512 = arith.index_cast %add3A_1433 : i32 to index
        %get3A_1513 = arith.constant 112 : index
        %get3A_1514 = tpu.vector_load %arg11[%get3A_1511, %get3A_1512, %get3A_1513] {strides = array<i32>} : memref<8x32x128xf32, #tpu.memory_space<vmem>>, vector<16xf32>,
        %get3A_1515 = arith.index_cast %rem3A_267 : i32 to index
        %get3A_1516 = arith.index_cast %add3A_1433 : i32 to index
        %get3A_1517 = arith.constant 112 : index
        %get3A_1518 = tpu.vector_load %arg12[%get3A_1515, %get3A_1516, %get3A_1517] {strides = array<i32>} : memref<8x32x128xf32, #tpu.memory_space<vmem>>, vector<16xf32>,
        %mul3A_1519 = arith.mulf %get3A_1514, %get3A_1518 : vector<16xf32>
        %mul3A_1520 = arith.mulf %mul3A_1519, %get3A_226 : vector<16xf32>
        %add3A_1521 = arith.addf %add3A_1510, %mul3A_1520 : vector<16xf32>
        %swap3A_1522 = arith.constant 192 : index
        %swap3A_1523 = tpu.vector_load %arg15[%swap3A_1522] {strides = array<i32>} : memref<256xf32, #tpu.memory_space<vmem>>, vector<16xf32>,
        tpu.vector_store %arg15[%swap3A_1522], %add3A_1521 {strides = array<i32>} : memref<256xf32, #tpu.memory_space<vmem>>, vector<16xf32>,
        %broadcast_in_dim3A_1524 = arith.constant 0.000000e+00 : f32
        %broadcast_in_dim3A_1525 = vector.broadcast %broadcast_in_dim3A_1524 : f32 to vector<16xf32>
        %mul3A_1526 = arith.constant 16 : i32
        %mul3A_1527 = arith.muli %scan3A_276, %mul3A_1526 : i32
        %add3A_1528 = arith.constant 13 : i32
        %add3A_1529 = arith.addi %mul3A_1527, %add3A_1528 : i32
        %get3A_1530 = arith.index_cast %rem3A_267 : i32 to index
        %get3A_1531 = arith.index_cast %add3A_1529 : i32 to index
        %get3A_1532 = arith.constant 0 : index
        %get3A_1533 = tpu.vector_load %arg11[%get3A_1530, %get3A_1531, %get3A_1532] {strides = array<i32>} : memref<8x32x128xf32, #tpu.memory_space<vmem>>, vector<16xf32>,
        %get3A_1534 = arith.index_cast %rem3A_267 : i32 to index
        %get3A_1535 = arith.index_cast %add3A_1529 : i32 to index
        %get3A_1536 = arith.constant 0 : index
        %get3A_1537 = tpu.vector_load %arg12[%get3A_1534, %get3A_1535, %get3A_1536] {strides = array<i32>} : memref<8x32x128xf32, #tpu.memory_space<vmem>>, vector<16xf32>,
        %mul3A_1538 = arith.mulf %get3A_1533, %get3A_1537 : vector<16xf32>
        %mul3A_1539 = arith.mulf %mul3A_1538, %get3A_212 : vector<16xf32>
        %add3A_1540 = arith.addf %broadcast_in_dim3A_1525, %mul3A_1539 : vector<16xf32>
        %get3A_1541 = arith.index_cast %rem3A_267 : i32 to index
        %get3A_1542 = arith.index_cast %add3A_1529 : i32 to index
        %get3A_1543 = arith.constant 16 : index
        %get3A_1544 = tpu.vector_load %arg11[%get3A_1541, %get3A_1542, %get3A_1543] {strides = array<i32>} : memref<8x32x128xf32, #tpu.memory_space<vmem>>, vector<16xf32>,
        %get3A_1545 = arith.index_cast %rem3A_267 : i32 to index
        %get3A_1546 = arith.index_cast %add3A_1529 : i32 to index
        %get3A_1547 = arith.constant 16 : index
        %get3A_1548 = tpu.vector_load %arg12[%get3A_1545, %get3A_1546, %get3A_1547] {strides = array<i32>} : memref<8x32x128xf32, #tpu.memory_space<vmem>>, vector<16xf32>,
        %mul3A_1549 = arith.mulf %get3A_1544, %get3A_1548 : vector<16xf32>
        %mul3A_1550 = arith.mulf %mul3A_1549, %get3A_214 : vector<16xf32>
        %add3A_1551 = arith.addf %add3A_1540, %mul3A_1550 : vector<16xf32>
        %get3A_1552 = arith.index_cast %rem3A_267 : i32 to index
        %get3A_1553 = arith.index_cast %add3A_1529 : i32 to index
        %get3A_1554 = arith.constant 32 : index
        %get3A_1555 = tpu.vector_load %arg11[%get3A_1552, %get3A_1553, %get3A_1554] {strides = array<i32>} : memref<8x32x128xf32, #tpu.memory_space<vmem>>, vector<16xf32>,
        %get3A_1556 = arith.index_cast %rem3A_267 : i32 to index
        %get3A_1557 = arith.index_cast %add3A_1529 : i32 to index
        %get3A_1558 = arith.constant 32 : index
        %get3A_1559 = tpu.vector_load %arg12[%get3A_1556, %get3A_1557, %get3A_1558] {strides = array<i32>} : memref<8x32x128xf32, #tpu.memory_space<vmem>>, vector<16xf32>,
        %mul3A_1560 = arith.mulf %get3A_1555, %get3A_1559 : vector<16xf32>
        %mul3A_1561 = arith.mulf %mul3A_1560, %get3A_216 : vector<16xf32>
        %add3A_1562 = arith.addf %add3A_1551, %mul3A_1561 : vector<16xf32>
        %get3A_1563 = arith.index_cast %rem3A_267 : i32 to index
        %get3A_1564 = arith.index_cast %add3A_1529 : i32 to index
        %get3A_1565 = arith.constant 48 : index
        %get3A_1566 = tpu.vector_load %arg11[%get3A_1563, %get3A_1564, %get3A_1565] {strides = array<i32>} : memref<8x32x128xf32, #tpu.memory_space<vmem>>, vector<16xf32>,
        %get3A_1567 = arith.index_cast %rem3A_267 : i32 to index
        %get3A_1568 = arith.index_cast %add3A_1529 : i32 to index
        %get3A_1569 = arith.constant 48 : index
        %get3A_1570 = tpu.vector_load %arg12[%get3A_1567, %get3A_1568, %get3A_1569] {strides = array<i32>} : memref<8x32x128xf32, #tpu.memory_space<vmem>>, vector<16xf32>,
        %mul3A_1571 = arith.mulf %get3A_1566, %get3A_1570 : vector<16xf32>
        %mul3A_1572 = arith.mulf %mul3A_1571, %get3A_218 : vector<16xf32>
        %add3A_1573 = arith.addf %add3A_1562, %mul3A_1572 : vector<16xf32>
        %get3A_1574 = arith.index_cast %rem3A_267 : i32 to index
        %get3A_1575 = arith.index_cast %add3A_1529 : i32 to index
        %get3A_1576 = arith.constant 64 : index
        %get3A_1577 = tpu.vector_load %arg11[%get3A_1574, %get3A_1575, %get3A_1576] {strides = array<i32>} : memref<8x32x128xf32, #tpu.memory_space<vmem>>, vector<16xf32>,
        %get3A_1578 = arith.index_cast %rem3A_267 : i32 to index
        %get3A_1579 = arith.index_cast %add3A_1529 : i32 to index
        %get3A_1580 = arith.constant 64 : index
        %get3A_1581 = tpu.vector_load %arg12[%get3A_1578, %get3A_1579, %get3A_1580] {strides = array<i32>} : memref<8x32x128xf32, #tpu.memory_space<vmem>>, vector<16xf32>,
        %mul3A_1582 = arith.mulf %get3A_1577, %get3A_1581 : vector<16xf32>
        %mul3A_1583 = arith.mulf %mul3A_1582, %get3A_220 : vector<16xf32>
        %add3A_1584 = arith.addf %add3A_1573, %mul3A_1583 : vector<16xf32>
        %get3A_1585 = arith.index_cast %rem3A_267 : i32 to index
        %get3A_1586 = arith.index_cast %add3A_1529 : i32 to index
        %get3A_1587 = arith.constant 80 : index
        %get3A_1588 = tpu.vector_load %arg11[%get3A_1585, %get3A_1586, %get3A_1587] {strides = array<i32>} : memref<8x32x128xf32, #tpu.memory_space<vmem>>, vector<16xf32>,
        %get3A_1589 = arith.index_cast %rem3A_267 : i32 to index
        %get3A_1590 = arith.index_cast %add3A_1529 : i32 to index
        %get3A_1591 = arith.constant 80 : index
        %get3A_1592 = tpu.vector_load %arg12[%get3A_1589, %get3A_1590, %get3A_1591] {strides = array<i32>} : memref<8x32x128xf32, #tpu.memory_space<vmem>>, vector<16xf32>,
        %mul3A_1593 = arith.mulf %get3A_1588, %get3A_1592 : vector<16xf32>
        %mul3A_1594 = arith.mulf %mul3A_1593, %get3A_222 : vector<16xf32>
        %add3A_1595 = arith.addf %add3A_1584, %mul3A_1594 : vector<16xf32>
        %get3A_1596 = arith.index_cast %rem3A_267 : i32 to index
        %get3A_1597 = arith.index_cast %add3A_1529 : i32 to index
        %get3A_1598 = arith.constant 96 : index
        %get3A_1599 = tpu.vector_load %arg11[%get3A_1596, %get3A_1597, %get3A_1598] {strides = array<i32>} : memref<8x32x128xf32, #tpu.memory_space<vmem>>, vector<16xf32>,
        %get3A_1600 = arith.index_cast %rem3A_267 : i32 to index
        %get3A_1601 = arith.index_cast %add3A_1529 : i32 to index
        %get3A_1602 = arith.constant 96 : index
        %get3A_1603 = tpu.vector_load %arg12[%get3A_1600, %get3A_1601, %get3A_1602] {strides = array<i32>} : memref<8x32x128xf32, #tpu.memory_space<vmem>>, vector<16xf32>,
        %mul3A_1604 = arith.mulf %get3A_1599, %get3A_1603 : vector<16xf32>
        %mul3A_1605 = arith.mulf %mul3A_1604, %get3A_224 : vector<16xf32>
        %add3A_1606 = arith.addf %add3A_1595, %mul3A_1605 : vector<16xf32>
        %get3A_1607 = arith.index_cast %rem3A_267 : i32 to index
        %get3A_1608 = arith.index_cast %add3A_1529 : i32 to index
        %get3A_1609 = arith.constant 112 : index
        %get3A_1610 = tpu.vector_load %arg11[%get3A_1607, %get3A_1608, %get3A_1609] {strides = array<i32>} : memref<8x32x128xf32, #tpu.memory_space<vmem>>, vector<16xf32>,
        %get3A_1611 = arith.index_cast %rem3A_267 : i32 to index
        %get3A_1612 = arith.index_cast %add3A_1529 : i32 to index
        %get3A_1613 = arith.constant 112 : index
        %get3A_1614 = tpu.vector_load %arg12[%get3A_1611, %get3A_1612, %get3A_1613] {strides = array<i32>} : memref<8x32x128xf32, #tpu.memory_space<vmem>>, vector<16xf32>,
        %mul3A_1615 = arith.mulf %get3A_1610, %get3A_1614 : vector<16xf32>
        %mul3A_1616 = arith.mulf %mul3A_1615, %get3A_226 : vector<16xf32>
        %add3A_1617 = arith.addf %add3A_1606, %mul3A_1616 : vector<16xf32>
        %swap3A_1618 = arith.constant 208 : index
        %swap3A_1619 = tpu.vector_load %arg15[%swap3A_1618] {strides = array<i32>} : memref<256xf32, #tpu.memory_space<vmem>>, vector<16xf32>,
        tpu.vector_store %arg15[%swap3A_1618], %add3A_1617 {strides = array<i32>} : memref<256xf32, #tpu.memory_space<vmem>>, vector<16xf32>,
        %broadcast_in_dim3A_1620 = arith.constant 0.000000e+00 : f32
        %broadcast_in_dim3A_1621 = vector.broadcast %broadcast_in_dim3A_1620 : f32 to vector<16xf32>
        %mul3A_1622 = arith.constant 16 : i32
        %mul3A_1623 = arith.muli %scan3A_276, %mul3A_1622 : i32
        %add3A_1624 = arith.constant 14 : i32
        %add3A_1625 = arith.addi %mul3A_1623, %add3A_1624 : i32
        %get3A_1626 = arith.index_cast %rem3A_267 : i32 to index
        %get3A_1627 = arith.index_cast %add3A_1625 : i32 to index
        %get3A_1628 = arith.constant 0 : index
        %get3A_1629 = tpu.vector_load %arg11[%get3A_1626, %get3A_1627, %get3A_1628] {strides = array<i32>} : memref<8x32x128xf32, #tpu.memory_space<vmem>>, vector<16xf32>,
        %get3A_1630 = arith.index_cast %rem3A_267 : i32 to index
        %get3A_1631 = arith.index_cast %add3A_1625 : i32 to index
        %get3A_1632 = arith.constant 0 : index
        %get3A_1633 = tpu.vector_load %arg12[%get3A_1630, %get3A_1631, %get3A_1632] {strides = array<i32>} : memref<8x32x128xf32, #tpu.memory_space<vmem>>, vector<16xf32>,
        %mul3A_1634 = arith.mulf %get3A_1629, %get3A_1633 : vector<16xf32>
        %mul3A_1635 = arith.mulf %mul3A_1634, %get3A_212 : vector<16xf32>
        %add3A_1636 = arith.addf %broadcast_in_dim3A_1621, %mul3A_1635 : vector<16xf32>
        %get3A_1637 = arith.index_cast %rem3A_267 : i32 to index
        %get3A_1638 = arith.index_cast %add3A_1625 : i32 to index
        %get3A_1639 = arith.constant 16 : index
        %get3A_1640 = tpu.vector_load %arg11[%get3A_1637, %get3A_1638, %get3A_1639] {strides = array<i32>} : memref<8x32x128xf32, #tpu.memory_space<vmem>>, vector<16xf32>,
        %get3A_1641 = arith.index_cast %rem3A_267 : i32 to index
        %get3A_1642 = arith.index_cast %add3A_1625 : i32 to index
        %get3A_1643 = arith.constant 16 : index
        %get3A_1644 = tpu.vector_load %arg12[%get3A_1641, %get3A_1642, %get3A_1643] {strides = array<i32>} : memref<8x32x128xf32, #tpu.memory_space<vmem>>, vector<16xf32>,
        %mul3A_1645 = arith.mulf %get3A_1640, %get3A_1644 : vector<16xf32>
        %mul3A_1646 = arith.mulf %mul3A_1645, %get3A_214 : vector<16xf32>
        %add3A_1647 = arith.addf %add3A_1636, %mul3A_1646 : vector<16xf32>
        %get3A_1648 = arith.index_cast %rem3A_267 : i32 to index
        %get3A_1649 = arith.index_cast %add3A_1625 : i32 to index
        %get3A_1650 = arith.constant 32 : index
        %get3A_1651 = tpu.vector_load %arg11[%get3A_1648, %get3A_1649, %get3A_1650] {strides = array<i32>} : memref<8x32x128xf32, #tpu.memory_space<vmem>>, vector<16xf32>,
        %get3A_1652 = arith.index_cast %rem3A_267 : i32 to index
        %get3A_1653 = arith.index_cast %add3A_1625 : i32 to index
        %get3A_1654 = arith.constant 32 : index
        %get3A_1655 = tpu.vector_load %arg12[%get3A_1652, %get3A_1653, %get3A_1654] {strides = array<i32>} : memref<8x32x128xf32, #tpu.memory_space<vmem>>, vector<16xf32>,
        %mul3A_1656 = arith.mulf %get3A_1651, %get3A_1655 : vector<16xf32>
        %mul3A_1657 = arith.mulf %mul3A_1656, %get3A_216 : vector<16xf32>
        %add3A_1658 = arith.addf %add3A_1647, %mul3A_1657 : vector<16xf32>
        %get3A_1659 = arith.index_cast %rem3A_267 : i32 to index
        %get3A_1660 = arith.index_cast %add3A_1625 : i32 to index
        %get3A_1661 = arith.constant 48 : index
        %get3A_1662 = tpu.vector_load %arg11[%get3A_1659, %get3A_1660, %get3A_1661] {strides = array<i32>} : memref<8x32x128xf32, #tpu.memory_space<vmem>>, vector<16xf32>,
        %get3A_1663 = arith.index_cast %rem3A_267 : i32 to index
        %get3A_1664 = arith.index_cast %add3A_1625 : i32 to index
        %get3A_1665 = arith.constant 48 : index
        %get3A_1666 = tpu.vector_load %arg12[%get3A_1663, %get3A_1664, %get3A_1665] {strides = array<i32>} : memref<8x32x128xf32, #tpu.memory_space<vmem>>, vector<16xf32>,
        %mul3A_1667 = arith.mulf %get3A_1662, %get3A_1666 : vector<16xf32>
        %mul3A_1668 = arith.mulf %mul3A_1667, %get3A_218 : vector<16xf32>
        %add3A_1669 = arith.addf %add3A_1658, %mul3A_1668 : vector<16xf32>
        %get3A_1670 = arith.index_cast %rem3A_267 : i32 to index
        %get3A_1671 = arith.index_cast %add3A_1625 : i32 to index
        %get3A_1672 = arith.constant 64 : index
        %get3A_1673 = tpu.vector_load %arg11[%get3A_1670, %get3A_1671, %get3A_1672] {strides = array<i32>} : memref<8x32x128xf32, #tpu.memory_space<vmem>>, vector<16xf32>,
        %get3A_1674 = arith.index_cast %rem3A_267 : i32 to index
        %get3A_1675 = arith.index_cast %add3A_1625 : i32 to index
        %get3A_1676 = arith.constant 64 : index
        %get3A_1677 = tpu.vector_load %arg12[%get3A_1674, %get3A_1675, %get3A_1676] {strides = array<i32>} : memref<8x32x128xf32, #tpu.memory_space<vmem>>, vector<16xf32>,
        %mul3A_1678 = arith.mulf %get3A_1673, %get3A_1677 : vector<16xf32>
        %mul3A_1679 = arith.mulf %mul3A_1678, %get3A_220 : vector<16xf32>
        %add3A_1680 = arith.addf %add3A_1669, %mul3A_1679 : vector<16xf32>
        %get3A_1681 = arith.index_cast %rem3A_267 : i32 to index
        %get3A_1682 = arith.index_cast %add3A_1625 : i32 to index
        %get3A_1683 = arith.constant 80 : index
        %get3A_1684 = tpu.vector_load %arg11[%get3A_1681, %get3A_1682, %get3A_1683] {strides = array<i32>} : memref<8x32x128xf32, #tpu.memory_space<vmem>>, vector<16xf32>,
        %get3A_1685 = arith.index_cast %rem3A_267 : i32 to index
        %get3A_1686 = arith.index_cast %add3A_1625 : i32 to index
        %get3A_1687 = arith.constant 80 : index
        %get3A_1688 = tpu.vector_load %arg12[%get3A_1685, %get3A_1686, %get3A_1687] {strides = array<i32>} : memref<8x32x128xf32, #tpu.memory_space<vmem>>, vector<16xf32>,
        %mul3A_1689 = arith.mulf %get3A_1684, %get3A_1688 : vector<16xf32>
        %mul3A_1690 = arith.mulf %mul3A_1689, %get3A_222 : vector<16xf32>
        %add3A_1691 = arith.addf %add3A_1680, %mul3A_1690 : vector<16xf32>
        %get3A_1692 = arith.index_cast %rem3A_267 : i32 to index
        %get3A_1693 = arith.index_cast %add3A_1625 : i32 to index
        %get3A_1694 = arith.constant 96 : index
        %get3A_1695 = tpu.vector_load %arg11[%get3A_1692, %get3A_1693, %get3A_1694] {strides = array<i32>} : memref<8x32x128xf32, #tpu.memory_space<vmem>>, vector<16xf32>,
        %get3A_1696 = arith.index_cast %rem3A_267 : i32 to index
        %get3A_1697 = arith.index_cast %add3A_1625 : i32 to index
        %get3A_1698 = arith.constant 96 : index
        %get3A_1699 = tpu.vector_load %arg12[%get3A_1696, %get3A_1697, %get3A_1698] {strides = array<i32>} : memref<8x32x128xf32, #tpu.memory_space<vmem>>, vector<16xf32>,
        %mul3A_1700 = arith.mulf %get3A_1695, %get3A_1699 : vector<16xf32>
        %mul3A_1701 = arith.mulf %mul3A_1700, %get3A_224 : vector<16xf32>
        %add3A_1702 = arith.addf %add3A_1691, %mul3A_1701 : vector<16xf32>
        %get3A_1703 = arith.index_cast %rem3A_267 : i32 to index
        %get3A_1704 = arith.index_cast %add3A_1625 : i32 to index
        %get3A_1705 = arith.constant 112 : index
        %get3A_1706 = tpu.vector_load %arg11[%get3A_1703, %get3A_1704, %get3A_1705] {strides = array<i32>} : memref<8x32x128xf32, #tpu.memory_space<vmem>>, vector<16xf32>,
        %get3A_1707 = arith.index_cast %rem3A_267 : i32 to index
        %get3A_1708 = arith.index_cast %add3A_1625 : i32 to index
        %get3A_1709 = arith.constant 112 : index
        %get3A_1710 = tpu.vector_load %arg12[%get3A_1707, %get3A_1708, %get3A_1709] {strides = array<i32>} : memref<8x32x128xf32, #tpu.memory_space<vmem>>, vector<16xf32>,
        %mul3A_1711 = arith.mulf %get3A_1706, %get3A_1710 : vector<16xf32>
        %mul3A_1712 = arith.mulf %mul3A_1711, %get3A_226 : vector<16xf32>
        %add3A_1713 = arith.addf %add3A_1702, %mul3A_1712 : vector<16xf32>
        %swap3A_1714 = arith.constant 224 : index
        %swap3A_1715 = tpu.vector_load %arg15[%swap3A_1714] {strides = array<i32>} : memref<256xf32, #tpu.memory_space<vmem>>, vector<16xf32>,
        tpu.vector_store %arg15[%swap3A_1714], %add3A_1713 {strides = array<i32>} : memref<256xf32, #tpu.memory_space<vmem>>, vector<16xf32>,
        %broadcast_in_dim3A_1716 = arith.constant 0.000000e+00 : f32
        %broadcast_in_dim3A_1717 = vector.broadcast %broadcast_in_dim3A_1716 : f32 to vector<16xf32>
        %mul3A_1718 = arith.constant 16 : i32
        %mul3A_1719 = arith.muli %scan3A_276, %mul3A_1718 : i32
        %add3A_1720 = arith.constant 15 : i32
        %add3A_1721 = arith.addi %mul3A_1719, %add3A_1720 : i32
        %get3A_1722 = arith.index_cast %rem3A_267 : i32 to index
        %get3A_1723 = arith.index_cast %add3A_1721 : i32 to index
        %get3A_1724 = arith.constant 0 : index
        %get3A_1725 = tpu.vector_load %arg11[%get3A_1722, %get3A_1723, %get3A_1724] {strides = array<i32>} : memref<8x32x128xf32, #tpu.memory_space<vmem>>, vector<16xf32>,
        %get3A_1726 = arith.index_cast %rem3A_267 : i32 to index
        %get3A_1727 = arith.index_cast %add3A_1721 : i32 to index
        %get3A_1728 = arith.constant 0 : index
        %get3A_1729 = tpu.vector_load %arg12[%get3A_1726, %get3A_1727, %get3A_1728] {strides = array<i32>} : memref<8x32x128xf32, #tpu.memory_space<vmem>>, vector<16xf32>,
        %mul3A_1730 = arith.mulf %get3A_1725, %get3A_1729 : vector<16xf32>
        %mul3A_1731 = arith.mulf %mul3A_1730, %get3A_212 : vector<16xf32>
        %add3A_1732 = arith.addf %broadcast_in_dim3A_1717, %mul3A_1731 : vector<16xf32>
        %get3A_1733 = arith.index_cast %rem3A_267 : i32 to index
        %get3A_1734 = arith.index_cast %add3A_1721 : i32 to index
        %get3A_1735 = arith.constant 16 : index
        %get3A_1736 = tpu.vector_load %arg11[%get3A_1733, %get3A_1734, %get3A_1735] {strides = array<i32>} : memref<8x32x128xf32, #tpu.memory_space<vmem>>, vector<16xf32>,
        %get3A_1737 = arith.index_cast %rem3A_267 : i32 to index
        %get3A_1738 = arith.index_cast %add3A_1721 : i32 to index
        %get3A_1739 = arith.constant 16 : index
        %get3A_1740 = tpu.vector_load %arg12[%get3A_1737, %get3A_1738, %get3A_1739] {strides = array<i32>} : memref<8x32x128xf32, #tpu.memory_space<vmem>>, vector<16xf32>,
        %mul3A_1741 = arith.mulf %get3A_1736, %get3A_1740 : vector<16xf32>
        %mul3A_1742 = arith.mulf %mul3A_1741, %get3A_214 : vector<16xf32>
        %add3A_1743 = arith.addf %add3A_1732, %mul3A_1742 : vector<16xf32>
        %get3A_1744 = arith.index_cast %rem3A_267 : i32 to index
        %get3A_1745 = arith.index_cast %add3A_1721 : i32 to index
        %get3A_1746 = arith.constant 32 : index
        %get3A_1747 = tpu.vector_load %arg11[%get3A_1744, %get3A_1745, %get3A_1746] {strides = array<i32>} : memref<8x32x128xf32, #tpu.memory_space<vmem>>, vector<16xf32>,
        %get3A_1748 = arith.index_cast %rem3A_267 : i32 to index
        %get3A_1749 = arith.index_cast %add3A_1721 : i32 to index
        %get3A_1750 = arith.constant 32 : index
        %get3A_1751 = tpu.vector_load %arg12[%get3A_1748, %get3A_1749, %get3A_1750] {strides = array<i32>} : memref<8x32x128xf32, #tpu.memory_space<vmem>>, vector<16xf32>,
        %mul3A_1752 = arith.mulf %get3A_1747, %get3A_1751 : vector<16xf32>
        %mul3A_1753 = arith.mulf %mul3A_1752, %get3A_216 : vector<16xf32>
        %add3A_1754 = arith.addf %add3A_1743, %mul3A_1753 : vector<16xf32>
        %get3A_1755 = arith.index_cast %rem3A_267 : i32 to index
        %get3A_1756 = arith.index_cast %add3A_1721 : i32 to index
        %get3A_1757 = arith.constant 48 : index
        %get3A_1758 = tpu.vector_load %arg11[%get3A_1755, %get3A_1756, %get3A_1757] {strides = array<i32>} : memref<8x32x128xf32, #tpu.memory_space<vmem>>, vector<16xf32>,
        %get3A_1759 = arith.index_cast %rem3A_267 : i32 to index
        %get3A_1760 = arith.index_cast %add3A_1721 : i32 to index
        %get3A_1761 = arith.constant 48 : index
        %get3A_1762 = tpu.vector_load %arg12[%get3A_1759, %get3A_1760, %get3A_1761] {strides = array<i32>} : memref<8x32x128xf32, #tpu.memory_space<vmem>>, vector<16xf32>,
        %mul3A_1763 = arith.mulf %get3A_1758, %get3A_1762 : vector<16xf32>
        %mul3A_1764 = arith.mulf %mul3A_1763, %get3A_218 : vector<16xf32>
        %add3A_1765 = arith.addf %add3A_1754, %mul3A_1764 : vector<16xf32>
        %get3A_1766 = arith.index_cast %rem3A_267 : i32 to index
        %get3A_1767 = arith.index_cast %add3A_1721 : i32 to index
        %get3A_1768 = arith.constant 64 : index
        %get3A_1769 = tpu.vector_load %arg11[%get3A_1766, %get3A_1767, %get3A_1768] {strides = array<i32>} : memref<8x32x128xf32, #tpu.memory_space<vmem>>, vector<16xf32>,
        %get3A_1770 = arith.index_cast %rem3A_267 : i32 to index
        %get3A_1771 = arith.index_cast %add3A_1721 : i32 to index
        %get3A_1772 = arith.constant 64 : index
        %get3A_1773 = tpu.vector_load %arg12[%get3A_1770, %get3A_1771, %get3A_1772] {strides = array<i32>} : memref<8x32x128xf32, #tpu.memory_space<vmem>>, vector<16xf32>,
        %mul3A_1774 = arith.mulf %get3A_1769, %get3A_1773 : vector<16xf32>
        %mul3A_1775 = arith.mulf %mul3A_1774, %get3A_220 : vector<16xf32>
        %add3A_1776 = arith.addf %add3A_1765, %mul3A_1775 : vector<16xf32>
        %get3A_1777 = arith.index_cast %rem3A_267 : i32 to index
        %get3A_1778 = arith.index_cast %add3A_1721 : i32 to index
        %get3A_1779 = arith.constant 80 : index
        %get3A_1780 = tpu.vector_load %arg11[%get3A_1777, %get3A_1778, %get3A_1779] {strides = array<i32>} : memref<8x32x128xf32, #tpu.memory_space<vmem>>, vector<16xf32>,
        %get3A_1781 = arith.index_cast %rem3A_267 : i32 to index
        %get3A_1782 = arith.index_cast %add3A_1721 : i32 to index
        %get3A_1783 = arith.constant 80 : index
        %get3A_1784 = tpu.vector_load %arg12[%get3A_1781, %get3A_1782, %get3A_1783] {strides = array<i32>} : memref<8x32x128xf32, #tpu.memory_space<vmem>>, vector<16xf32>,
        %mul3A_1785 = arith.mulf %get3A_1780, %get3A_1784 : vector<16xf32>
        %mul3A_1786 = arith.mulf %mul3A_1785, %get3A_222 : vector<16xf32>
        %add3A_1787 = arith.addf %add3A_1776, %mul3A_1786 : vector<16xf32>
        %get3A_1788 = arith.index_cast %rem3A_267 : i32 to index
        %get3A_1789 = arith.index_cast %add3A_1721 : i32 to index
        %get3A_1790 = arith.constant 96 : index
        %get3A_1791 = tpu.vector_load %arg11[%get3A_1788, %get3A_1789, %get3A_1790] {strides = array<i32>} : memref<8x32x128xf32, #tpu.memory_space<vmem>>, vector<16xf32>,
        %get3A_1792 = arith.index_cast %rem3A_267 : i32 to index
        %get3A_1793 = arith.index_cast %add3A_1721 : i32 to index
        %get3A_1794 = arith.constant 96 : index
        %get3A_1795 = tpu.vector_load %arg12[%get3A_1792, %get3A_1793, %get3A_1794] {strides = array<i32>} : memref<8x32x128xf32, #tpu.memory_space<vmem>>, vector<16xf32>,
        %mul3A_1796 = arith.mulf %get3A_1791, %get3A_1795 : vector<16xf32>
        %mul3A_1797 = arith.mulf %mul3A_1796, %get3A_224 : vector<16xf32>
        %add3A_1798 = arith.addf %add3A_1787, %mul3A_1797 : vector<16xf32>
        %get3A_1799 = arith.index_cast %rem3A_267 : i32 to index
        %get3A_1800 = arith.index_cast %add3A_1721 : i32 to index
        %get3A_1801 = arith.constant 112 : index
        %get3A_1802 = tpu.vector_load %arg11[%get3A_1799, %get3A_1800, %get3A_1801] {strides = array<i32>} : memref<8x32x128xf32, #tpu.memory_space<vmem>>, vector<16xf32>,
        %get3A_1803 = arith.index_cast %rem3A_267 : i32 to index
        %get3A_1804 = arith.index_cast %add3A_1721 : i32 to index
        %get3A_1805 = arith.constant 112 : index
        %get3A_1806 = tpu.vector_load %arg12[%get3A_1803, %get3A_1804, %get3A_1805] {strides = array<i32>} : memref<8x32x128xf32, #tpu.memory_space<vmem>>, vector<16xf32>,
        %mul3A_1807 = arith.mulf %get3A_1802, %get3A_1806 : vector<16xf32>
        %mul3A_1808 = arith.mulf %mul3A_1807, %get3A_226 : vector<16xf32>
        %add3A_1809 = arith.addf %add3A_1798, %mul3A_1808 : vector<16xf32>
        %swap3A_1810 = arith.constant 240 : index
        %swap3A_1811 = tpu.vector_load %arg15[%swap3A_1810] {strides = array<i32>} : memref<256xf32, #tpu.memory_space<vmem>>, vector<16xf32>,
        tpu.vector_store %arg15[%swap3A_1810], %add3A_1809 {strides = array<i32>} : memref<256xf32, #tpu.memory_space<vmem>>, vector<16xf32>,
        %add3A_1812 = arith.constant 0 : i32
        %add3A_1813 = vector.broadcast %add3A_1812 : i32 to vector<16xi32>
        %add3A_1814 = arith.addi %mul3A_209, %add3A_1813 : vector<16xi32>
        %gather3A = tpu.vector_load_idx %arg15[%add3A_1814] : memref<256xf32, #tpu.memory_space<vmem>>[vector<16xi32>], vector<16xf32>,
        %add3A_1815 = arith.constant 1 : i32
        %add3A_1816 = vector.broadcast %add3A_1815 : i32 to vector<16xi32>
        %add3A_1817 = arith.addi %mul3A_209, %add3A_1816 : vector<16xi32>
        %gather3A_1818 = tpu.vector_load_idx %arg15[%add3A_1817] : memref<256xf32, #tpu.memory_space<vmem>>[vector<16xi32>], vector<16xf32>,
        %add3A_1819 = arith.constant 2 : i32
        %add3A_1820 = vector.broadcast %add3A_1819 : i32 to vector<16xi32>
        %add3A_1821 = arith.addi %mul3A_209, %add3A_1820 : vector<16xi32>
        %gather3A_1822 = tpu.vector_load_idx %arg15[%add3A_1821] : memref<256xf32, #tpu.memory_space<vmem>>[vector<16xi32>], vector<16xf32>,
        %add3A_1823 = arith.constant 3 : i32
        %add3A_1824 = vector.broadcast %add3A_1823 : i32 to vector<16xi32>
        %add3A_1825 = arith.addi %mul3A_209, %add3A_1824 : vector<16xi32>
        %gather3A_1826 = tpu.vector_load_idx %arg15[%add3A_1825] : memref<256xf32, #tpu.memory_space<vmem>>[vector<16xi32>], vector<16xf32>,
        %add3A_1827 = arith.constant 4 : i32
        %add3A_1828 = vector.broadcast %add3A_1827 : i32 to vector<16xi32>
        %add3A_1829 = arith.addi %mul3A_209, %add3A_1828 : vector<16xi32>
        %gather3A_1830 = tpu.vector_load_idx %arg15[%add3A_1829] : memref<256xf32, #tpu.memory_space<vmem>>[vector<16xi32>], vector<16xf32>,
        %add3A_1831 = arith.constant 5 : i32
        %add3A_1832 = vector.broadcast %add3A_1831 : i32 to vector<16xi32>
        %add3A_1833 = arith.addi %mul3A_209, %add3A_1832 : vector<16xi32>
        %gather3A_1834 = tpu.vector_load_idx %arg15[%add3A_1833] : memref<256xf32, #tpu.memory_space<vmem>>[vector<16xi32>], vector<16xf32>,
        %add3A_1835 = arith.constant 6 : i32
        %add3A_1836 = vector.broadcast %add3A_1835 : i32 to vector<16xi32>
        %add3A_1837 = arith.addi %mul3A_209, %add3A_1836 : vector<16xi32>
        %gather3A_1838 = tpu.vector_load_idx %arg15[%add3A_1837] : memref<256xf32, #tpu.memory_space<vmem>>[vector<16xi32>], vector<16xf32>,
        %add3A_1839 = arith.constant 7 : i32
        %add3A_1840 = vector.broadcast %add3A_1839 : i32 to vector<16xi32>
        %add3A_1841 = arith.addi %mul3A_209, %add3A_1840 : vector<16xi32>
        %gather3A_1842 = tpu.vector_load_idx %arg15[%add3A_1841] : memref<256xf32, #tpu.memory_space<vmem>>[vector<16xi32>], vector<16xf32>,
        %add3A_1843 = arith.constant 8 : i32
        %add3A_1844 = vector.broadcast %add3A_1843 : i32 to vector<16xi32>
        %add3A_1845 = arith.addi %mul3A_209, %add3A_1844 : vector<16xi32>
        %gather3A_1846 = tpu.vector_load_idx %arg15[%add3A_1845] : memref<256xf32, #tpu.memory_space<vmem>>[vector<16xi32>], vector<16xf32>,
        %add3A_1847 = arith.constant 9 : i32
        %add3A_1848 = vector.broadcast %add3A_1847 : i32 to vector<16xi32>
        %add3A_1849 = arith.addi %mul3A_209, %add3A_1848 : vector<16xi32>
        %gather3A_1850 = tpu.vector_load_idx %arg15[%add3A_1849] : memref<256xf32, #tpu.memory_space<vmem>>[vector<16xi32>], vector<16xf32>,
        %add3A_1851 = arith.constant 10 : i32
        %add3A_1852 = vector.broadcast %add3A_1851 : i32 to vector<16xi32>
        %add3A_1853 = arith.addi %mul3A_209, %add3A_1852 : vector<16xi32>
        %gather3A_1854 = tpu.vector_load_idx %arg15[%add3A_1853] : memref<256xf32, #tpu.memory_space<vmem>>[vector<16xi32>], vector<16xf32>,
        %add3A_1855 = arith.constant 11 : i32
        %add3A_1856 = vector.broadcast %add3A_1855 : i32 to vector<16xi32>
        %add3A_1857 = arith.addi %mul3A_209, %add3A_1856 : vector<16xi32>
        %gather3A_1858 = tpu.vector_load_idx %arg15[%add3A_1857] : memref<256xf32, #tpu.memory_space<vmem>>[vector<16xi32>], vector<16xf32>,
        %add3A_1859 = arith.constant 12 : i32
        %add3A_1860 = vector.broadcast %add3A_1859 : i32 to vector<16xi32>
        %add3A_1861 = arith.addi %mul3A_209, %add3A_1860 : vector<16xi32>
        %gather3A_1862 = tpu.vector_load_idx %arg15[%add3A_1861] : memref<256xf32, #tpu.memory_space<vmem>>[vector<16xi32>], vector<16xf32>,
        %add3A_1863 = arith.constant 13 : i32
        %add3A_1864 = vector.broadcast %add3A_1863 : i32 to vector<16xi32>
        %add3A_1865 = arith.addi %mul3A_209, %add3A_1864 : vector<16xi32>
        %gather3A_1866 = tpu.vector_load_idx %arg15[%add3A_1865] : memref<256xf32, #tpu.memory_space<vmem>>[vector<16xi32>], vector<16xf32>,
        %add3A_1867 = arith.constant 14 : i32
        %add3A_1868 = vector.broadcast %add3A_1867 : i32 to vector<16xi32>
        %add3A_1869 = arith.addi %mul3A_209, %add3A_1868 : vector<16xi32>
        %gather3A_1870 = tpu.vector_load_idx %arg15[%add3A_1869] : memref<256xf32, #tpu.memory_space<vmem>>[vector<16xi32>], vector<16xf32>,
        %add3A_1871 = arith.constant 15 : i32
        %add3A_1872 = vector.broadcast %add3A_1871 : i32 to vector<16xi32>
        %add3A_1873 = arith.addi %mul3A_209, %add3A_1872 : vector<16xi32>
        %gather3A_1874 = tpu.vector_load_idx %arg15[%add3A_1873] : memref<256xf32, #tpu.memory_space<vmem>>[vector<16xi32>], vector<16xf32>,
        %add3A_1875 = arith.addf %gather3A, %gather3A_1818 : vector<16xf32>
        %add3A_1876 = arith.addf %gather3A_1822, %gather3A_1826 : vector<16xf32>
        %add3A_1877 = arith.addf %gather3A_1830, %gather3A_1834 : vector<16xf32>
        %add3A_1878 = arith.addf %gather3A_1838, %gather3A_1842 : vector<16xf32>
        %add3A_1879 = arith.addf %gather3A_1846, %gather3A_1850 : vector<16xf32>
        %add3A_1880 = arith.addf %gather3A_1854, %gather3A_1858 : vector<16xf32>
        %add3A_1881 = arith.addf %gather3A_1862, %gather3A_1866 : vector<16xf32>
        %add3A_1882 = arith.addf %gather3A_1870, %gather3A_1874 : vector<16xf32>
        %add3A_1883 = arith.addf %add3A_1875, %add3A_1876 : vector<16xf32>
        %add3A_1884 = arith.addf %add3A_1877, %add3A_1878 : vector<16xf32>
        %add3A_1885 = arith.addf %add3A_1879, %add3A_1880 : vector<16xf32>
        %add3A_1886 = arith.addf %add3A_1881, %add3A_1882 : vector<16xf32>
        %add3A_1887 = arith.addf %add3A_1883, %add3A_1884 : vector<16xf32>
        %add3A_1888 = arith.addf %add3A_1885, %add3A_1886 : vector<16xf32>
        %add3A_1889 = arith.addf %add3A_1887, %add3A_1888 : vector<16xf32>
        %add3A_1890 = arith.addf %add3A_1889, %get3A_210 : vector<16xf32>
        %mul3A_1891 = arith.constant 32 : i32
        %mul3A_1892 = arith.muli %scan3A_233, %mul3A_1891 : i32
        %mul3A_1893 = arith.constant 16 : i32
        %mul3A_1894 = arith.muli %scan3A_276, %mul3A_1893 : i32
        %add3A_1895 = arith.addi %mul3A_1892, %mul3A_1894 : i32
        %swap3A_1896 = arith.index_cast %add3A_1895 : i32 to index
        %swap3A_1897 = tpu.vector_load %arg16[%swap3A_1896] {strides = array<i32>} : memref<512xf32, #tpu.memory_space<vmem>>, vector<16xf32>,
        tpu.vector_store %arg16[%swap3A_1896], %add3A_1890 {strides = array<i32>} : memref<512xf32, #tpu.memory_space<vmem>>, vector<16xf32>,
        %scan3A_1898 = arith.constant 0 : i32
        scf.yield %scan3A_1898 : i32
      }
      %scan3A_274 = arith.constant 2 : i32
      %scan3A_275 = arith.constant 0 : i32
      scf.yield %scan3A_275 : i32
    }
    %scan3A_232 = arith.constant 16 : i32
    "tpu.region"() ({
      %run_scoped3A = tpu.sem_alloc : memref<!tpu.dma_semaphore, #tpu.memory_space<semaphore_mem>>
      %dma_start3A_233 = tpu.memref_slice %arg8[%mul3A_2] : memref<16384xf32, #tpu.memory_space<hbm>> -> memref<512xf32, #tpu.memory_space<hbm>>
      %dma_start3A_234 = tpu.memref_slice %arg8[%mul3A_2] : memref<16384xf32, #tpu.memory_space<hbm>> -> memref<512xf32, #tpu.memory_space<hbm>>
      tpu.enqueue_dma source(%arg16 : memref<512xf32, #tpu.memory_space<vmem>>) target(%dma_start3A_234 : memref<512xf32, #tpu.memory_space<hbm>>) target_semaphore(%run_scoped3A : memref<!tpu.dma_semaphore, #tpu.memory_space<semaphore_mem>>)
      %dma_wait3A_235 = tpu.memref_slice %arg8[%mul3A_2] : memref<16384xf32, #tpu.memory_space<hbm>> -> memref<512xf32, #tpu.memory_space<hbm>>
      %dma_wait3A_236 = tpu.memref_slice %arg8[%mul3A_2] : memref<16384xf32, #tpu.memory_space<hbm>> -> memref<512xf32, #tpu.memory_space<hbm>>
      tpu.wait_dma2 semaphore(%run_scoped3A : memref<!tpu.dma_semaphore, #tpu.memory_space<semaphore_mem>>) src(%arg16 : memref<512xf32, #tpu.memory_space<vmem>>) dst(%dma_wait3A_236 : memref<512xf32, #tpu.memory_space<hbm>>)
      tpu.yield
    }) : () -> ()
    return
  }
}

</mosaic_0001>

<sc_bundles>
// kernel: kernel.3.cloned.1.call-start
scs
__scs_entry_jumppad:
0x0: {  	(pc) =	sbr.rel $0x88, $3  }
0x1: {  	(tag) =	ssettag $0x0;
	lr =	simm.s32 $0x1  }
0x2: {  	[smem:$0x3F9B] =	sst lr;
	_ =	strace $0xD0000000  }
0x3: {  	_ = 	snop  }
0x4: {  	_ = 	snop  }
0x5: {  	_ = 	snop  }
0x6: {  	_ = 	snop  }
0x7: {  	_ = 	snop  }
__scs_overlays_trampoline_lowered:
0x8: {  	[smem:$0x3FAA] =	sst s0  }
0x9: {  	[smem:$0x3FAB] =	sst s1  }
0xa: {  	[smem:$0x3FAC] =	sst s2  }
0xb: {  	[smem:$0x3FAD] =	sst s3  }
0xc: {  	[smem:$0x3FAE] =	sst s4  }
0xd: {  	[smem:$0x3FAF] =	sst s5  }
0xe: {  	[smem:$0x3FB0] =	sst s6  }
0xf: {  	[smem:$0x3FB1] =	sst s7  }
0x10: {  	[smem:$0x3FB2] =	sst s8  }
0x11: {  	[smem:$0x3FB3] =	sst s9;
	s0 =	simm.s32 @!p0 $0x0  }
0x12: {  	s1 =	sld [smem:$0x3F99];
	s0 =	simm.s32 @p0 $0x1  }
0x13: {  	[smem:$0x3FB4] =	sst s0;
	s0 =	simm.s32 @!p1 $0x0  }
0x14: {  	s2 =	sld [smem:$0x3F98];
	s0 =	simm.s32 @p1 $0x1  }
0x15: {  	[smem:$0x3FB5] =	sst s0;
	s0 =	simm.s32 @!p2 $0x0  }
0x16: {  	s3 =	sld [smem:$0x3FDB];
	s0 =	simm.s32 @p2 $0x1  }
0x17: {  	s4 =	simm.s32 $0x1BF5;
	[smem:$0x3FB7] =	sst s0  }
0x18: {  	s0 =	sld [smem:$0x3F9A];
	_ =	swait.ge [sflag:s4], $0x0  }
0x19: {  	s7 =	sld [smem:$0x3F9B]  }
0x1a: {  	s8 =	sadd.s32 $0xFFFFE003, lr  }
0x1b: {  	s9 =	sadd.s32 $0xFFFFFEF7, lr;
	s5 =	simm.s32 $0xFFFFFFFF;
	p2 =	slt.u32 s8, $0xFFFFF086  }
0x1c: {  	p1 =	slt.u32 s9, $0xF7A;
	s5 =	simm.s32 @!p2 $0x0  }
0x1d: {  	s5 =	simm.s32 @p1 $0x1;
	p0 =	seq.s32 s7, s2  }
0x1e: {  	s7 =	smul.u32 @!p0 $0xF7A, s2;
	p2 =	seq.s32 @!p0 s5, $0x0  }
0x1f: {  	s9 =	smul.u32 $0xF7A, s1;
	s8 =	simm.s32 @!p0 $0x1BF5;
	p2 =	por !p2, p0  }
0x20: {  	[sflag:s8] =	ssyncset.s32 @!p0 $0xFFFFF086;
	s6 =	sadd.s32 @!p0 s3, s7;
	s7 =	simm.s32 @!p0 $0x108  }
0x21: {  	s3 =	sadd.s32 s3, s9;
	s6 =	sadd.s32 @!p0 $0x88, s6;
	s7 =	simm.s32 @p2 $0x1082  }
0x22: {  	[simem:s7], [sflag:s8] =	dma.local @!p0 [hbm:s6], $0xF7A  }
0x23: {  	s9 =	sor.u32 $0xD0000000, s2;
	s6 =	simm.s32 $0x108;
	_ =	swait.ge @!p0 [sflag:s8], $0x0  }
0x24: {  	s3 =	sadd.s32 $0x88, s3;
	s6 =	simm.s32 @!p1 $0x1082;
	[sflag:s4] =	ssyncset.s32 $0xFFFFF086  }
0x25: {  	[simem:s6], [sflag:s4] =	dma.local [hbm:s3], $0xF7A  }
0x26: {  	[smem:$0x3F9B] =	sst s1;
	(tag) =	ssettag s2;
	_ =	strace s9  }
0x27: {  	s1 =	sld [smem:$0x3FAB]  }
0x28: {  	s2 =	sld [smem:$0x3FAC]  }
0x29: {  	s4 =	sld [smem:$0x3FAE]  }
0x2a: {  	p0 =	seq.s32 s5, $0x0;
	s5 =	sld [smem:$0x3FAF]  }
0x2b: {  	s6 =	sld [smem:$0x3FB0]  }
0x2c: {  	s7 =	sld [smem:$0x3FB1]  }
0x2d: {  	s3 =	simm.s32 $0x108;
	s8 =	sld [smem:$0x3FB2]  }
0x2e: {  	s3 =	simm.s32 @!p0 $0x1082;
	s9 =	sld [smem:$0x3FB3]  }
0x2f: {  	lr =	sadd.s32 s0, s3;
	s0 =	sld [smem:$0x3FAA]  }
0x30: {  	s3 =	sld [smem:$0x3FAD]  }
0x31: {  	[smem:$0x3FB6] =	sst s10  }
0x32: {  	s10 =	sld [smem:$0x3FB4];
	_ =	sdelay $0x3  }
0x33: {  	p0 =	seq.s32 s10, $0x1;
	s10 =	sld [smem:$0x3FB6];
	_ =	sdelay $0x3  }
0x34: {  	[smem:$0x3FB6] =	sst s10  }
0x35: {  	s10 =	sld [smem:$0x3FB5];
	_ =	sdelay $0x3  }
0x36: {  	p1 =	seq.s32 s10, $0x1;
	s10 =	sld [smem:$0x3FB6];
	_ =	sdelay $0x3  }
0x37: {  	[smem:$0x3FB6] =	sst s10  }
0x38: {  	s10 =	sld [smem:$0x3FB7]  }
0x39: {  	_ = 	snop;
	(pc) =	sbr.ind lr, $3  }
0x3a: {  	_ = 	snop  }
0x3b: {  	_ = 	snop  }
0x3c: {  	p2 =	seq.s32 s10, $0x1;
	s10 =	sld [smem:$0x3FB6]  }
0x3d: {  	_ =	shalt  }
0x3e: {  	_ =	shalt  }
0x3f: {  	_ =	shalt  }
0x40: {  	_ =	shalt  }
0x41: {  	_ =	shalt  }
0x42: {  	_ =	shalt  }
0x43: {  	_ =	shalt  }
0x44: {  	_ =	shalt  }
0x45: {  	_ =	shalt  }
0x46: {  	_ =	shalt  }
0x47: {  	_ =	shalt  }
0x48: {  	_ =	shalt  }
0x49: {  	_ =	shalt  }
0x4a: {  	_ =	shalt  }
0x4b: {  	_ =	shalt  }
0x4c: {  	_ =	shalt  }
0x4d: {  	_ =	shalt  }
0x4e: {  	_ =	shalt  }
0x4f: {  	_ =	shalt  }
0x50: {  	_ =	shalt  }
0x51: {  	_ =	shalt  }
0x52: {  	_ =	shalt  }
0x53: {  	_ =	shalt  }
0x54: {  	_ =	shalt  }
0x55: {  	_ =	shalt  }
0x56: {  	_ =	shalt  }
0x57: {  	_ =	shalt  }
0x58: {  	_ =	shalt  }
0x59: {  	_ =	shalt  }
0x5a: {  	_ =	shalt  }
0x5b: {  	_ =	shalt  }
0x5c: {  	_ =	shalt  }
0x5d: {  	_ =	shalt  }
0x5e: {  	_ =	shalt  }
0x5f: {  	_ =	shalt  }
0x60: {  	_ =	shalt  }
0x61: {  	_ =	shalt  }
0x62: {  	_ =	shalt  }
0x63: {  	_ =	shalt  }
0x64: {  	_ =	shalt  }
0x65: {  	_ =	shalt  }
0x66: {  	_ =	shalt  }
0x67: {  	_ =	shalt  }
0x68: {  	_ =	shalt  }
0x69: {  	_ =	shalt  }
0x6a: {  	_ =	shalt  }
0x6b: {  	_ =	shalt  }
0x6c: {  	_ =	shalt  }
0x6d: {  	_ =	shalt  }
0x6e: {  	_ =	shalt  }
0x6f: {  	_ =	shalt  }
0x70: {  	_ =	shalt  }
0x71: {  	_ =	shalt  }
0x72: {  	_ =	shalt  }
0x73: {  	_ =	shalt  }
0x74: {  	_ =	shalt  }
0x75: {  	_ =	shalt  }
0x76: {  	_ =	shalt  }
0x77: {  	_ =	shalt  }
0x78: {  	_ =	shalt  }
0x79: {  	_ =	shalt  }
0x7a: {  	_ =	shalt  }
0x7b: {  	_ =	shalt  }
0x7c: {  	_ =	shalt  }
0x7d: {  	_ =	shalt  }
0x7e: {  	_ =	shalt  }
0x7f: {  	_ =	shalt  }
0x80: {  	_ =	shalt  }
0x81: {  	_ =	shalt  }
0x82: {  	_ =	shalt  }
0x83: {  	_ =	shalt  }
0x84: {  	_ =	shalt  }
0x85: {  	_ =	shalt  }
0x86: {  	_ =	shalt  }
0x87: {  	_ =	shalt  }
.Lfunc_end0:
.L_simem_size_0:
called_computation_lowered:
.L_overlay_start_0:
0x88: {  	s2 =	sld [smem:$0x3FD9]  }
0x89: {  	s3 =	sld [smem:$0x3FFE];
	_ =	sdelay $0x1  }
0x8a: {  	s1 =	srdreg.scid  }
0x8b: {  	s0 =	sand.u32 $0x1, s1  }
0x8c: {  	s17 =	sshll.u32 s0, $0xA;
	s2 =	sadd.s32 s3, s2  }
0x8d: {  	s2 =	sadd.s32 s2, s17  }
0x8e: {  	[smem:$0x3FC2] =	sst s2  }
0x8f: {  	_ = 	snop  }
0x90: {  	s2 =	sld [smem:$0x3FC9]  }
0x91: {  	s18 =	sld [smem:$0x3FC8]  }
0x92: {  	s4 =	sld [smem:$0x3FC7]  }
0x93: {  	s5 =	sld [smem:$0x3FC6]  }
0x94: {  	s6 =	sld [smem:$0x3FC5]  }
0x95: {  	s7 =	sld [smem:$0x3FD0];
	(tm) =	ssettm $0x1  }
0x96: {  	s8 =	sld [smem:$0x3FFB];
	_ =	sdelay $0x3  }
0x97: {  	_ =	strace s8  }
0x98: {  	s8 =	sld [smem:$0x3FFC];
	_ =	sdelay $0x3  }
0x99: {  	_ =	strace s8  }
0x9a: {  	s8 =	sld [smem:$0x3FFD];
	_ =	sdelay $0x3  }
0x9b: {  	_ =	strace s8  }
0x9c: {  	_ =	strace $0x8FFFFFFF  }
0x9d: {  	s19 =	sld [smem:$0x3FDB];
	_ =	sdelay $0x1  }
0x9e: {  	s9 =	simm.s32 $_scs_section_size  }
0x9f: {  	s10 =	simm.s32 $_size__tile_overlayer_lowered;
	s11 =	simm.s32 $_tile_overlayer_lowered  }
0xa0: {  	s22 =	simm.s32 $0x1BFF;
	s21 =	sshll.u32 s11, $0x1;
	s8 =	sadd.s32 s9, s19  }
0xa1: {  	s12 =	simm.s32 $0x0;
	s20 =	sshll.u32 s10, $0x1;
	s10 =	sadd.s32 s21, s8  }
0xa2: {  	[timem:s12], [sflag:s22] =	dma.local [hbm:s10], s20  }
0xa3: {  	_ =	swait.ge [sflag:s22], s20  }
0xa4: {  	s9 =	ssub.s32 $0x0, s20;
	[sflag:s22] =	ssyncset.done $0x0  }
0xa5: {  	[sflag:s22] =	ssyncadd.s32 s9;
	_ =	sdelay $0x1  }
0xa6: {  	s23 =	simm.s32 $0x1B8B  }
0xa7: {  	_ =	swait.ge [sflag:s23], $0x1  }
0xa8: {  	[sflag:s23] =	ssyncset.done $0x0  }
0xa9: {  	s25 =	simm.s32 $0x1B8E;
	s24 =	sld [smem:$0x3FFE];
	[sflag:s23] =	ssyncadd.s32 $0xFFFFFFFF  }
0xaa: {  	s26 =	simm.s32 $execute0_lowered;
	[smem:$0x3FD2] =	sst s25  }
0xab: {  	s10 =	sshll.u32 s26, $0x1;
	_ =	strace $0x80000046;
	[dreg:$0x1] =	wrdreg $0xFFFFFFFF  }
0xac: {  	s28 =	simm.s32 $_size_execute0_lowered;
	s8 =	sadd.s32 s8, s10;
	[dreg:$0x0] =	wrdreg $0x0  }
0xad: {  	s10 =	sshll.u32 s28, $0x1;
	[dreg:$0x2] =	wrdreg s8  }
0xae: {  	[dreg:$0x3] =	wrdreg s10  }
0xaf: {  	[dreg:$0x4] =	wrdreg $0xC0  }
0xb0: {  	_ =	task [dreg:s12], $0x5FFFF  }
0xb1: {  	[dreg:$0x1] =	wrdreg $0xFFFFFFFF  }
0xb2: {  	[dreg:$0x0] =	wrdreg $0x60  }
0xb3: {  	[dreg:$0x2] =	wrdreg s2  }
0xb4: {  	[dreg:$0x3] =	wrdreg s18  }
0xb5: {  	[dreg:$0x4] =	wrdreg s4  }
0xb6: {  	[dreg:$0x5] =	wrdreg s5  }
0xb7: {  	[dreg:$0x6] =	wrdreg s6  }
0xb8: {  	[dreg:$0x7] =	wrdreg s24  }
0xb9: {  	[dreg:$0x8] =	wrdreg s7  }
0xba: {  	[dreg:$0x9] =	wrdreg $0x9  }
0xbb: {  	_ =	task.clear_ibuf [dreg:s12], $0xAFFFF;
	_ =	strace $0x90000046  }
0xbc: {  	s29 =	simm.s32 $0x9;
	_ =	strace $0x80000048  }
0xbd: {  	_ =	swait.ge [sflag:s29], $0x1  }
0xbe: {  	[sflag:s29] =	ssyncadd.s32 $0xFFFFFFFF  }
0xbf: {  	_ =	strace $0x90000048  }
0xc0: {  	_ =	sfence  }
0xc1: {  	s30 =	sld [smem:$0x0];
	_ =	sdelay $0x2  }
0xc2: {  	s31 =	sshll.u32 s1, $0xD;
	s1 =	sshrl.u32 s1, $0x2  }
0xc3: {  	s3 =	sand.u32 $0x4000, s31;
	s1 =	sadd.s32 s1, s30  }
0xc4: {  	s0 =	sor.u32 s3, s0;
	s1 =	sshll.u32 s1, $0x11  }
0xc5: {  	s0 =	sor.u32 s1, s0  }
0xc6: {  	s0 =	sadd.s32 $0x8F2B, s0  }
0xc7: {  	[sflag:s0] =	ssyncadd.remote.s32 $0x1  }
0xc8: {  	_ =	sfence.sel $0xFFFF  }
0xc9: {  	[dreg:$0x0] =	wrdreg $0xFFFFFFFF;
	(pc) =	sbr.abs _section_cstart, $3  }
0xca: {  	[dreg:$0x1] =	wrdreg $0xFFFFFFFF  }
0xcb: {  	_ =	task.clear_ibuf [dreg:s12], $0x2FFFF;
	_ =	strace $0x9FFFFFFF  }
0xcc: {  	(tm) =	ssettm $0x7FFFFFFF  }
0xcd: {  	_ =	shalt  }
tec
execute0_lowered:
.L_overlay_start_1:
0x0: {  	(tag) =	ssettag $0x1  }
0x1: {  	s0 =	rddreg [dreg:$0x0]  }
0x2: {  	s3 =	rddreg [dreg:$0x1]  }
0x3: {  	s1 =	rddreg [dreg:$0x2]  }
0x4: {  	s2 =	rddreg [dreg:$0x3]  }
0x5: {  	s4 =	rddreg [dreg:$0x5]  }
0x6: {  	s6 =	rddreg [dreg:$0x6]  }
0x7: {  	s5 =	simm.s32 $0x0;
	s7 =	srdreg.scid;
	s9 =	stileid.u32  }
0x8: {  	s14 =	simm.s32 $0x11;
	s15 =	simm.s32 $0x12;
	s16 =	simm.s32 $0x20  }
0x9: {  	v0 =	vlaneseq.u32;
	s23 =	simm.s32 $0x13;
	s24 =	simm.s32 $0x14;
	s7 =	sand.u32 $0x1, s7  }
0xa: {  	s9 =	sshll.u32 s9, $0x7;
	v0 =	vmul.u32 $0x10, v0;
	s8 =	ssub.s32 $0x2, s7;
	s7 =	sshll.u32 s7, $0x6  }
0xb: {  	[smem:$0x7FF] =	sst s5;
	s4 =	sadd.s32 $0x400, s4;
	s7 =	sor.u32 s7, s9  }
0xc: {  	_ =	strace $0x80000047;
	[dreg:$0x8] =	wrdreg s4;
	v1 =	vor.u32 $0x1, v0;
	v2 =	vor.u32 $0x2, v0;
	v3 =	vor.u32 $0x3, v0;
	s0 =	sadd.s32 s0, s7  }
0xd: {  	s25 =	sshrl.u32 s8, $0x1;
	v4 =	vor.u32 $0x4, v0;
	v5 =	vor.u32 $0x5, v0;
	v6 =	vor.u32 $0x6, v0;
	s26 =	sadd.s32 s3, s7;
	[dreg:$0x9] =	wrdreg s0  }
0xe: {  	v7 =	vor.u32 $0x7, v0;
	v8 =	vor.u32 $0x8, v0;
	v9 =	vor.u32 $0x9, v0;
	s4 =	ssub.s32 s8, s25;
	s30 =	sadd.s32 s6, s7;
	[dreg:$0xa] =	wrdreg s26  }
0xf: {  	s28 =	simm.s32 $0x15;
	v10 =	vor.u32 $0xA, v0;
	v11 =	vor.u32 $0xB, v0;
	v12 =	vor.u32 $0xC, v0;
	[dreg:$0xb] =	wrdreg s30;
	s31 =	smax.u32 s4, $0x1  }
0x10: {  	s29 =	simm.s32 $0x0;
	v13 =	vor.u32 $0xD, v0;
	v14 =	vor.u32 $0xE, v0;
	v15 =	vor.u32 $0xF, v0;
	s25 =	simm.s32 $0x10500;
	[dreg:$0xc] =	wrdreg s31  }
.LBB2_1:
0x11: {  	s0 =	rddreg [dreg:$0x9]  }
0x12: {  	[tilespmem:s5], [sflag:$0x11] =	stream.linear.gather [hbm4b:s0+s5], $0x200, $0x38;
	[tilespmem:$0x10800] =	vst v63  }
0x13: {  	s11 =	rddreg [dreg:$0xa];
	s3 =	simm.s32 $0x200  }
0x14: {  	[tilespmem:s3], [sflag:$0x12] =	stream.linear.gather [hbm4b:s11+s5], $0x200, $0x38;
	[tilespmem:$0x10800] =	vst v63  }
0x15: {  	s12 =	rddreg [dreg:$0x4];
	s4 =	simm.s32 $0x10400  }
0x16: {  	[tilespmem:s4], [sflag:$0x13] =	stream.linear.gather [hbm4b:s12+s5], $0x80, $0x38;
	[tilespmem:$0x10800] =	vst v63  }
0x17: {  	s13 =	rddreg [dreg:$0x8];
	s17 =	simm.s32 $0x10480  }
0x18: {  	[tilespmem:s17], [sflag:$0x14] =	stream.linear.gather [hbm4b:s13+s5], $0x80, $0x38;
	[tilespmem:$0x10800] =	vst v63  }
0x19: {  	_ =	swait.ge [sflag:s14], $0x200  }
0x1a: {  	[sflag:s14] =	ssyncset.done $0x0  }
0x1b: {  	[sflag:s14] =	ssyncadd.s32 $0xFFFFFE00  }
0x1c: {  	_ =	swait.ge [sflag:s15], $0x200  }
0x1d: {  	[sflag:s15] =	ssyncset.done $0x0  }
0x1e: {  	s18 =	simm.s32 $0x400;
	[sflag:s15] =	ssyncadd.s32 $0xFFFFFE00  }
0x1f: {  	[tilespmem:s18], [sflag:$0x1] =	stream.indirect.gather [hbm4b:s1+s16], $0x80, s5, s16, $0xb8;
	[tilespmem:$0x10800] =	vst v63  }
0x20: {  	s19 =	simm.s32 $0x8400  }
0x21: {  	[tilespmem:s19], [sflag:$0x9] =	stream.indirect.gather [hbm4b:s2+s16], $0x80, s3, s16, $0xb8;
	[tilespmem:$0x10800] =	vst v63  }
0x22: {  	s20 =	simm.s32 $0x1400  }
0x23: {  	[tilespmem:s20], [sflag:$0x2] =	stream.indirect.gather [hbm4b:s1+s16], $0x80, s16, s16, $0xb8;
	[tilespmem:$0x10800] =	vst v63  }
0x24: {  	s21 =	simm.s32 $0x220;
	s22 =	simm.s32 $0x9400  }
0x25: {  	[tilespmem:s22], [sflag:$0xA] =	stream.indirect.gather [hbm4b:s2+s16], $0x80, s21, s16, $0xb8;
	[tilespmem:$0x10800] =	vst v63  }
0x26: {  	s26 =	simm.s32 $0x40;
	s31 =	simm.s32 $0x2400  }
0x27: {  	[tilespmem:s31], [sflag:$0x3] =	stream.indirect.gather [hbm4b:s1+s16], $0x80, s26, s16, $0xb8;
	[tilespmem:$0x10800] =	vst v63  }
0x28: {  	s4 =	simm.s32 $0xA400;
	s3 =	simm.s32 $0x240  }
0x29: {  	[tilespmem:s4], [sflag:$0xB] =	stream.indirect.gather [hbm4b:s2+s16], $0x80, s3, s16, $0xb8;
	[tilespmem:$0x10800] =	vst v63  }
0x2a: {  	s6 =	simm.s32 $0x60;
	s7 =	simm.s32 $0x3400  }
0x2b: {  	[tilespmem:s7], [sflag:$0x4] =	stream.indirect.gather [hbm4b:s1+s16], $0x80, s6, s16, $0xb8;
	[tilespmem:$0x10800] =	vst v63  }
0x2c: {  	s8 =	simm.s32 $0x260;
	s9 =	simm.s32 $0xB400  }
0x2d: {  	[tilespmem:s9], [sflag:$0xC] =	stream.indirect.gather [hbm4b:s2+s16], $0x80, s8, s16, $0xb8;
	[tilespmem:$0x10800] =	vst v63  }
0x2e: {  	s10 =	simm.s32 $0x80;
	s11 =	simm.s32 $0x4400  }
0x2f: {  	[tilespmem:s11], [sflag:$0x5] =	stream.indirect.gather [hbm4b:s1+s16], $0x80, s10, s16, $0xb8;
	[tilespmem:$0x10800] =	vst v63  }
0x30: {  	s12 =	simm.s32 $0x280;
	s13 =	simm.s32 $0xC400  }
0x31: {  	[tilespmem:s13], [sflag:$0xD] =	stream.indirect.gather [hbm4b:s2+s16], $0x80, s12, s16, $0xb8;
	[tilespmem:$0x10800] =	vst v63  }
0x32: {  	s17 =	simm.s32 $0xA0;
	s18 =	simm.s32 $0x5400  }
0x33: {  	[tilespmem:s18], [sflag:$0x6] =	stream.indirect.gather [hbm4b:s1+s16], $0x80, s17, s16, $0xb8;
	[tilespmem:$0x10800] =	vst v63  }
0x34: {  	s19 =	simm.s32 $0x2A0;
	s20 =	simm.s32 $0xD400  }
0x35: {  	[tilespmem:s20], [sflag:$0xE] =	stream.indirect.gather [hbm4b:s2+s16], $0x80, s19, s16, $0xb8;
	[tilespmem:$0x10800] =	vst v63  }
0x36: {  	s21 =	simm.s32 $0xC0;
	s22 =	simm.s32 $0x6400  }
0x37: {  	[tilespmem:s22], [sflag:$0x7] =	stream.indirect.gather [hbm4b:s1+s16], $0x80, s21, s16, $0xb8;
	[tilespmem:$0x10800] =	vst v63  }
0x38: {  	s26 =	simm.s32 $0x2C0;
	s31 =	simm.s32 $0xE400  }
0x39: {  	[tilespmem:s31], [sflag:$0xF] =	stream.indirect.gather [hbm4b:s2+s16], $0x80, s26, s16, $0xb8;
	[tilespmem:$0x10800] =	vst v63  }
0x3a: {  	_ =	swait.ge [sflag:s23], $0x80  }
0x3b: {  	[sflag:s23] =	ssyncset.done $0x0  }
0x3c: {  	[sflag:s23] =	ssyncadd.s32 $0xFFFFFF80  }
0x3d: {  	_ =	swait.ge [sflag:s24], $0x80  }
0x3e: {  	[sflag:s24] =	ssyncset.done $0x0  }
0x3f: {  	[sflag:s24] =	ssyncadd.s32 $0xFFFFFF80  }
0x40: {  	v16 =	vld [tilespmem:$0x10480]  }
0x41: {  	v17 =	vld [tilespmem:$0x10400]  }
0x42: {  	v18 =	vld [tilespmem:$0x10410]  }
0x43: {  	v19 =	vld [tilespmem:$0x10420]  }
0x44: {  	v20 =	vld [tilespmem:$0x10430]  }
0x45: {  	v21 =	vld [tilespmem:$0x10440]  }
0x46: {  	v22 =	vld [tilespmem:$0x10450]  }
0x47: {  	v23 =	vld [tilespmem:$0x10460]  }
0x48: {  	s30 =	simm.s32 $0x0;
	v24 =	vld [tilespmem:$0x10470]  }
.LBB2_2:
0x49: {  	p0 =	sgt.u32 s30, $0x8  }
0x4a: {  	s0 =	sadd.s32 @!p0 $0x7, s30  }
0x4b: {  	s9 =	sshll.u32 s30, $0x5;
	s8 =	simm.s32 @!p0 $0x20;
	s3 =	sand.u32 @!p0 $0x7, s0  }
0x4c: {  	s10 =	sand.u32 $0x3FFFFFE0, s9;
	s0 =	sshll.u32 @!p0 s0, $0x5;
	s4 =	sshll.u32 @!p0 s3, $0xC  }
0x4d: {  	s9 =	sadd.s32 $0x10600, s10;
	s7 =	sadd.s32 @!p0 $0x1, s3;
	s6 =	sor.u32 @!p0 $0x400, s4  }
0x4e: {  	[tilespmem:s6], [sflag:s7] =	stream.indirect.gather @!p0 [hbm4b:s1+s8], $0x80, s0, s8, $0xb8;
	[tilespmem:$0x10800] =	vst v63  }
0x4f: {  	s3 =	sadd.s32 @!p0 $0x9, s3;
	s4 =	sor.u32 @!p0 $0x8400, s4;
	s6 =	sand.u32 $0x7, s30  }
0x50: {  	s0 =	sadd.s32 @!p0 $0x200, s0;
	s7 =	sadd.s32 $0x1, s6;
	s31 =	sshll.u32 s6, $0xC  }
0x51: {  	[tilespmem:s4], [sflag:s3] =	stream.indirect.gather @!p0 [hbm4b:s2+s8], $0x80, s0, s8, $0xb8;
	[tilespmem:$0x10800] =	vst v63  }
0x52: {  	s8 =	sadd.s32 $0x9, s6;
	s0 =	sor.u32 $0x80, s31;
	s4 =	sor.u32 $0x100, s31  }
0x53: {  	s3 =	sor.u32 $0x180, s31;
	s12 =	sor.u32 $0x200, s31;
	s13 =	sor.u32 $0x280, s31  }
0x54: {  	s17 =	sor.u32 $0x300, s31;
	s18 =	sor.u32 $0x380, s31;
	_ =	swait.ge [sflag:s7], $0x1000  }
0x55: {  	s19 =	sor.u32 $0x400, s31;
	s20 =	sor.u32 $0x480, s31;
	[sflag:s7] =	ssyncset.done $0x0  }
0x56: {  	s21 =	sor.u32 $0x500, s31;
	s22 =	sor.u32 $0x580, s31;
	[sflag:s7] =	ssyncadd.s32 $0xFFFFF000  }
0x57: {  	s26 =	sor.u32 $0x600, s31;
	s11 =	sor.u32 $0x680, s31;
	_ =	swait.ge [sflag:s8], $0x1000  }
0x58: {  	s6 =	sor.u32 $0x700, s31;
	p0 =	por $0x1, $0x1;
	[sflag:s8] =	ssyncset.done $0x0  }
0x59: {  	v25 =	vmov s9;
	s7 =	sor.u32 $0x780, s31;
	[sflag:s8] =	ssyncadd.s32 $0xFFFFF000;
	s8 =	simm.s32 $0x0  }
.LBB2_3:
0x5a: {  	s9 =	sshll.u32 s8, $0xB  }
0x5b: {  	s10 =	sor.u32 s31, s9  }
0x5c: {  	v26 =	vld [tilespmem:s10+$0x400]  }
0x5d: {  	v27 =	vld [tilespmem:s10+$0x8400]  }
0x5e: {  	v28 =	vld [tilespmem:s10+$0x410]  }
0x5f: {  	v29 =	vld [tilespmem:s10+$0x8410]  }
0x60: {  	v30 =	vld [tilespmem:s10+$0x420]  }
0x61: {  	v31 =	vld [tilespmem:s10+$0x8420]  }
0x62: {  	v32 =	vld [tilespmem:s10+$0x8430];
	v26 =	vmul.f32 v27, v26  }
0x63: {  	v27 =	vld [tilespmem:s10+$0x430]  }
0x64: {  	v50 =	vld [tilespmem:s10+$0x440];
	v28 =	vmul.f32 v29, v28;
	v26 =	vmul.f32 v26, v17  }
0x65: {  	v33 =	vld [tilespmem:s10+$0x8440]  }
0x66: {  	v51 =	vld [tilespmem:s10+$0x450];
	v30 =	vmul.f32 v31, v30;
	v28 =	vmul.f32 v28, v18;
	v26 =	vadd.f32 $0.0e+00, v26  }
0x67: {  	v34 =	vld [tilespmem:s10+$0x8450]  }
0x68: {  	v53 =	vld [tilespmem:s10+$0x460];
	v52 =	vmul.f32 v30, v19;
	v27 =	vmul.f32 v32, v27;
	v26 =	vadd.f32 v28, v26  }
0x69: {  	v54 =	vld [tilespmem:s10+$0x8460]  }
0x6a: {  	v56 =	vld [tilespmem:s10+$0x470];
	v55 =	vmul.f32 v33, v50;
	v27 =	vmul.f32 v27, v20;
	v26 =	vadd.f32 v52, v26  }
0x6b: {  	v57 =	vld [tilespmem:s10+$0x8470]  }
0x6c: {  	v58 =	vmul.f32 v34, v51;
	v26 =	vadd.f32 v27, v26;
	v27 =	vmul.f32 v55, v21;
	_ =	sdelay $0x1  }
0x6d: {  	v59 =	vmul.f32 v54, v53;
	v26 =	vadd.f32 v27, v26;
	v27 =	vmul.f32 v58, v22;
	_ =	sdelay $0x1  }
0x6e: {  	v60 =	vmul.f32 v57, v56;
	v26 =	vadd.f32 v27, v26;
	v27 =	vmul.f32 v59, v23;
	_ =	sdelay $0x1  }
0x6f: {  	v26 =	vadd.f32 v27, v26;
	v27 =	vmul.f32 v60, v24;
	_ =	sdelay $0x1  }
0x70: {  	v26 =	vadd.f32 v27, v26;
	_ =	sdelay $0x1  }
0x71: {  	s10 =	sor.u32 s0, s9;
	[tilespmem:$0x10500] =	vst v26  }
0x72: {  	v26 =	vld [tilespmem:s10+$0x400]  }
0x73: {  	v27 =	vld [tilespmem:s10+$0x8400]  }
0x74: {  	v61 =	vld [tilespmem:s10+$0x410]  }
0x75: {  	v62 =	vld [tilespmem:s10+$0x8410]  }
0x76: {  	v63 =	vld [tilespmem:s10+$0x420]  }
0x77: {  	v36 =	vld [tilespmem:s10+$0x8420]  }
0x78: {  	v37 =	vld [tilespmem:s10+$0x8430];
	v26 =	vmul.f32 v27, v26  }
0x79: {  	v27 =	vld [tilespmem:s10+$0x430]  }
0x7a: {  	v38 =	vld [tilespmem:s10+$0x440];
	v28 =	vmul.f32 v62, v61;
	v26 =	vmul.f32 v26, v17  }
0x7b: {  	v39 =	vld [tilespmem:s10+$0x8440]  }
0x7c: {  	v40 =	vld [tilespmem:s10+$0x450];
	v30 =	vmul.f32 v36, v63;
	v28 =	vmul.f32 v28, v18;
	v26 =	vadd.f32 $0.0e+00, v26  }
0x7d: {  	v41 =	vld [tilespmem:s10+$0x8450]  }
0x7e: {  	v43 =	vld [tilespmem:s10+$0x460];
	v42 =	vmul.f32 v30, v19;
	v27 =	vmul.f32 v37, v27;
	v26 =	vadd.f32 v28, v26  }
0x7f: {  	v44 =	vld [tilespmem:s10+$0x8460]  }
0x80: {  	v46 =	vld [tilespmem:s10+$0x470];
	v45 =	vmul.f32 v39, v38;
	v27 =	vmul.f32 v27, v20;
	v26 =	vadd.f32 v42, v26  }
0x81: {  	v47 =	vld [tilespmem:s10+$0x8470]  }
0x82: {  	v48 =	vmul.f32 v41, v40;
	v26 =	vadd.f32 v27, v26;
	v27 =	vmul.f32 v45, v21;
	_ =	sdelay $0x1  }
0x83: {  	v49 =	vmul.f32 v44, v43;
	v26 =	vadd.f32 v27, v26;
	v27 =	vmul.f32 v48, v22;
	_ =	sdelay $0x1  }
0x84: {  	v50 =	vmul.f32 v47, v46;
	v26 =	vadd.f32 v27, v26;
	v27 =	vmul.f32 v49, v23;
	_ =	sdelay $0x1  }
0x85: {  	v26 =	vadd.f32 v27, v26;
	v27 =	vmul.f32 v50, v24;
	_ =	sdelay $0x1  }
0x86: {  	v26 =	vadd.f32 v27, v26;
	_ =	sdelay $0x1  }
0x87: {  	s10 =	sor.u32 s4, s9;
	[tilespmem:$0x10510] =	vst v26  }
0x88: {  	v26 =	vld [tilespmem:s10+$0x400]  }
0x89: {  	v27 =	vld [tilespmem:s10+$0x8400]  }
0x8a: {  	v51 =	vld [tilespmem:s10+$0x410]  }
0x8b: {  	v52 =	vld [tilespmem:s10+$0x8410]  }
0x8c: {  	v53 =	vld [tilespmem:s10+$0x420]  }
0x8d: {  	v54 =	vld [tilespmem:s10+$0x8420]  }
0x8e: {  	v55 =	vld [tilespmem:s10+$0x8430];
	v26 =	vmul.f32 v27, v26  }
0x8f: {  	v27 =	vld [tilespmem:s10+$0x430]  }
0x90: {  	v56 =	vld [tilespmem:s10+$0x440];
	v28 =	vmul.f32 v52, v51;
	v26 =	vmul.f32 v26, v17  }
0x91: {  	v57 =	vld [tilespmem:s10+$0x8440]  }
0x92: {  	v58 =	vld [tilespmem:s10+$0x450];
	v30 =	vmul.f32 v54, v53;
	v28 =	vmul.f32 v28, v18;
	v26 =	vadd.f32 $0.0e+00, v26  }
0x93: {  	v59 =	vld [tilespmem:s10+$0x8450]  }
0x94: {  	v61 =	vld [tilespmem:s10+$0x460];
	v60 =	vmul.f32 v30, v19;
	v27 =	vmul.f32 v55, v27;
	v26 =	vadd.f32 v28, v26  }
0x95: {  	v62 =	vld [tilespmem:s10+$0x8460]  }
0x96: {  	v36 =	vld [tilespmem:s10+$0x470];
	v63 =	vmul.f32 v57, v56;
	v27 =	vmul.f32 v27, v20;
	v26 =	vadd.f32 v60, v26  }
0x97: {  	v37 =	vld [tilespmem:s10+$0x8470]  }
0x98: {  	v38 =	vmul.f32 v59, v58;
	v26 =	vadd.f32 v27, v26;
	v27 =	vmul.f32 v63, v21;
	_ =	sdelay $0x1  }
0x99: {  	v39 =	vmul.f32 v62, v61;
	v26 =	vadd.f32 v27, v26;
	v27 =	vmul.f32 v38, v22;
	_ =	sdelay $0x1  }
0x9a: {  	v40 =	vmul.f32 v37, v36;
	v26 =	vadd.f32 v27, v26;
	v27 =	vmul.f32 v39, v23;
	_ =	sdelay $0x1  }
0x9b: {  	v26 =	vadd.f32 v27, v26;
	v27 =	vmul.f32 v40, v24;
	_ =	sdelay $0x1  }
0x9c: {  	v26 =	vadd.f32 v27, v26;
	_ =	sdelay $0x1  }
0x9d: {  	s10 =	sor.u32 s3, s9;
	[tilespmem:$0x10520] =	vst v26  }
0x9e: {  	v26 =	vld [tilespmem:s10+$0x400]  }
0x9f: {  	v27 =	vld [tilespmem:s10+$0x8400]  }
0xa0: {  	v41 =	vld [tilespmem:s10+$0x410]  }
0xa1: {  	v42 =	vld [tilespmem:s10+$0x8410]  }
0xa2: {  	v43 =	vld [tilespmem:s10+$0x420]  }
0xa3: {  	v44 =	vld [tilespmem:s10+$0x8420]  }
0xa4: {  	v45 =	vld [tilespmem:s10+$0x8430];
	v26 =	vmul.f32 v27, v26  }
0xa5: {  	v27 =	vld [tilespmem:s10+$0x430]  }
0xa6: {  	v46 =	vld [tilespmem:s10+$0x440];
	v28 =	vmul.f32 v42, v41;
	v26 =	vmul.f32 v26, v17  }
0xa7: {  	v47 =	vld [tilespmem:s10+$0x8440]  }
0xa8: {  	v48 =	vld [tilespmem:s10+$0x450];
	v30 =	vmul.f32 v44, v43;
	v28 =	vmul.f32 v28, v18;
	v26 =	vadd.f32 $0.0e+00, v26  }
0xa9: {  	v49 =	vld [tilespmem:s10+$0x8450]  }
0xaa: {  	v51 =	vld [tilespmem:s10+$0x460];
	v50 =	vmul.f32 v30, v19;
	v27 =	vmul.f32 v45, v27;
	v26 =	vadd.f32 v28, v26  }
0xab: {  	v52 =	vld [tilespmem:s10+$0x8460]  }
0xac: {  	v54 =	vld [tilespmem:s10+$0x470];
	v53 =	vmul.f32 v47, v46;
	v27 =	vmul.f32 v27, v20;
	v26 =	vadd.f32 v50, v26  }
0xad: {  	v55 =	vld [tilespmem:s10+$0x8470]  }
0xae: {  	v56 =	vmul.f32 v49, v48;
	v26 =	vadd.f32 v27, v26;
	v27 =	vmul.f32 v53, v21;
	_ =	sdelay $0x1  }
0xaf: {  	v57 =	vmul.f32 v52, v51;
	v26 =	vadd.f32 v27, v26;
	v27 =	vmul.f32 v56, v22;
	_ =	sdelay $0x1  }
0xb0: {  	v58 =	vmul.f32 v55, v54;
	v26 =	vadd.f32 v27, v26;
	v27 =	vmul.f32 v57, v23;
	_ =	sdelay $0x1  }
0xb1: {  	v26 =	vadd.f32 v27, v26;
	v27 =	vmul.f32 v58, v24;
	_ =	sdelay $0x1  }
0xb2: {  	v26 =	vadd.f32 v27, v26;
	_ =	sdelay $0x1  }
0xb3: {  	s10 =	sor.u32 s12, s9;
	[tilespmem:$0x10530] =	vst v26  }
0xb4: {  	v26 =	vld [tilespmem:s10+$0x400]  }
0xb5: {  	v27 =	vld [tilespmem:s10+$0x8400]  }
0xb6: {  	v59 =	vld [tilespmem:s10+$0x410]  }
0xb7: {  	v60 =	vld [tilespmem:s10+$0x8410]  }
0xb8: {  	v61 =	vld [tilespmem:s10+$0x420]  }
0xb9: {  	v62 =	vld [tilespmem:s10+$0x8420]  }
0xba: {  	v63 =	vld [tilespmem:s10+$0x8430];
	v26 =	vmul.f32 v27, v26  }
0xbb: {  	v27 =	vld [tilespmem:s10+$0x430]  }
0xbc: {  	v36 =	vld [tilespmem:s10+$0x440];
	v28 =	vmul.f32 v60, v59;
	v26 =	vmul.f32 v26, v17  }
0xbd: {  	v37 =	vld [tilespmem:s10+$0x8440]  }
0xbe: {  	v38 =	vld [tilespmem:s10+$0x450];
	v30 =	vmul.f32 v62, v61;
	v28 =	vmul.f32 v28, v18;
	v26 =	vadd.f32 $0.0e+00, v26  }
0xbf: {  	v39 =	vld [tilespmem:s10+$0x8450]  }
0xc0: {  	v41 =	vld [tilespmem:s10+$0x460];
	v40 =	vmul.f32 v30, v19;
	v27 =	vmul.f32 v63, v27;
	v26 =	vadd.f32 v28, v26  }
0xc1: {  	v42 =	vld [tilespmem:s10+$0x8460]  }
0xc2: {  	v44 =	vld [tilespmem:s10+$0x470];
	v43 =	vmul.f32 v37, v36;
	v27 =	vmul.f32 v27, v20;
	v26 =	vadd.f32 v40, v26  }
0xc3: {  	v45 =	vld [tilespmem:s10+$0x8470]  }
0xc4: {  	v46 =	vmul.f32 v39, v38;
	v26 =	vadd.f32 v27, v26;
	v27 =	vmul.f32 v43, v21;
	_ =	sdelay $0x1  }
0xc5: {  	v47 =	vmul.f32 v42, v41;
	v26 =	vadd.f32 v27, v26;
	v27 =	vmul.f32 v46, v22;
	_ =	sdelay $0x1  }
0xc6: {  	v48 =	vmul.f32 v45, v44;
	v26 =	vadd.f32 v27, v26;
	v27 =	vmul.f32 v47, v23;
	_ =	sdelay $0x1  }
0xc7: {  	v26 =	vadd.f32 v27, v26;
	v27 =	vmul.f32 v48, v24;
	_ =	sdelay $0x1  }
0xc8: {  	v26 =	vadd.f32 v27, v26;
	_ =	sdelay $0x1  }
0xc9: {  	s10 =	sor.u32 s13, s9;
	[tilespmem:$0x10540] =	vst v26  }
0xca: {  	v26 =	vld [tilespmem:s10+$0x400]  }
0xcb: {  	v27 =	vld [tilespmem:s10+$0x8400]  }
0xcc: {  	v49 =	vld [tilespmem:s10+$0x410]  }
0xcd: {  	v50 =	vld [tilespmem:s10+$0x8410]  }
0xce: {  	v51 =	vld [tilespmem:s10+$0x420]  }
0xcf: {  	v52 =	vld [tilespmem:s10+$0x8420]  }
0xd0: {  	v53 =	vld [tilespmem:s10+$0x8430];
	v26 =	vmul.f32 v27, v26  }
0xd1: {  	v27 =	vld [tilespmem:s10+$0x430]  }
0xd2: {  	v54 =	vld [tilespmem:s10+$0x440];
	v28 =	vmul.f32 v50, v49;
	v26 =	vmul.f32 v26, v17  }
0xd3: {  	v55 =	vld [tilespmem:s10+$0x8440]  }
0xd4: {  	v56 =	vld [tilespmem:s10+$0x450];
	v30 =	vmul.f32 v52, v51;
	v28 =	vmul.f32 v28, v18;
	v26 =	vadd.f32 $0.0e+00, v26  }
0xd5: {  	v57 =	vld [tilespmem:s10+$0x8450]  }
0xd6: {  	v59 =	vld [tilespmem:s10+$0x460];
	v58 =	vmul.f32 v30, v19;
	v27 =	vmul.f32 v53, v27;
	v26 =	vadd.f32 v28, v26  }
0xd7: {  	v60 =	vld [tilespmem:s10+$0x8460]  }
0xd8: {  	v62 =	vld [tilespmem:s10+$0x470];
	v61 =	vmul.f32 v55, v54;
	v27 =	vmul.f32 v27, v20;
	v26 =	vadd.f32 v58, v26  }
0xd9: {  	v63 =	vld [tilespmem:s10+$0x8470]  }
0xda: {  	v34 =	vmul.f32 v57, v56;
	v26 =	vadd.f32 v27, v26;
	v27 =	vmul.f32 v61, v21;
	_ =	sdelay $0x1  }
0xdb: {  	v35 =	vmul.f32 v60, v59;
	v26 =	vadd.f32 v27, v26;
	v27 =	vmul.f32 v34, v22;
	_ =	sdelay $0x1  }
0xdc: {  	v36 =	vmul.f32 v63, v62;
	v26 =	vadd.f32 v27, v26;
	v27 =	vmul.f32 v35, v23;
	_ =	sdelay $0x1  }
0xdd: {  	v26 =	vadd.f32 v27, v26;
	v27 =	vmul.f32 v36, v24;
	_ =	sdelay $0x1  }
0xde: {  	v26 =	vadd.f32 v27, v26;
	_ =	sdelay $0x1  }
0xdf: {  	s10 =	sor.u32 s17, s9;
	[tilespmem:$0x10550] =	vst v26  }
0xe0: {  	v26 =	vld [tilespmem:s10+$0x400]  }
0xe1: {  	v27 =	vld [tilespmem:s10+$0x8400]  }
0xe2: {  	v37 =	vld [tilespmem:s10+$0x410]  }
0xe3: {  	v38 =	vld [tilespmem:s10+$0x8410]  }
0xe4: {  	v39 =	vld [tilespmem:s10+$0x420]  }
0xe5: {  	v40 =	vld [tilespmem:s10+$0x8420]  }
0xe6: {  	v41 =	vld [tilespmem:s10+$0x8430];
	v26 =	vmul.f32 v27, v26  }
0xe7: {  	v27 =	vld [tilespmem:s10+$0x430]  }
0xe8: {  	v42 =	vld [tilespmem:s10+$0x440];
	v28 =	vmul.f32 v38, v37;
	v26 =	vmul.f32 v26, v17  }
0xe9: {  	v43 =	vld [tilespmem:s10+$0x8440]  }
0xea: {  	v44 =	vld [tilespmem:s10+$0x450];
	v30 =	vmul.f32 v40, v39;
	v28 =	vmul.f32 v28, v18;
	v26 =	vadd.f32 $0.0e+00, v26  }
0xeb: {  	v45 =	vld [tilespmem:s10+$0x8450]  }
0xec: {  	v47 =	vld [tilespmem:s10+$0x460];
	v46 =	vmul.f32 v30, v19;
	v27 =	vmul.f32 v41, v27;
	v26 =	vadd.f32 v28, v26  }
0xed: {  	v48 =	vld [tilespmem:s10+$0x8460]  }
0xee: {  	v50 =	vld [tilespmem:s10+$0x470];
	v49 =	vmul.f32 v43, v42;
	v27 =	vmul.f32 v27, v20;
	v26 =	vadd.f32 v46, v26  }
0xef: {  	v51 =	vld [tilespmem:s10+$0x8470]  }
0xf0: {  	v52 =	vmul.f32 v45, v44;
	v26 =	vadd.f32 v27, v26;
	v27 =	vmul.f32 v49, v21;
	_ =	sdelay $0x1  }
0xf1: {  	v53 =	vmul.f32 v48, v47;
	v26 =	vadd.f32 v27, v26;
	v27 =	vmul.f32 v52, v22;
	_ =	sdelay $0x1  }
0xf2: {  	v54 =	vmul.f32 v51, v50;
	v26 =	vadd.f32 v27, v26;
	v27 =	vmul.f32 v53, v23;
	_ =	sdelay $0x1  }
0xf3: {  	v26 =	vadd.f32 v27, v26;
	v27 =	vmul.f32 v54, v24;
	_ =	sdelay $0x1  }
0xf4: {  	v26 =	vadd.f32 v27, v26;
	_ =	sdelay $0x1  }
0xf5: {  	s10 =	sor.u32 s18, s9;
	[tilespmem:$0x10560] =	vst v26  }
0xf6: {  	v26 =	vld [tilespmem:s10+$0x400]  }
0xf7: {  	v27 =	vld [tilespmem:s10+$0x8400]  }
0xf8: {  	v55 =	vld [tilespmem:s10+$0x410]  }
0xf9: {  	v56 =	vld [tilespmem:s10+$0x8410]  }
0xfa: {  	v57 =	vld [tilespmem:s10+$0x420]  }
0xfb: {  	v58 =	vld [tilespmem:s10+$0x8420]  }
0xfc: {  	v59 =	vld [tilespmem:s10+$0x8430];
	v26 =	vmul.f32 v27, v26  }
0xfd: {  	v27 =	vld [tilespmem:s10+$0x430]  }
0xfe: {  	v60 =	vld [tilespmem:s10+$0x440];
	v28 =	vmul.f32 v56, v55;
	v26 =	vmul.f32 v26, v17  }
0xff: {  	v61 =	vld [tilespmem:s10+$0x8440]  }
0x100: {  	v62 =	vld [tilespmem:s10+$0x450];
	v30 =	vmul.f32 v58, v57;
	v28 =	vmul.f32 v28, v18;
	v26 =	vadd.f32 $0.0e+00, v26  }
0x101: {  	v63 =	vld [tilespmem:s10+$0x8450]  }
0x102: {  	v37 =	vld [tilespmem:s10+$0x460];
	v36 =	vmul.f32 v30, v19;
	v27 =	vmul.f32 v59, v27;
	v26 =	vadd.f32 v28, v26  }
0x103: {  	v38 =	vld [tilespmem:s10+$0x8460]  }
0x104: {  	v40 =	vld [tilespmem:s10+$0x470];
	v39 =	vmul.f32 v61, v60;
	v27 =	vmul.f32 v27, v20;
	v26 =	vadd.f32 v36, v26  }
0x105: {  	v41 =	vld [tilespmem:s10+$0x8470]  }
0x106: {  	v42 =	vmul.f32 v63, v62;
	v26 =	vadd.f32 v27, v26;
	v27 =	vmul.f32 v39, v21;
	_ =	sdelay $0x1  }
0x107: {  	v43 =	vmul.f32 v38, v37;
	v26 =	vadd.f32 v27, v26;
	v27 =	vmul.f32 v42, v22;
	_ =	sdelay $0x1  }
0x108: {  	v44 =	vmul.f32 v41, v40;
	v26 =	vadd.f32 v27, v26;
	v27 =	vmul.f32 v43, v23;
	_ =	sdelay $0x1  }
0x109: {  	v26 =	vadd.f32 v27, v26;
	v27 =	vmul.f32 v44, v24;
	_ =	sdelay $0x1  }
0x10a: {  	v26 =	vadd.f32 v27, v26;
	_ =	sdelay $0x1  }
0x10b: {  	s10 =	sor.u32 s19, s9;
	[tilespmem:$0x10570] =	vst v26  }
0x10c: {  	v26 =	vld [tilespmem:s10+$0x400]  }
0x10d: {  	v27 =	vld [tilespmem:s10+$0x8400]  }
0x10e: {  	v45 =	vld [tilespmem:s10+$0x410]  }
0x10f: {  	v46 =	vld [tilespmem:s10+$0x8410]  }
0x110: {  	v47 =	vld [tilespmem:s10+$0x420]  }
0x111: {  	v48 =	vld [tilespmem:s10+$0x8420]  }
0x112: {  	v49 =	vld [tilespmem:s10+$0x8430];
	v26 =	vmul.f32 v27, v26  }
0x113: {  	v27 =	vld [tilespmem:s10+$0x430]  }
0x114: {  	v50 =	vld [tilespmem:s10+$0x440];
	v28 =	vmul.f32 v46, v45;
	v26 =	vmul.f32 v26, v17  }
0x115: {  	v51 =	vld [tilespmem:s10+$0x8440]  }
0x116: {  	v52 =	vld [tilespmem:s10+$0x450];
	v30 =	vmul.f32 v48, v47;
	v28 =	vmul.f32 v28, v18;
	v26 =	vadd.f32 $0.0e+00, v26  }
0x117: {  	v53 =	vld [tilespmem:s10+$0x8450]  }
0x118: {  	v55 =	vld [tilespmem:s10+$0x460];
	v54 =	vmul.f32 v30, v19;
	v27 =	vmul.f32 v49, v27;
	v26 =	vadd.f32 v28, v26  }
0x119: {  	v56 =	vld [tilespmem:s10+$0x8460]  }
0x11a: {  	v58 =	vld [tilespmem:s10+$0x470];
	v57 =	vmul.f32 v51, v50;
	v27 =	vmul.f32 v27, v20;
	v26 =	vadd.f32 v54, v26  }
0x11b: {  	v59 =	vld [tilespmem:s10+$0x8470]  }
0x11c: {  	v60 =	vmul.f32 v53, v52;
	v26 =	vadd.f32 v27, v26;
	v27 =	vmul.f32 v57, v21;
	_ =	sdelay $0x1  }
0x11d: {  	v61 =	vmul.f32 v56, v55;
	v26 =	vadd.f32 v27, v26;
	v27 =	vmul.f32 v60, v22;
	_ =	sdelay $0x1  }
0x11e: {  	v62 =	vmul.f32 v59, v58;
	v26 =	vadd.f32 v27, v26;
	v27 =	vmul.f32 v61, v23;
	_ =	sdelay $0x1  }
0x11f: {  	v26 =	vadd.f32 v27, v26;
	v27 =	vmul.f32 v62, v24;
	_ =	sdelay $0x1  }
0x120: {  	v26 =	vadd.f32 v27, v26;
	_ =	sdelay $0x1  }
0x121: {  	s10 =	sor.u32 s20, s9;
	[tilespmem:$0x10580] =	vst v26  }
0x122: {  	v26 =	vld [tilespmem:s10+$0x400]  }
0x123: {  	v27 =	vld [tilespmem:s10+$0x8400]  }
0x124: {  	v63 =	vld [tilespmem:s10+$0x410]  }
0x125: {  	v36 =	vld [tilespmem:s10+$0x8410]  }
0x126: {  	v37 =	vld [tilespmem:s10+$0x420]  }
0x127: {  	v38 =	vld [tilespmem:s10+$0x8420]  }
0x128: {  	v39 =	vld [tilespmem:s10+$0x8430];
	v26 =	vmul.f32 v27, v26  }
0x129: {  	v27 =	vld [tilespmem:s10+$0x430]  }
0x12a: {  	v40 =	vld [tilespmem:s10+$0x440];
	v28 =	vmul.f32 v36, v63;
	v26 =	vmul.f32 v26, v17  }
0x12b: {  	v41 =	vld [tilespmem:s10+$0x8440]  }
0x12c: {  	v42 =	vld [tilespmem:s10+$0x450];
	v30 =	vmul.f32 v38, v37;
	v28 =	vmul.f32 v28, v18;
	v26 =	vadd.f32 $0.0e+00, v26  }
0x12d: {  	v43 =	vld [tilespmem:s10+$0x8450]  }
0x12e: {  	v45 =	vld [tilespmem:s10+$0x460];
	v44 =	vmul.f32 v30, v19;
	v27 =	vmul.f32 v39, v27;
	v26 =	vadd.f32 v28, v26  }
0x12f: {  	v46 =	vld [tilespmem:s10+$0x8460]  }
0x130: {  	v48 =	vld [tilespmem:s10+$0x470];
	v47 =	vmul.f32 v41, v40;
	v27 =	vmul.f32 v27, v20;
	v26 =	vadd.f32 v44, v26  }
0x131: {  	v49 =	vld [tilespmem:s10+$0x8470]  }
0x132: {  	v50 =	vmul.f32 v43, v42;
	v26 =	vadd.f32 v27, v26;
	v27 =	vmul.f32 v47, v21;
	_ =	sdelay $0x1  }
0x133: {  	v51 =	vmul.f32 v46, v45;
	v26 =	vadd.f32 v27, v26;
	v27 =	vmul.f32 v50, v22;
	_ =	sdelay $0x1  }
0x134: {  	v52 =	vmul.f32 v49, v48;
	v26 =	vadd.f32 v27, v26;
	v27 =	vmul.f32 v51, v23;
	_ =	sdelay $0x1  }
0x135: {  	v26 =	vadd.f32 v27, v26;
	v27 =	vmul.f32 v52, v24;
	_ =	sdelay $0x1  }
0x136: {  	v26 =	vadd.f32 v27, v26;
	_ =	sdelay $0x1  }
0x137: {  	s10 =	sor.u32 s21, s9;
	[tilespmem:$0x10590] =	vst v26  }
0x138: {  	v26 =	vld [tilespmem:s10+$0x400]  }
0x139: {  	v27 =	vld [tilespmem:s10+$0x8400]  }
0x13a: {  	v53 =	vld [tilespmem:s10+$0x410]  }
0x13b: {  	v54 =	vld [tilespmem:s10+$0x8410]  }
0x13c: {  	v55 =	vld [tilespmem:s10+$0x420]  }
0x13d: {  	v56 =	vld [tilespmem:s10+$0x8420]  }
0x13e: {  	v57 =	vld [tilespmem:s10+$0x8430];
	v26 =	vmul.f32 v27, v26  }
0x13f: {  	v27 =	vld [tilespmem:s10+$0x430]  }
0x140: {  	v58 =	vld [tilespmem:s10+$0x440];
	v28 =	vmul.f32 v54, v53;
	v26 =	vmul.f32 v26, v17  }
0x141: {  	v59 =	vld [tilespmem:s10+$0x8440]  }
0x142: {  	v60 =	vld [tilespmem:s10+$0x450];
	v30 =	vmul.f32 v56, v55;
	v28 =	vmul.f32 v28, v18;
	v26 =	vadd.f32 $0.0e+00, v26  }
0x143: {  	v61 =	vld [tilespmem:s10+$0x8450]  }
0x144: {  	v63 =	vld [tilespmem:s10+$0x460];
	v62 =	vmul.f32 v30, v19;
	v27 =	vmul.f32 v57, v27;
	v26 =	vadd.f32 v28, v26  }
0x145: {  	v36 =	vld [tilespmem:s10+$0x8460]  }
0x146: {  	v38 =	vld [tilespmem:s10+$0x470];
	v37 =	vmul.f32 v59, v58;
	v27 =	vmul.f32 v27, v20;
	v26 =	vadd.f32 v62, v26  }
0x147: {  	v39 =	vld [tilespmem:s10+$0x8470]  }
0x148: {  	v40 =	vmul.f32 v61, v60;
	v26 =	vadd.f32 v27, v26;
	v27 =	vmul.f32 v37, v21;
	_ =	sdelay $0x1  }
0x149: {  	v41 =	vmul.f32 v36, v63;
	v26 =	vadd.f32 v27, v26;
	v27 =	vmul.f32 v40, v22;
	_ =	sdelay $0x1  }
0x14a: {  	v42 =	vmul.f32 v39, v38;
	v26 =	vadd.f32 v27, v26;
	v27 =	vmul.f32 v41, v23;
	_ =	sdelay $0x1  }
0x14b: {  	v26 =	vadd.f32 v27, v26;
	v27 =	vmul.f32 v42, v24;
	_ =	sdelay $0x1  }
0x14c: {  	v26 =	vadd.f32 v27, v26;
	_ =	sdelay $0x1  }
0x14d: {  	s10 =	sor.u32 s22, s9;
	[tilespmem:$0x105A0] =	vst v26  }
0x14e: {  	v26 =	vld [tilespmem:s10+$0x400]  }
0x14f: {  	v27 =	vld [tilespmem:s10+$0x8400]  }
0x150: {  	v43 =	vld [tilespmem:s10+$0x410]  }
0x151: {  	v44 =	vld [tilespmem:s10+$0x8410]  }
0x152: {  	v45 =	vld [tilespmem:s10+$0x420]  }
0x153: {  	v46 =	vld [tilespmem:s10+$0x8420]  }
0x154: {  	v47 =	vld [tilespmem:s10+$0x8430];
	v26 =	vmul.f32 v27, v26  }
0x155: {  	v27 =	vld [tilespmem:s10+$0x430]  }
0x156: {  	v48 =	vld [tilespmem:s10+$0x440];
	v28 =	vmul.f32 v44, v43;
	v26 =	vmul.f32 v26, v17  }
0x157: {  	v49 =	vld [tilespmem:s10+$0x8440]  }
0x158: {  	v50 =	vld [tilespmem:s10+$0x450];
	v30 =	vmul.f32 v46, v45;
	v28 =	vmul.f32 v28, v18;
	v26 =	vadd.f32 $0.0e+00, v26  }
0x159: {  	v51 =	vld [tilespmem:s10+$0x8450]  }
0x15a: {  	v53 =	vld [tilespmem:s10+$0x460];
	v52 =	vmul.f32 v30, v19;
	v27 =	vmul.f32 v47, v27;
	v26 =	vadd.f32 v28, v26  }
0x15b: {  	v54 =	vld [tilespmem:s10+$0x8460]  }
0x15c: {  	v56 =	vld [tilespmem:s10+$0x470];
	v55 =	vmul.f32 v49, v48;
	v27 =	vmul.f32 v27, v20;
	v26 =	vadd.f32 v52, v26  }
0x15d: {  	v57 =	vld [tilespmem:s10+$0x8470]  }
0x15e: {  	v58 =	vmul.f32 v51, v50;
	v26 =	vadd.f32 v27, v26;
	v27 =	vmul.f32 v55, v21;
	_ =	sdelay $0x1  }
0x15f: {  	v59 =	vmul.f32 v54, v53;
	v26 =	vadd.f32 v27, v26;
	v27 =	vmul.f32 v58, v22;
	_ =	sdelay $0x1  }
0x160: {  	v60 =	vmul.f32 v57, v56;
	v26 =	vadd.f32 v27, v26;
	v27 =	vmul.f32 v59, v23;
	_ =	sdelay $0x1  }
0x161: {  	v26 =	vadd.f32 v27, v26;
	v27 =	vmul.f32 v60, v24;
	_ =	sdelay $0x1  }
0x162: {  	v26 =	vadd.f32 v27, v26;
	_ =	sdelay $0x1  }
0x163: {  	s10 =	sor.u32 s26, s9;
	[tilespmem:$0x105B0] =	vst v26  }
0x164: {  	v26 =	vld [tilespmem:s10+$0x400]  }
0x165: {  	v27 =	vld [tilespmem:s10+$0x8400]  }
0x166: {  	v61 =	vld [tilespmem:s10+$0x410]  }
0x167: {  	v62 =	vld [tilespmem:s10+$0x8410]  }
0x168: {  	v63 =	vld [tilespmem:s10+$0x420]  }
0x169: {  	v36 =	vld [tilespmem:s10+$0x8420]  }
0x16a: {  	v37 =	vld [tilespmem:s10+$0x8430];
	v26 =	vmul.f32 v27, v26  }
0x16b: {  	v27 =	vld [tilespmem:s10+$0x430]  }
0x16c: {  	v38 =	vld [tilespmem:s10+$0x440];
	v28 =	vmul.f32 v62, v61;
	v26 =	vmul.f32 v26, v17  }
0x16d: {  	v39 =	vld [tilespmem:s10+$0x8440]  }
0x16e: {  	v40 =	vld [tilespmem:s10+$0x450];
	v30 =	vmul.f32 v36, v63;
	v28 =	vmul.f32 v28, v18;
	v26 =	vadd.f32 $0.0e+00, v26  }
0x16f: {  	v41 =	vld [tilespmem:s10+$0x8450]  }
0x170: {  	v43 =	vld [tilespmem:s10+$0x460];
	v42 =	vmul.f32 v30, v19;
	v27 =	vmul.f32 v37, v27;
	v26 =	vadd.f32 v28, v26  }
0x171: {  	v44 =	vld [tilespmem:s10+$0x8460]  }
0x172: {  	v46 =	vld [tilespmem:s10+$0x470];
	v45 =	vmul.f32 v39, v38;
	v27 =	vmul.f32 v27, v20;
	v26 =	vadd.f32 v42, v26  }
0x173: {  	v47 =	vld [tilespmem:s10+$0x8470]  }
0x174: {  	v48 =	vmul.f32 v41, v40;
	v26 =	vadd.f32 v27, v26;
	v27 =	vmul.f32 v45, v21;
	_ =	sdelay $0x1  }
0x175: {  	v49 =	vmul.f32 v44, v43;
	v26 =	vadd.f32 v27, v26;
	v27 =	vmul.f32 v48, v22;
	_ =	sdelay $0x1  }
0x176: {  	v50 =	vmul.f32 v47, v46;
	v26 =	vadd.f32 v27, v26;
	v27 =	vmul.f32 v49, v23;
	_ =	sdelay $0x1  }
0x177: {  	v26 =	vadd.f32 v27, v26;
	v27 =	vmul.f32 v50, v24;
	_ =	sdelay $0x1  }
0x178: {  	v26 =	vadd.f32 v27, v26;
	_ =	sdelay $0x1  }
0x179: {  	s10 =	sor.u32 s11, s9;
	[tilespmem:$0x105C0] =	vst v26  }
0x17a: {  	v26 =	vld [tilespmem:s10+$0x400]  }
0x17b: {  	v27 =	vld [tilespmem:s10+$0x8400]  }
0x17c: {  	v51 =	vld [tilespmem:s10+$0x410]  }
0x17d: {  	v52 =	vld [tilespmem:s10+$0x8410]  }
0x17e: {  	v53 =	vld [tilespmem:s10+$0x420]  }
0x17f: {  	v54 =	vld [tilespmem:s10+$0x8420]  }
0x180: {  	v55 =	vld [tilespmem:s10+$0x8430];
	v26 =	vmul.f32 v27, v26  }
0x181: {  	v27 =	vld [tilespmem:s10+$0x430]  }
0x182: {  	v56 =	vld [tilespmem:s10+$0x440];
	v28 =	vmul.f32 v52, v51;
	v26 =	vmul.f32 v26, v17  }
0x183: {  	v57 =	vld [tilespmem:s10+$0x8440]  }
0x184: {  	v58 =	vld [tilespmem:s10+$0x450];
	v30 =	vmul.f32 v54, v53;
	v28 =	vmul.f32 v28, v18;
	v26 =	vadd.f32 $0.0e+00, v26  }
0x185: {  	v59 =	vld [tilespmem:s10+$0x8450]  }
0x186: {  	v61 =	vld [tilespmem:s10+$0x460];
	v60 =	vmul.f32 v30, v19;
	v27 =	vmul.f32 v55, v27;
	v26 =	vadd.f32 v28, v26  }
0x187: {  	v62 =	vld [tilespmem:s10+$0x8460]  }
0x188: {  	v36 =	vld [tilespmem:s10+$0x470];
	v63 =	vmul.f32 v57, v56;
	v27 =	vmul.f32 v27, v20;
	v26 =	vadd.f32 v60, v26  }
0x189: {  	v37 =	vld [tilespmem:s10+$0x8470]  }
0x18a: {  	v38 =	vmul.f32 v59, v58;
	v26 =	vadd.f32 v27, v26;
	v27 =	vmul.f32 v63, v21;
	_ =	sdelay $0x1  }
0x18b: {  	v39 =	vmul.f32 v62, v61;
	v26 =	vadd.f32 v27, v26;
	v27 =	vmul.f32 v38, v22;
	_ =	sdelay $0x1  }
0x18c: {  	v40 =	vmul.f32 v37, v36;
	v26 =	vadd.f32 v27, v26;
	v27 =	vmul.f32 v39, v23;
	_ =	sdelay $0x1  }
0x18d: {  	v26 =	vadd.f32 v27, v26;
	v27 =	vmul.f32 v40, v24;
	_ =	sdelay $0x1  }
0x18e: {  	v26 =	vadd.f32 v27, v26;
	_ =	sdelay $0x1  }
0x18f: {  	s10 =	sor.u32 s6, s9;
	[tilespmem:$0x105D0] =	vst v26  }
0x190: {  	v26 =	vld [tilespmem:s10+$0x400]  }
0x191: {  	v27 =	vld [tilespmem:s10+$0x8400]  }
0x192: {  	v41 =	vld [tilespmem:s10+$0x410]  }
0x193: {  	v42 =	vld [tilespmem:s10+$0x8410]  }
0x194: {  	v43 =	vld [tilespmem:s10+$0x420]  }
0x195: {  	v44 =	vld [tilespmem:s10+$0x8420]  }
0x196: {  	v45 =	vld [tilespmem:s10+$0x8430];
	v26 =	vmul.f32 v27, v26  }
0x197: {  	v27 =	vld [tilespmem:s10+$0x430]  }
0x198: {  	v46 =	vld [tilespmem:s10+$0x440];
	v28 =	vmul.f32 v42, v41;
	v26 =	vmul.f32 v26, v17  }
0x199: {  	v47 =	vld [tilespmem:s10+$0x8440]  }
0x19a: {  	v48 =	vld [tilespmem:s10+$0x450];
	v30 =	vmul.f32 v44, v43;
	v28 =	vmul.f32 v28, v18;
	v26 =	vadd.f32 $0.0e+00, v26  }
0x19b: {  	v49 =	vld [tilespmem:s10+$0x8450]  }
0x19c: {  	v51 =	vld [tilespmem:s10+$0x460];
	v50 =	vmul.f32 v30, v19;
	v27 =	vmul.f32 v45, v27;
	v26 =	vadd.f32 v28, v26  }
0x19d: {  	v52 =	vld [tilespmem:s10+$0x8460]  }
0x19e: {  	v54 =	vld [tilespmem:s10+$0x470];
	v53 =	vmul.f32 v47, v46;
	v27 =	vmul.f32 v27, v20;
	v26 =	vadd.f32 v50, v26  }
0x19f: {  	v55 =	vld [tilespmem:s10+$0x8470]  }
0x1a0: {  	v56 =	vmul.f32 v49, v48;
	v26 =	vadd.f32 v27, v26;
	v27 =	vmul.f32 v53, v21;
	_ =	sdelay $0x1  }
0x1a1: {  	v57 =	vmul.f32 v52, v51;
	v26 =	vadd.f32 v27, v26;
	v27 =	vmul.f32 v56, v22;
	_ =	sdelay $0x1  }
0x1a2: {  	v58 =	vmul.f32 v55, v54;
	v26 =	vadd.f32 v27, v26;
	v27 =	vmul.f32 v57, v23;
	_ =	sdelay $0x1  }
0x1a3: {  	v26 =	vadd.f32 v27, v26;
	v27 =	vmul.f32 v58, v24;
	_ =	sdelay $0x1  }
0x1a4: {  	v26 =	vadd.f32 v27, v26;
	_ =	sdelay $0x1  }
0x1a5: {  	s9 =	sor.u32 s7, s9;
	[tilespmem:$0x105E0] =	vst v26  }
0x1a6: {  	v26 =	vld [tilespmem:s9+$0x400]  }
0x1a7: {  	v27 =	vld [tilespmem:s9+$0x8400]  }
0x1a8: {  	v59 =	vld [tilespmem:s9+$0x410]  }
0x1a9: {  	v60 =	vld [tilespmem:s9+$0x8410]  }
0x1aa: {  	v61 =	vld [tilespmem:s9+$0x420]  }
0x1ab: {  	v62 =	vld [tilespmem:s9+$0x8420]  }
0x1ac: {  	v63 =	vld [tilespmem:s9+$0x8430];
	v26 =	vmul.f32 v27, v26  }
0x1ad: {  	v27 =	vld [tilespmem:s9+$0x430]  }
0x1ae: {  	v36 =	vld [tilespmem:s9+$0x440];
	v28 =	vmul.f32 v60, v59;
	v26 =	vmul.f32 v26, v17  }
0x1af: {  	v37 =	vld [tilespmem:s9+$0x8440]  }
0x1b0: {  	v38 =	vld [tilespmem:s9+$0x450];
	v30 =	vmul.f32 v62, v61;
	v28 =	vmul.f32 v28, v18;
	v26 =	vadd.f32 $0.0e+00, v26  }
0x1b1: {  	v39 =	vld [tilespmem:s9+$0x8450]  }
0x1b2: {  	v41 =	vld [tilespmem:s9+$0x460];
	v40 =	vmul.f32 v30, v19;
	v27 =	vmul.f32 v63, v27;
	v26 =	vadd.f32 v28, v26  }
0x1b3: {  	v42 =	vld [tilespmem:s9+$0x8460]  }
0x1b4: {  	v44 =	vld [tilespmem:s9+$0x470];
	v43 =	vmul.f32 v37, v36;
	v27 =	vmul.f32 v27, v20;
	v26 =	vadd.f32 v40, v26  }
0x1b5: {  	v45 =	vld [tilespmem:s9+$0x8470]  }
0x1b6: {  	v46 =	vmul.f32 v39, v38;
	v26 =	vadd.f32 v27, v26;
	v27 =	vmul.f32 v43, v21;
	_ =	sdelay $0x1  }
0x1b7: {  	v47 =	vmul.f32 v42, v41;
	v26 =	vadd.f32 v27, v26;
	v27 =	vmul.f32 v46, v22;
	_ =	sdelay $0x1  }
0x1b8: {  	v48 =	vmul.f32 v45, v44;
	v26 =	vadd.f32 v27, v26;
	v27 =	vmul.f32 v47, v23;
	_ =	sdelay $0x1  }
0x1b9: {  	v26 =	vadd.f32 v27, v26;
	v27 =	vmul.f32 v48, v24;
	_ =	sdelay $0x1  }
0x1ba: {  	v26 =	vadd.f32 v27, v26;
	_ =	sdelay $0x1  }
0x1bb: {  	[tilespmem:$0x105F0] =	vst v26  }
0x1bc: {  	v26 =	vld.idx.msk [tilespmem:v0+s25+$0x0], $0xffff  }
0x1bd: {  	v27 =	vld.idx.msk [tilespmem:v1+s25+$0x0], $0xffff  }
0x1be: {  	v49 =	vld.idx.msk [tilespmem:v2+s25+$0x0], $0xffff  }
0x1bf: {  	v50 =	vld.idx.msk [tilespmem:v3+s25+$0x0], $0xffff  }
0x1c0: {  	v51 =	vld.idx.msk [tilespmem:v4+s25+$0x0], $0xffff  }
0x1c1: {  	v52 =	vld.idx.msk [tilespmem:v5+s25+$0x0], $0xffff  }
0x1c2: {  	v53 =	vld.idx.msk [tilespmem:v6+s25+$0x0], $0xffff  }
0x1c3: {  	v54 =	vld.idx.msk [tilespmem:v7+s25+$0x0], $0xffff  }
0x1c4: {  	v55 =	vld.idx.msk [tilespmem:v8+s25+$0x0], $0xffff  }
0x1c5: {  	v35 =	vld.idx.msk [tilespmem:v9+s25+$0x0], $0xffff  }
0x1c6: {  	v36 =	vld.idx.msk [tilespmem:v10+s25+$0x0], $0xffff  }
0x1c7: {  	v37 =	vld.idx.msk [tilespmem:v11+s25+$0x0], $0xffff  }
0x1c8: {  	v38 =	vld.idx.msk [tilespmem:v12+s25+$0x0], $0xffff  }
0x1c9: {  	v39 =	vld.idx.msk [tilespmem:v13+s25+$0x0], $0xffff  }
0x1ca: {  	v40 =	vld.idx.msk [tilespmem:v14+s25+$0x0], $0xffff  }
0x1cb: {  	v41 =	vld.idx.msk [tilespmem:v15+s25+$0x0], $0xffff;
	_ =	sdelay $0x1  }
0x1cc: {  	v26 =	vadd.f32 v27, v26;
	v27 =	vadd.f32 v50, v49  }
0x1cd: {  	v56 =	vadd.f32 v52, v51;
	v57 =	vadd.f32 v54, v53  }
0x1ce: {  	v58 =	vadd.f32 v35, v55;
	v59 =	vadd.f32 v37, v36  }
0x1cf: {  	v60 =	vadd.f32 v39, v38;
	v61 =	vadd.f32 v41, v40  }
0x1d0: {  	v26 =	vadd.f32 v27, v26;
	v27 =	vadd.f32 v57, v56  }
0x1d1: {  	v62 =	vadd.f32 v59, v58;
	v63 =	vadd.f32 v61, v60;
	_ =	sdelay $0x1  }
0x1d2: {  	v26 =	vadd.f32 v27, v26;
	v27 =	vadd.f32 v63, v62  }
0x1d3: {  	p1 =	por p0, p0  }
.Ltmp0:
0x1d4: {  	v26 =	vadd.f32 v27, v26;
	(pc) =	sbr.rel @p1 .LBB2_3-.Ltmp0, $4  }
0x1d5: {  	_ = 	snop  }
0x1d6: {  	s10 =	sshll.u32 s8, $0x4;
	v26 =	vadd.f32 v26, v16  }
0x1d7: {  	s8 =	sand.u32 $0x3FFFFFF0, s10  }
0x1d8: {  	p0 =	por $0x0, $0x0;
	[tilespmem:v25+s8+$0x0 ss:$0x1] =	vst.idx.msk $0xffff, v26;
	s8 =	simm.s32 $0x1  }
0x1d9: {  	s30 =	sadd.s32 $0x1, s30  }
0x1da: {  	p0 =	sne.s32 s30, $0x10  }
.Ltmp1:
0x1db: {  	_ = 	snop;
	(pc) =	sbr.rel @p0 .LBB2_2-.Ltmp1, $1  }
0x1dc: {  	_ =	sdelay $0x3  }
0x1dd: {  	s0 =	rddreg [dreg:$0xb];
	s3 =	simm.s32 $0x10600  }
0x1de: {  	[hbm4b:s0+s5] =	stream.linear.scatter [tilespmem:s3], [sflag:$0x15], $0x200, $0x38;
	[tilespmem:$0x10800] =	vst v63  }
0x1df: {  	_ =	swait.ge [sflag:s28], $0x200  }
0x1e0: {  	s29 =	sadd.s32 $0x1, s29;
	s31 =	rddreg [dreg:$0xc]  }
0x1e1: {  	p0 =	sne.s32 s29, s31  }
.Ltmp2:
0x1e2: {  	_ = 	snop;
	(pc) =	sbr.rel @p0 .LBB2_1-.Ltmp2, $3  }
0x1e3: {  	_ =	sdelay $0x1  }
0x1e4: {  	[sflag:s28] =	ssyncset.done $0x0  }
0x1e5: {  	[sflag:s28] =	ssyncadd.s32 $0xFFFFFE00  }
0x1e6: {  	_ =	sfence.sel $0x180000  }
0x1e7: {  	[bflag:$0x0] =	sbarrier.arrive $0xFFFF  }
0x1e8: {  	_ =	strace $0x90000047  }
0x1e9: {  	s0 =	stileid.u32;
	[bflag:$0x2] =	sbarrier.arrive $0xFFFF  }
0x1ea: {  	p0 =	sne.s32 s0, $0x0;
	s0 =	rddreg [dreg:$0x7]  }
0x1eb: {  	s0 =	sadd.s32 @!p0 $0x100000, s0  }
0x1ec: {  	[sflag:s0] =	ssyncadd.tile.s32 @!p0 $0x1;
	_ =	shalt  }
.Lfunc_end2:
_tile_overlayer_lowered:
.L_overlay_start_2:
0x1ed: {  	(tag) =	ssettag $0x2  }
0x1ee: {  	s0 =	rddreg [dreg:$0x0];
	s2 =	stileid.u32  }
0x1ef: {  	s1 =	rddreg [dreg:$0x1];
	p0 =	sne.s32 s2, $0x0  }
0x1f0: {  	s3 =	rddreg [dreg:$0x2];
	[bflag:$0x3] =	sbarrier.arrive $0xFFFF;
	s2 =	simm.s32 @!p0 $0x1C15  }
0x1f1: {  	[timem:s3], [sflag:s2] =	dma.local @!p0 [hbm:s0], s1  }
0x1f2: {  	s0 =	simm.s32 @!p0 $0x15  }
0x1f3: {  	_ =	swait.ge @!p0 [sflag:s0], s1  }
0x1f4: {  	s1 =	ssub.s32 @!p0 $0x0, s1;
	[sflag:s0] =	ssyncset.done @!p0 $0x0  }
0x1f5: {  	[sflag:s0] =	ssyncadd.s32 @!p0 s1  }
0x1f6: {  	[bflag:$0x3] =	sbarrier.arrive $0xFFFF  }
0x1f7: {  	_ =	shalt  }

</sc_bundles>
